<compile_context>
chip_gen: v7x
topology: tpu7x:2x2x1
jax: 0.10.2.dev20260603
libtpu: 0.0.44.dev20260713+nightly
codegen_flags: <defaults>
</compile_context>

<pallas_src>
import functools

import jax
import jax.numpy as jnp
from jax import lax
from jax.experimental import pallas as pl
from jax.experimental.pallas import tpu as pltpu
from jax.experimental.pallas import tpu_sc as plsc

MAX_POS = 2048
DEPTH = 4
TABLE_SIZE = (MAX_POS + 1) * DEPTH
TABLE_PAD = 8200

NC = 2
NS = 16
NW = NC * NS

ROWS = 16384
COLS = 200
ROWS_W = ROWS // NW
CI = 256
JB = 25
NSTEP = (ROWS_W // CI) * (COLS // JB)
GROUPS = JB * (CI // 16)


def _build():
    mesh = plsc.VectorSubcoreMesh(core_axis_name="c", subcore_axis_name="s")

    @functools.partial(
        pl.kernel,
        mesh=mesh,
        compiler_params=pltpu.CompilerParams(needs_layout_passes=False),
        out_type=jax.ShapeDtypeStruct((ROWS * COLS * DEPTH,), jnp.float32),
        scratch_types=[
            pltpu.VMEM((TABLE_PAD,), jnp.float32),
            pltpu.VMEM((CI * COLS,), jnp.int32),
            pltpu.VMEM((JB * CI * DEPTH,), jnp.float32),
            pltpu.VMEM((JB * CI * DEPTH,), jnp.float32),
            pltpu.SemaphoreType.DMA,
            pltpu.SemaphoreType.DMA,
        ],
    )
    def k(table_hbm, pos_hbm, out_hbm, table_v, pos_v, out_v0, out_v1,
          sout0, sout1):
        wid = lax.axis_index("s") * NC + lax.axis_index("c")
        i0 = wid * ROWS_W
        pltpu.sync_copy(table_hbm, table_v)
        iota = lax.iota(jnp.int32, 16)
        iota_c = iota * COLS

        out_bufs = (out_v0, out_v1)
        souts = (sout0, sout1)

        def compute(jb, b):
            out_b = out_bufs[b]

            @plsc.parallel_loop(0, GROUPS, unroll=8)
            def _(t):
                jl = t >> 4
                g = t - (jl << 4)
                row0 = g * 16
                base = row0 * COLS + jb * JB + jl
                p = plsc.load_gather(pos_v, [base + iota_c])
                p = jnp.minimum(jnp.maximum(p, 0), MAX_POS)
                a = p * DEPTH
                g3 = g >> 3
                off = jl * 1024 + g3 * 512 + (g - (g3 << 3)) * 16
                for d in range(DEPTH):
                    v = plsc.load_gather(table_v, [a + d])
                    out_b[pl.ds(off + d * 128, 16)] = v

        BLK = CI * DEPTH

        def fire_out(jb, ci, b):
            out_b = out_bufs[b]
            base = (jb * JB) * (ROWS * DEPTH) + wid * 2048 + ci * BLK
            for q in range(JB):
                pltpu.async_copy(
                    out_b.at[pl.ds(q * BLK, BLK)],
                    out_hbm.at[pl.ds(base + q * (ROWS * DEPTH), BLK)],
                    souts[b])

        def drain_out(b):
            for _ in range(JB):
                pltpu.make_async_copy(
                    out_bufs[b].at[pl.ds(0, BLK)], out_hbm.at[pl.ds(0, BLK)],
                    souts[b]).wait()

        def step(s2, carry):
            for b in range(2):
                s = s2 * 2 + b
                ci = s >> 3
                jb = s - (ci << 3)

                @pl.when(jb == 0)
                def _():
                    pltpu.sync_copy(
                        pos_hbm.at[pl.ds((i0 + ci * CI) * COLS, CI * COLS)],
                        pos_v)

                @pl.when(s >= 2)
                def _():
                    drain_out(b)

                compute(jb, b)
                fire_out(jb, ci, b)
            return carry

        lax.fori_loop(0, NSTEP // 2, step, 0)
        drain_out(0)
        drain_out(1)

    return k


_sc_lookup = _build()


def kernel(positions, embedding):
    table_flat = jnp.pad(embedding.reshape(-1), (0, TABLE_PAD - TABLE_SIZE))
    out = _sc_lookup(table_flat, positions.reshape(-1))
    return (out.reshape(COLS, ROWS // 128, DEPTH, 128)
            .transpose(1, 3, 0, 2).reshape(ROWS, COLS, DEPTH))

# --- scband reference (transcript-rebuilt; emitter-appended) ---
"""Pipeline reference for scband-position-embedder-10376640987864 (READ-ONLY COPY).

The authoritative reference and input builder live on the scoring server;
editing this copy changes nothing except your own understanding.
"""

import jax, jax.numpy as jnp
import numpy as np

MAX_POS = 2048
DEPTH = 4


def setup_inputs(seed: int = 0) -> dict:
    key = jax.random.key(seed)
    k1, k2 = jax.random.split(key)
    positions = jax.random.randint(k1, (16384, 200), 0, 2500, dtype=jnp.int32)
    # glorot_uniform for shape [MAX_POS + 1, DEPTH]
    fan_in, fan_out = MAX_POS + 1, DEPTH
    limit = float(np.sqrt(6.0 / (fan_in + fan_out)))
    embedding = jax.random.uniform(k2, (MAX_POS + 1, DEPTH), minval=-limit, maxval=limit, dtype=jnp.float32)
    return {"positions": positions, "embedding": embedding}


def reference(positions, embedding):
    # encode(): clamp positions to maximum_position, then embedding lookup
    pos = jnp.minimum(positions, MAX_POS)
    return jnp.take(embedding, pos, axis=0)

if __name__ == "__main__":
    import jax
    _d = setup_inputs()
    print(jax.jit(kernel)(*tuple(_d.values())))

</pallas_src>

<mosaic_0001>
#map = affine_map<(d0, d1) -> (0)>
module attributes {stable_mosaic.version = 14 : i64} {
  func.func @k(%arg0: i32, %arg1: i32, %arg2: memref<8200xf32, #tpu.memory_space<hbm>>, %arg3: memref<3276800xi32, #tpu.memory_space<hbm>>, %arg4: memref<13107200xf32, #tpu.memory_space<hbm>>, %arg5: memref<8200xf32, #tpu.memory_space<vmem>>, %arg6: memref<51200xi32, #tpu.memory_space<vmem>>, %arg7: memref<25600xf32, #tpu.memory_space<vmem>>, %arg8: memref<25600xf32, #tpu.memory_space<vmem>>, %arg9: memref<!tpu.dma_semaphore, #tpu.memory_space<semaphore_mem>>, %arg10: memref<!tpu.dma_semaphore, #tpu.memory_space<semaphore_mem>>) attributes {dimension_semantics = [#tpu.dimension_semantics<core_parallel>, #tpu.dimension_semantics<subcore_parallel>], iteration_bounds = array<i64: 2, 16>, scalar_prefetch = 0 : i64, scratch_operands = 6 : i64, tpu.core_type = #tpu.core_type<sc_vector_subcore>, window_params = [{transform_indices = #map}, {transform_indices = #map}, {transform_indices = #map}]} {
    %mul3A = arith.constant 2 : i32
    %mul3A_0 = arith.muli %arg1, %mul3A : i32
    %add3A = arith.addi %mul3A_0, %arg0 : i32
    %mul3A_1 = arith.constant 512 : i32
    %mul3A_2 = arith.muli %add3A, %mul3A_1 : i32
    "tpu.region"() ({
      %run_scoped3A = tpu.sem_alloc : memref<!tpu.dma_semaphore, #tpu.memory_space<semaphore_mem>>
      tpu.enqueue_dma source(%arg2 : memref<8200xf32, #tpu.memory_space<hbm>>) target(%arg5 : memref<8200xf32, #tpu.memory_space<vmem>>) target_semaphore(%run_scoped3A : memref<!tpu.dma_semaphore, #tpu.memory_space<semaphore_mem>>)
      tpu.wait_dma2 semaphore(%run_scoped3A : memref<!tpu.dma_semaphore, #tpu.memory_space<semaphore_mem>>) src(%arg2 : memref<8200xf32, #tpu.memory_space<hbm>>) dst(%arg5 : memref<8200xf32, #tpu.memory_space<vmem>>)
      tpu.yield
    }) : () -> ()
    %iota3A = tpu.iota {dimensions = array<i32: 0>} : vector<16xi32>
    %mul3A_3 = arith.constant 200 : i32
    %mul3A_4 = vector.broadcast %mul3A_3 : i32 to vector<16xi32>
    %mul3A_5 = arith.muli %iota3A, %mul3A_4 : vector<16xi32>
    %scan3A = arith.constant 0 : i32
    %scan3A_6 = arith.constant 0 : i32
    %scan3A_7 = arith.constant 8 : i32
    %scan3A_8 = arith.addi %scan3A_6, %scan3A_7 : i32
    %scan3A_9 = arith.constant 1 : i32
    scf.for %scan3A_410 = %scan3A_6 to %scan3A_8 step %scan3A_9  : i32 {
      %mul3A_411 = arith.constant 2 : i32
      %mul3A_412 = arith.muli %scan3A_410, %mul3A_411 : i32
      %add3A_413 = arith.constant 0 : i32
      %add3A_414 = arith.addi %mul3A_412, %add3A_413 : i32
      %shift_right_arithmetic3A = arith.constant 3 : i32
      %shift_right_arithmetic3A_415 = arith.shrsi %add3A_414, %shift_right_arithmetic3A : i32
      %shift_left3A = arith.constant 3 : i32
      %shift_left3A_416 = arith.shli %shift_right_arithmetic3A_415, %shift_left3A : i32
      %sub3A = arith.subi %add3A_414, %shift_left3A_416 : i32
      %eq3A = arith.constant 0 : i32
      %eq3A_417 = arith.cmpi eq, %sub3A, %eq3A : i32
      %convert_element_type3A = arith.extui %eq3A_417 : i1 to i32
      %cond3A = arith.constant 0 : i32
      %cond3A_418 = arith.cmpi ne, %convert_element_type3A, %cond3A : i32
      scf.if %cond3A_418 {
        %mul3A_866 = arith.constant 256 : i32
        %mul3A_867 = arith.muli %shift_right_arithmetic3A_415, %mul3A_866 : i32
        %add3A_868 = arith.addi %mul3A_2, %mul3A_867 : i32
        %mul3A_869 = arith.constant 200 : i32
        %mul3A_870 = arith.muli %add3A_868, %mul3A_869 : i32
        "tpu.region"() ({
          %run_scoped3A = tpu.sem_alloc : memref<!tpu.dma_semaphore, #tpu.memory_space<semaphore_mem>>
          %dma_start3A_871 = tpu.memref_slice %arg3[%mul3A_870] : memref<3276800xi32, #tpu.memory_space<hbm>> -> memref<51200xi32, #tpu.memory_space<hbm>>
          %dma_start3A_872 = tpu.memref_slice %arg3[%mul3A_870] : memref<3276800xi32, #tpu.memory_space<hbm>> -> memref<51200xi32, #tpu.memory_space<hbm>>
          tpu.enqueue_dma source(%dma_start3A_872 : memref<51200xi32, #tpu.memory_space<hbm>>) target(%arg6 : memref<51200xi32, #tpu.memory_space<vmem>>) target_semaphore(%run_scoped3A : memref<!tpu.dma_semaphore, #tpu.memory_space<semaphore_mem>>)
          %dma_wait3A_873 = tpu.memref_slice %arg3[%mul3A_870] : memref<3276800xi32, #tpu.memory_space<hbm>> -> memref<51200xi32, #tpu.memory_space<hbm>>
          %dma_wait3A_874 = tpu.memref_slice %arg3[%mul3A_870] : memref<3276800xi32, #tpu.memory_space<hbm>> -> memref<51200xi32, #tpu.memory_space<hbm>>
          tpu.wait_dma2 semaphore(%run_scoped3A : memref<!tpu.dma_semaphore, #tpu.memory_space<semaphore_mem>>) src(%dma_wait3A_874 : memref<51200xi32, #tpu.memory_space<hbm>>) dst(%arg6 : memref<51200xi32, #tpu.memory_space<vmem>>)
          tpu.yield
        }) : () -> ()
      } else {
      }
      %ge3A = arith.constant 2 : i32
      %ge3A_419 = arith.cmpi sge, %add3A_414, %ge3A : i32
      %convert_element_type3A_420 = arith.extui %ge3A_419 : i1 to i32
      %cond3A_421 = arith.constant 0 : i32
      %cond3A_422 = arith.cmpi ne, %convert_element_type3A_420, %cond3A_421 : i32
      scf.if %cond3A_422 {
        %dma_wait3A_866 = arith.constant 0 : i32
        %dma_wait3A_867 = tpu.memref_slice %arg7[%dma_wait3A_866] : memref<25600xf32, #tpu.memory_space<vmem>> -> memref<1024xf32, #tpu.memory_space<vmem>>
        %dma_wait3A_868 = arith.constant 0 : i32
        %dma_wait3A_869 = tpu.memref_slice %arg4[%dma_wait3A_868] : memref<13107200xf32, #tpu.memory_space<hbm>> -> memref<1024xf32, #tpu.memory_space<hbm>>
        %dma_wait3A_870 = arith.constant 0 : i32
        %dma_wait3A_871 = tpu.memref_slice %arg4[%dma_wait3A_870] : memref<13107200xf32, #tpu.memory_space<hbm>> -> memref<1024xf32, #tpu.memory_space<hbm>>
        %dma_wait3A_872 = arith.constant 0 : i32
        %dma_wait3A_873 = tpu.memref_slice %arg7[%dma_wait3A_872] : memref<25600xf32, #tpu.memory_space<vmem>> -> memref<1024xf32, #tpu.memory_space<vmem>>
        tpu.wait_dma2 semaphore(%arg9 : memref<!tpu.dma_semaphore, #tpu.memory_space<semaphore_mem>>) src(%dma_wait3A_873 : memref<1024xf32, #tpu.memory_space<vmem>>) dst(%dma_wait3A_871 : memref<1024xf32, #tpu.memory_space<hbm>>)
        %dma_wait3A_874 = arith.constant 0 : i32
        %dma_wait3A_875 = tpu.memref_slice %arg7[%dma_wait3A_874] : memref<25600xf32, #tpu.memory_space<vmem>> -> memref<1024xf32, #tpu.memory_space<vmem>>
        %dma_wait3A_876 = arith.constant 0 : i32
        %dma_wait3A_877 = tpu.memref_slice %arg4[%dma_wait3A_876] : memref<13107200xf32, #tpu.memory_space<hbm>> -> memref<1024xf32, #tpu.memory_space<hbm>>
        %dma_wait3A_878 = arith.constant 0 : i32
        %dma_wait3A_879 = tpu.memref_slice %arg4[%dma_wait3A_878] : memref<13107200xf32, #tpu.memory_space<hbm>> -> memref<1024xf32, #tpu.memory_space<hbm>>
        %dma_wait3A_880 = arith.constant 0 : i32
        %dma_wait3A_881 = tpu.memref_slice %arg7[%dma_wait3A_880] : memref<25600xf32, #tpu.memory_space<vmem>> -> memref<1024xf32, #tpu.memory_space<vmem>>
        tpu.wait_dma2 semaphore(%arg9 : memref<!tpu.dma_semaphore, #tpu.memory_space<semaphore_mem>>) src(%dma_wait3A_881 : memref<1024xf32, #tpu.memory_space<vmem>>) dst(%dma_wait3A_879 : memref<1024xf32, #tpu.memory_space<hbm>>)
        %dma_wait3A_882 = arith.constant 0 : i32
        %dma_wait3A_883 = tpu.memref_slice %arg7[%dma_wait3A_882] : memref<25600xf32, #tpu.memory_space<vmem>> -> memref<1024xf32, #tpu.memory_space<vmem>>
        %dma_wait3A_884 = arith.constant 0 : i32
        %dma_wait3A_885 = tpu.memref_slice %arg4[%dma_wait3A_884] : memref<13107200xf32, #tpu.memory_space<hbm>> -> memref<1024xf32, #tpu.memory_space<hbm>>
        %dma_wait3A_886 = arith.constant 0 : i32
        %dma_wait3A_887 = tpu.memref_slice %arg4[%dma_wait3A_886] : memref<13107200xf32, #tpu.memory_space<hbm>> -> memref<1024xf32, #tpu.memory_space<hbm>>
        %dma_wait3A_888 = arith.constant 0 : i32
        %dma_wait3A_889 = tpu.memref_slice %arg7[%dma_wait3A_888] : memref<25600xf32, #tpu.memory_space<vmem>> -> memref<1024xf32, #tpu.memory_space<vmem>>
        tpu.wait_dma2 semaphore(%arg9 : memref<!tpu.dma_semaphore, #tpu.memory_space<semaphore_mem>>) src(%dma_wait3A_889 : memref<1024xf32, #tpu.memory_space<vmem>>) dst(%dma_wait3A_887 : memref<1024xf32, #tpu.memory_space<hbm>>)
        %dma_wait3A_890 = arith.constant 0 : i32
        %dma_wait3A_891 = tpu.memref_slice %arg7[%dma_wait3A_890] : memref<25600xf32, #tpu.memory_space<vmem>> -> memref<1024xf32, #tpu.memory_space<vmem>>
        %dma_wait3A_892 = arith.constant 0 : i32
        %dma_wait3A_893 = tpu.memref_slice %arg4[%dma_wait3A_892] : memref<13107200xf32, #tpu.memory_space<hbm>> -> memref<1024xf32, #tpu.memory_space<hbm>>
        %dma_wait3A_894 = arith.constant 0 : i32
        %dma_wait3A_895 = tpu.memref_slice %arg4[%dma_wait3A_894] : memref<13107200xf32, #tpu.memory_space<hbm>> -> memref<1024xf32, #tpu.memory_space<hbm>>
        %dma_wait3A_896 = arith.constant 0 : i32
        %dma_wait3A_897 = tpu.memref_slice %arg7[%dma_wait3A_896] : memref<25600xf32, #tpu.memory_space<vmem>> -> memref<1024xf32, #tpu.memory_space<vmem>>
        tpu.wait_dma2 semaphore(%arg9 : memref<!tpu.dma_semaphore, #tpu.memory_space<semaphore_mem>>) src(%dma_wait3A_897 : memref<1024xf32, #tpu.memory_space<vmem>>) dst(%dma_wait3A_895 : memref<1024xf32, #tpu.memory_space<hbm>>)
        %dma_wait3A_898 = arith.constant 0 : i32
        %dma_wait3A_899 = tpu.memref_slice %arg7[%dma_wait3A_898] : memref<25600xf32, #tpu.memory_space<vmem>> -> memref<1024xf32, #tpu.memory_space<vmem>>
        %dma_wait3A_900 = arith.constant 0 : i32
        %dma_wait3A_901 = tpu.memref_slice %arg4[%dma_wait3A_900] : memref<13107200xf32, #tpu.memory_space<hbm>> -> memref<1024xf32, #tpu.memory_space<hbm>>
        %dma_wait3A_902 = arith.constant 0 : i32
        %dma_wait3A_903 = tpu.memref_slice %arg4[%dma_wait3A_902] : memref<13107200xf32, #tpu.memory_space<hbm>> -> memref<1024xf32, #tpu.memory_space<hbm>>
        %dma_wait3A_904 = arith.constant 0 : i32
        %dma_wait3A_905 = tpu.memref_slice %arg7[%dma_wait3A_904] : memref<25600xf32, #tpu.memory_space<vmem>> -> memref<1024xf32, #tpu.memory_space<vmem>>
        tpu.wait_dma2 semaphore(%arg9 : memref<!tpu.dma_semaphore, #tpu.memory_space<semaphore_mem>>) src(%dma_wait3A_905 : memref<1024xf32, #tpu.memory_space<vmem>>) dst(%dma_wait3A_903 : memref<1024xf32, #tpu.memory_space<hbm>>)
        %dma_wait3A_906 = arith.constant 0 : i32
        %dma_wait3A_907 = tpu.memref_slice %arg7[%dma_wait3A_906] : memref<25600xf32, #tpu.memory_space<vmem>> -> memref<1024xf32, #tpu.memory_space<vmem>>
        %dma_wait3A_908 = arith.constant 0 : i32
        %dma_wait3A_909 = tpu.memref_slice %arg4[%dma_wait3A_908] : memref<13107200xf32, #tpu.memory_space<hbm>> -> memref<1024xf32, #tpu.memory_space<hbm>>
        %dma_wait3A_910 = arith.constant 0 : i32
        %dma_wait3A_911 = tpu.memref_slice %arg4[%dma_wait3A_910] : memref<13107200xf32, #tpu.memory_space<hbm>> -> memref<1024xf32, #tpu.memory_space<hbm>>
        %dma_wait3A_912 = arith.constant 0 : i32
        %dma_wait3A_913 = tpu.memref_slice %arg7[%dma_wait3A_912] : memref<25600xf32, #tpu.memory_space<vmem>> -> memref<1024xf32, #tpu.memory_space<vmem>>
        tpu.wait_dma2 semaphore(%arg9 : memref<!tpu.dma_semaphore, #tpu.memory_space<semaphore_mem>>) src(%dma_wait3A_913 : memref<1024xf32, #tpu.memory_space<vmem>>) dst(%dma_wait3A_911 : memref<1024xf32, #tpu.memory_space<hbm>>)
        %dma_wait3A_914 = arith.constant 0 : i32
        %dma_wait3A_915 = tpu.memref_slice %arg7[%dma_wait3A_914] : memref<25600xf32, #tpu.memory_space<vmem>> -> memref<1024xf32, #tpu.memory_space<vmem>>
        %dma_wait3A_916 = arith.constant 0 : i32
        %dma_wait3A_917 = tpu.memref_slice %arg4[%dma_wait3A_916] : memref<13107200xf32, #tpu.memory_space<hbm>> -> memref<1024xf32, #tpu.memory_space<hbm>>
        %dma_wait3A_918 = arith.constant 0 : i32
        %dma_wait3A_919 = tpu.memref_slice %arg4[%dma_wait3A_918] : memref<13107200xf32, #tpu.memory_space<hbm>> -> memref<1024xf32, #tpu.memory_space<hbm>>
        %dma_wait3A_920 = arith.constant 0 : i32
        %dma_wait3A_921 = tpu.memref_slice %arg7[%dma_wait3A_920] : memref<25600xf32, #tpu.memory_space<vmem>> -> memref<1024xf32, #tpu.memory_space<vmem>>
        tpu.wait_dma2 semaphore(%arg9 : memref<!tpu.dma_semaphore, #tpu.memory_space<semaphore_mem>>) src(%dma_wait3A_921 : memref<1024xf32, #tpu.memory_space<vmem>>) dst(%dma_wait3A_919 : memref<1024xf32, #tpu.memory_space<hbm>>)
        %dma_wait3A_922 = arith.constant 0 : i32
        %dma_wait3A_923 = tpu.memref_slice %arg7[%dma_wait3A_922] : memref<25600xf32, #tpu.memory_space<vmem>> -> memref<1024xf32, #tpu.memory_space<vmem>>
        %dma_wait3A_924 = arith.constant 0 : i32
        %dma_wait3A_925 = tpu.memref_slice %arg4[%dma_wait3A_924] : memref<13107200xf32, #tpu.memory_space<hbm>> -> memref<1024xf32, #tpu.memory_space<hbm>>
        %dma_wait3A_926 = arith.constant 0 : i32
        %dma_wait3A_927 = tpu.memref_slice %arg4[%dma_wait3A_926] : memref<13107200xf32, #tpu.memory_space<hbm>> -> memref<1024xf32, #tpu.memory_space<hbm>>
        %dma_wait3A_928 = arith.constant 0 : i32
        %dma_wait3A_929 = tpu.memref_slice %arg7[%dma_wait3A_928] : memref<25600xf32, #tpu.memory_space<vmem>> -> memref<1024xf32, #tpu.memory_space<vmem>>
        tpu.wait_dma2 semaphore(%arg9 : memref<!tpu.dma_semaphore, #tpu.memory_space<semaphore_mem>>) src(%dma_wait3A_929 : memref<1024xf32, #tpu.memory_space<vmem>>) dst(%dma_wait3A_927 : memref<1024xf32, #tpu.memory_space<hbm>>)
        %dma_wait3A_930 = arith.constant 0 : i32
        %dma_wait3A_931 = tpu.memref_slice %arg7[%dma_wait3A_930] : memref<25600xf32, #tpu.memory_space<vmem>> -> memref<1024xf32, #tpu.memory_space<vmem>>
        %dma_wait3A_932 = arith.constant 0 : i32
        %dma_wait3A_933 = tpu.memref_slice %arg4[%dma_wait3A_932] : memref<13107200xf32, #tpu.memory_space<hbm>> -> memref<1024xf32, #tpu.memory_space<hbm>>
        %dma_wait3A_934 = arith.constant 0 : i32
        %dma_wait3A_935 = tpu.memref_slice %arg4[%dma_wait3A_934] : memref<13107200xf32, #tpu.memory_space<hbm>> -> memref<1024xf32, #tpu.memory_space<hbm>>
        %dma_wait3A_936 = arith.constant 0 : i32
        %dma_wait3A_937 = tpu.memref_slice %arg7[%dma_wait3A_936] : memref<25600xf32, #tpu.memory_space<vmem>> -> memref<1024xf32, #tpu.memory_space<vmem>>
        tpu.wait_dma2 semaphore(%arg9 : memref<!tpu.dma_semaphore, #tpu.memory_space<semaphore_mem>>) src(%dma_wait3A_937 : memref<1024xf32, #tpu.memory_space<vmem>>) dst(%dma_wait3A_935 : memref<1024xf32, #tpu.memory_space<hbm>>)
        %dma_wait3A_938 = arith.constant 0 : i32
        %dma_wait3A_939 = tpu.memref_slice %arg7[%dma_wait3A_938] : memref<25600xf32, #tpu.memory_space<vmem>> -> memref<1024xf32, #tpu.memory_space<vmem>>
        %dma_wait3A_940 = arith.constant 0 : i32
        %dma_wait3A_941 = tpu.memref_slice %arg4[%dma_wait3A_940] : memref<13107200xf32, #tpu.memory_space<hbm>> -> memref<1024xf32, #tpu.memory_space<hbm>>
        %dma_wait3A_942 = arith.constant 0 : i32
        %dma_wait3A_943 = tpu.memref_slice %arg4[%dma_wait3A_942] : memref<13107200xf32, #tpu.memory_space<hbm>> -> memref<1024xf32, #tpu.memory_space<hbm>>
        %dma_wait3A_944 = arith.constant 0 : i32
        %dma_wait3A_945 = tpu.memref_slice %arg7[%dma_wait3A_944] : memref<25600xf32, #tpu.memory_space<vmem>> -> memref<1024xf32, #tpu.memory_space<vmem>>
        tpu.wait_dma2 semaphore(%arg9 : memref<!tpu.dma_semaphore, #tpu.memory_space<semaphore_mem>>) src(%dma_wait3A_945 : memref<1024xf32, #tpu.memory_space<vmem>>) dst(%dma_wait3A_943 : memref<1024xf32, #tpu.memory_space<hbm>>)
        %dma_wait3A_946 = arith.constant 0 : i32
        %dma_wait3A_947 = tpu.memref_slice %arg7[%dma_wait3A_946] : memref<25600xf32, #tpu.memory_space<vmem>> -> memref<1024xf32, #tpu.memory_space<vmem>>
        %dma_wait3A_948 = arith.constant 0 : i32
        %dma_wait3A_949 = tpu.memref_slice %arg4[%dma_wait3A_948] : memref<13107200xf32, #tpu.memory_space<hbm>> -> memref<1024xf32, #tpu.memory_space<hbm>>
        %dma_wait3A_950 = arith.constant 0 : i32
        %dma_wait3A_951 = tpu.memref_slice %arg4[%dma_wait3A_950] : memref<13107200xf32, #tpu.memory_space<hbm>> -> memref<1024xf32, #tpu.memory_space<hbm>>
        %dma_wait3A_952 = arith.constant 0 : i32
        %dma_wait3A_953 = tpu.memref_slice %arg7[%dma_wait3A_952] : memref<25600xf32, #tpu.memory_space<vmem>> -> memref<1024xf32, #tpu.memory_space<vmem>>
        tpu.wait_dma2 semaphore(%arg9 : memref<!tpu.dma_semaphore, #tpu.memory_space<semaphore_mem>>) src(%dma_wait3A_953 : memref<1024xf32, #tpu.memory_space<vmem>>) dst(%dma_wait3A_951 : memref<1024xf32, #tpu.memory_space<hbm>>)
        %dma_wait3A_954 = arith.constant 0 : i32
        %dma_wait3A_955 = tpu.memref_slice %arg7[%dma_wait3A_954] : memref<25600xf32, #tpu.memory_space<vmem>> -> memref<1024xf32, #tpu.memory_space<vmem>>
        %dma_wait3A_956 = arith.constant 0 : i32
        %dma_wait3A_957 = tpu.memref_slice %arg4[%dma_wait3A_956] : memref<13107200xf32, #tpu.memory_space<hbm>> -> memref<1024xf32, #tpu.memory_space<hbm>>
        %dma_wait3A_958 = arith.constant 0 : i32
        %dma_wait3A_959 = tpu.memref_slice %arg4[%dma_wait3A_958] : memref<13107200xf32, #tpu.memory_space<hbm>> -> memref<1024xf32, #tpu.memory_space<hbm>>
        %dma_wait3A_960 = arith.constant 0 : i32
        %dma_wait3A_961 = tpu.memref_slice %arg7[%dma_wait3A_960] : memref<25600xf32, #tpu.memory_space<vmem>> -> memref<1024xf32, #tpu.memory_space<vmem>>
        tpu.wait_dma2 semaphore(%arg9 : memref<!tpu.dma_semaphore, #tpu.memory_space<semaphore_mem>>) src(%dma_wait3A_961 : memref<1024xf32, #tpu.memory_space<vmem>>) dst(%dma_wait3A_959 : memref<1024xf32, #tpu.memory_space<hbm>>)
        %dma_wait3A_962 = arith.constant 0 : i32
        %dma_wait3A_963 = tpu.memref_slice %arg7[%dma_wait3A_962] : memref<25600xf32, #tpu.memory_space<vmem>> -> memref<1024xf32, #tpu.memory_space<vmem>>
        %dma_wait3A_964 = arith.constant 0 : i32
        %dma_wait3A_965 = tpu.memref_slice %arg4[%dma_wait3A_964] : memref<13107200xf32, #tpu.memory_space<hbm>> -> memref<1024xf32, #tpu.memory_space<hbm>>
        %dma_wait3A_966 = arith.constant 0 : i32
        %dma_wait3A_967 = tpu.memref_slice %arg4[%dma_wait3A_966] : memref<13107200xf32, #tpu.memory_space<hbm>> -> memref<1024xf32, #tpu.memory_space<hbm>>
        %dma_wait3A_968 = arith.constant 0 : i32
        %dma_wait3A_969 = tpu.memref_slice %arg7[%dma_wait3A_968] : memref<25600xf32, #tpu.memory_space<vmem>> -> memref<1024xf32, #tpu.memory_space<vmem>>
        tpu.wait_dma2 semaphore(%arg9 : memref<!tpu.dma_semaphore, #tpu.memory_space<semaphore_mem>>) src(%dma_wait3A_969 : memref<1024xf32, #tpu.memory_space<vmem>>) dst(%dma_wait3A_967 : memref<1024xf32, #tpu.memory_space<hbm>>)
        %dma_wait3A_970 = arith.constant 0 : i32
        %dma_wait3A_971 = tpu.memref_slice %arg7[%dma_wait3A_970] : memref<25600xf32, #tpu.memory_space<vmem>> -> memref<1024xf32, #tpu.memory_space<vmem>>
        %dma_wait3A_972 = arith.constant 0 : i32
        %dma_wait3A_973 = tpu.memref_slice %arg4[%dma_wait3A_972] : memref<13107200xf32, #tpu.memory_space<hbm>> -> memref<1024xf32, #tpu.memory_space<hbm>>
        %dma_wait3A_974 = arith.constant 0 : i32
        %dma_wait3A_975 = tpu.memref_slice %arg4[%dma_wait3A_974] : memref<13107200xf32, #tpu.memory_space<hbm>> -> memref<1024xf32, #tpu.memory_space<hbm>>
        %dma_wait3A_976 = arith.constant 0 : i32
        %dma_wait3A_977 = tpu.memref_slice %arg7[%dma_wait3A_976] : memref<25600xf32, #tpu.memory_space<vmem>> -> memref<1024xf32, #tpu.memory_space<vmem>>
        tpu.wait_dma2 semaphore(%arg9 : memref<!tpu.dma_semaphore, #tpu.memory_space<semaphore_mem>>) src(%dma_wait3A_977 : memref<1024xf32, #tpu.memory_space<vmem>>) dst(%dma_wait3A_975 : memref<1024xf32, #tpu.memory_space<hbm>>)
        %dma_wait3A_978 = arith.constant 0 : i32
        %dma_wait3A_979 = tpu.memref_slice %arg7[%dma_wait3A_978] : memref<25600xf32, #tpu.memory_space<vmem>> -> memref<1024xf32, #tpu.memory_space<vmem>>
        %dma_wait3A_980 = arith.constant 0 : i32
        %dma_wait3A_981 = tpu.memref_slice %arg4[%dma_wait3A_980] : memref<13107200xf32, #tpu.memory_space<hbm>> -> memref<1024xf32, #tpu.memory_space<hbm>>
        %dma_wait3A_982 = arith.constant 0 : i32
        %dma_wait3A_983 = tpu.memref_slice %arg4[%dma_wait3A_982] : memref<13107200xf32, #tpu.memory_space<hbm>> -> memref<1024xf32, #tpu.memory_space<hbm>>
        %dma_wait3A_984 = arith.constant 0 : i32
        %dma_wait3A_985 = tpu.memref_slice %arg7[%dma_wait3A_984] : memref<25600xf32, #tpu.memory_space<vmem>> -> memref<1024xf32, #tpu.memory_space<vmem>>
        tpu.wait_dma2 semaphore(%arg9 : memref<!tpu.dma_semaphore, #tpu.memory_space<semaphore_mem>>) src(%dma_wait3A_985 : memref<1024xf32, #tpu.memory_space<vmem>>) dst(%dma_wait3A_983 : memref<1024xf32, #tpu.memory_space<hbm>>)
        %dma_wait3A_986 = arith.constant 0 : i32
        %dma_wait3A_987 = tpu.memref_slice %arg7[%dma_wait3A_986] : memref<25600xf32, #tpu.memory_space<vmem>> -> memref<1024xf32, #tpu.memory_space<vmem>>
        %dma_wait3A_988 = arith.constant 0 : i32
        %dma_wait3A_989 = tpu.memref_slice %arg4[%dma_wait3A_988] : memref<13107200xf32, #tpu.memory_space<hbm>> -> memref<1024xf32, #tpu.memory_space<hbm>>
        %dma_wait3A_990 = arith.constant 0 : i32
        %dma_wait3A_991 = tpu.memref_slice %arg4[%dma_wait3A_990] : memref<13107200xf32, #tpu.memory_space<hbm>> -> memref<1024xf32, #tpu.memory_space<hbm>>
        %dma_wait3A_992 = arith.constant 0 : i32
        %dma_wait3A_993 = tpu.memref_slice %arg7[%dma_wait3A_992] : memref<25600xf32, #tpu.memory_space<vmem>> -> memref<1024xf32, #tpu.memory_space<vmem>>
        tpu.wait_dma2 semaphore(%arg9 : memref<!tpu.dma_semaphore, #tpu.memory_space<semaphore_mem>>) src(%dma_wait3A_993 : memref<1024xf32, #tpu.memory_space<vmem>>) dst(%dma_wait3A_991 : memref<1024xf32, #tpu.memory_space<hbm>>)
        %dma_wait3A_994 = arith.constant 0 : i32
        %dma_wait3A_995 = tpu.memref_slice %arg7[%dma_wait3A_994] : memref<25600xf32, #tpu.memory_space<vmem>> -> memref<1024xf32, #tpu.memory_space<vmem>>
        %dma_wait3A_996 = arith.constant 0 : i32
        %dma_wait3A_997 = tpu.memref_slice %arg4[%dma_wait3A_996] : memref<13107200xf32, #tpu.memory_space<hbm>> -> memref<1024xf32, #tpu.memory_space<hbm>>
        %dma_wait3A_998 = arith.constant 0 : i32
        %dma_wait3A_999 = tpu.memref_slice %arg4[%dma_wait3A_998] : memref<13107200xf32, #tpu.memory_space<hbm>> -> memref<1024xf32, #tpu.memory_space<hbm>>
        %dma_wait3A_1000 = arith.constant 0 : i32
        %dma_wait3A_1001 = tpu.memref_slice %arg7[%dma_wait3A_1000] : memref<25600xf32, #tpu.memory_space<vmem>> -> memref<1024xf32, #tpu.memory_space<vmem>>
        tpu.wait_dma2 semaphore(%arg9 : memref<!tpu.dma_semaphore, #tpu.memory_space<semaphore_mem>>) src(%dma_wait3A_1001 : memref<1024xf32, #tpu.memory_space<vmem>>) dst(%dma_wait3A_999 : memref<1024xf32, #tpu.memory_space<hbm>>)
        %dma_wait3A_1002 = arith.constant 0 : i32
        %dma_wait3A_1003 = tpu.memref_slice %arg7[%dma_wait3A_1002] : memref<25600xf32, #tpu.memory_space<vmem>> -> memref<1024xf32, #tpu.memory_space<vmem>>
        %dma_wait3A_1004 = arith.constant 0 : i32
        %dma_wait3A_1005 = tpu.memref_slice %arg4[%dma_wait3A_1004] : memref<13107200xf32, #tpu.memory_space<hbm>> -> memref<1024xf32, #tpu.memory_space<hbm>>
        %dma_wait3A_1006 = arith.constant 0 : i32
        %dma_wait3A_1007 = tpu.memref_slice %arg4[%dma_wait3A_1006] : memref<13107200xf32, #tpu.memory_space<hbm>> -> memref<1024xf32, #tpu.memory_space<hbm>>
        %dma_wait3A_1008 = arith.constant 0 : i32
        %dma_wait3A_1009 = tpu.memref_slice %arg7[%dma_wait3A_1008] : memref<25600xf32, #tpu.memory_space<vmem>> -> memref<1024xf32, #tpu.memory_space<vmem>>
        tpu.wait_dma2 semaphore(%arg9 : memref<!tpu.dma_semaphore, #tpu.memory_space<semaphore_mem>>) src(%dma_wait3A_1009 : memref<1024xf32, #tpu.memory_space<vmem>>) dst(%dma_wait3A_1007 : memref<1024xf32, #tpu.memory_space<hbm>>)
        %dma_wait3A_1010 = arith.constant 0 : i32
        %dma_wait3A_1011 = tpu.memref_slice %arg7[%dma_wait3A_1010] : memref<25600xf32, #tpu.memory_space<vmem>> -> memref<1024xf32, #tpu.memory_space<vmem>>
        %dma_wait3A_1012 = arith.constant 0 : i32
        %dma_wait3A_1013 = tpu.memref_slice %arg4[%dma_wait3A_1012] : memref<13107200xf32, #tpu.memory_space<hbm>> -> memref<1024xf32, #tpu.memory_space<hbm>>
        %dma_wait3A_1014 = arith.constant 0 : i32
        %dma_wait3A_1015 = tpu.memref_slice %arg4[%dma_wait3A_1014] : memref<13107200xf32, #tpu.memory_space<hbm>> -> memref<1024xf32, #tpu.memory_space<hbm>>
        %dma_wait3A_1016 = arith.constant 0 : i32
        %dma_wait3A_1017 = tpu.memref_slice %arg7[%dma_wait3A_1016] : memref<25600xf32, #tpu.memory_space<vmem>> -> memref<1024xf32, #tpu.memory_space<vmem>>
        tpu.wait_dma2 semaphore(%arg9 : memref<!tpu.dma_semaphore, #tpu.memory_space<semaphore_mem>>) src(%dma_wait3A_1017 : memref<1024xf32, #tpu.memory_space<vmem>>) dst(%dma_wait3A_1015 : memref<1024xf32, #tpu.memory_space<hbm>>)
        %dma_wait3A_1018 = arith.constant 0 : i32
        %dma_wait3A_1019 = tpu.memref_slice %arg7[%dma_wait3A_1018] : memref<25600xf32, #tpu.memory_space<vmem>> -> memref<1024xf32, #tpu.memory_space<vmem>>
        %dma_wait3A_1020 = arith.constant 0 : i32
        %dma_wait3A_1021 = tpu.memref_slice %arg4[%dma_wait3A_1020] : memref<13107200xf32, #tpu.memory_space<hbm>> -> memref<1024xf32, #tpu.memory_space<hbm>>
        %dma_wait3A_1022 = arith.constant 0 : i32
        %dma_wait3A_1023 = tpu.memref_slice %arg4[%dma_wait3A_1022] : memref<13107200xf32, #tpu.memory_space<hbm>> -> memref<1024xf32, #tpu.memory_space<hbm>>
        %dma_wait3A_1024 = arith.constant 0 : i32
        %dma_wait3A_1025 = tpu.memref_slice %arg7[%dma_wait3A_1024] : memref<25600xf32, #tpu.memory_space<vmem>> -> memref<1024xf32, #tpu.memory_space<vmem>>
        tpu.wait_dma2 semaphore(%arg9 : memref<!tpu.dma_semaphore, #tpu.memory_space<semaphore_mem>>) src(%dma_wait3A_1025 : memref<1024xf32, #tpu.memory_space<vmem>>) dst(%dma_wait3A_1023 : memref<1024xf32, #tpu.memory_space<hbm>>)
        %dma_wait3A_1026 = arith.constant 0 : i32
        %dma_wait3A_1027 = tpu.memref_slice %arg7[%dma_wait3A_1026] : memref<25600xf32, #tpu.memory_space<vmem>> -> memref<1024xf32, #tpu.memory_space<vmem>>
        %dma_wait3A_1028 = arith.constant 0 : i32
        %dma_wait3A_1029 = tpu.memref_slice %arg4[%dma_wait3A_1028] : memref<13107200xf32, #tpu.memory_space<hbm>> -> memref<1024xf32, #tpu.memory_space<hbm>>
        %dma_wait3A_1030 = arith.constant 0 : i32
        %dma_wait3A_1031 = tpu.memref_slice %arg4[%dma_wait3A_1030] : memref<13107200xf32, #tpu.memory_space<hbm>> -> memref<1024xf32, #tpu.memory_space<hbm>>
        %dma_wait3A_1032 = arith.constant 0 : i32
        %dma_wait3A_1033 = tpu.memref_slice %arg7[%dma_wait3A_1032] : memref<25600xf32, #tpu.memory_space<vmem>> -> memref<1024xf32, #tpu.memory_space<vmem>>
        tpu.wait_dma2 semaphore(%arg9 : memref<!tpu.dma_semaphore, #tpu.memory_space<semaphore_mem>>) src(%dma_wait3A_1033 : memref<1024xf32, #tpu.memory_space<vmem>>) dst(%dma_wait3A_1031 : memref<1024xf32, #tpu.memory_space<hbm>>)
        %dma_wait3A_1034 = arith.constant 0 : i32
        %dma_wait3A_1035 = tpu.memref_slice %arg7[%dma_wait3A_1034] : memref<25600xf32, #tpu.memory_space<vmem>> -> memref<1024xf32, #tpu.memory_space<vmem>>
        %dma_wait3A_1036 = arith.constant 0 : i32
        %dma_wait3A_1037 = tpu.memref_slice %arg4[%dma_wait3A_1036] : memref<13107200xf32, #tpu.memory_space<hbm>> -> memref<1024xf32, #tpu.memory_space<hbm>>
        %dma_wait3A_1038 = arith.constant 0 : i32
        %dma_wait3A_1039 = tpu.memref_slice %arg4[%dma_wait3A_1038] : memref<13107200xf32, #tpu.memory_space<hbm>> -> memref<1024xf32, #tpu.memory_space<hbm>>
        %dma_wait3A_1040 = arith.constant 0 : i32
        %dma_wait3A_1041 = tpu.memref_slice %arg7[%dma_wait3A_1040] : memref<25600xf32, #tpu.memory_space<vmem>> -> memref<1024xf32, #tpu.memory_space<vmem>>
        tpu.wait_dma2 semaphore(%arg9 : memref<!tpu.dma_semaphore, #tpu.memory_space<semaphore_mem>>) src(%dma_wait3A_1041 : memref<1024xf32, #tpu.memory_space<vmem>>) dst(%dma_wait3A_1039 : memref<1024xf32, #tpu.memory_space<hbm>>)
        %dma_wait3A_1042 = arith.constant 0 : i32
        %dma_wait3A_1043 = tpu.memref_slice %arg7[%dma_wait3A_1042] : memref<25600xf32, #tpu.memory_space<vmem>> -> memref<1024xf32, #tpu.memory_space<vmem>>
        %dma_wait3A_1044 = arith.constant 0 : i32
        %dma_wait3A_1045 = tpu.memref_slice %arg4[%dma_wait3A_1044] : memref<13107200xf32, #tpu.memory_space<hbm>> -> memref<1024xf32, #tpu.memory_space<hbm>>
        %dma_wait3A_1046 = arith.constant 0 : i32
        %dma_wait3A_1047 = tpu.memref_slice %arg4[%dma_wait3A_1046] : memref<13107200xf32, #tpu.memory_space<hbm>> -> memref<1024xf32, #tpu.memory_space<hbm>>
        %dma_wait3A_1048 = arith.constant 0 : i32
        %dma_wait3A_1049 = tpu.memref_slice %arg7[%dma_wait3A_1048] : memref<25600xf32, #tpu.memory_space<vmem>> -> memref<1024xf32, #tpu.memory_space<vmem>>
        tpu.wait_dma2 semaphore(%arg9 : memref<!tpu.dma_semaphore, #tpu.memory_space<semaphore_mem>>) src(%dma_wait3A_1049 : memref<1024xf32, #tpu.memory_space<vmem>>) dst(%dma_wait3A_1047 : memref<1024xf32, #tpu.memory_space<hbm>>)
        %dma_wait3A_1050 = arith.constant 0 : i32
        %dma_wait3A_1051 = tpu.memref_slice %arg7[%dma_wait3A_1050] : memref<25600xf32, #tpu.memory_space<vmem>> -> memref<1024xf32, #tpu.memory_space<vmem>>
        %dma_wait3A_1052 = arith.constant 0 : i32
        %dma_wait3A_1053 = tpu.memref_slice %arg4[%dma_wait3A_1052] : memref<13107200xf32, #tpu.memory_space<hbm>> -> memref<1024xf32, #tpu.memory_space<hbm>>
        %dma_wait3A_1054 = arith.constant 0 : i32
        %dma_wait3A_1055 = tpu.memref_slice %arg4[%dma_wait3A_1054] : memref<13107200xf32, #tpu.memory_space<hbm>> -> memref<1024xf32, #tpu.memory_space<hbm>>
        %dma_wait3A_1056 = arith.constant 0 : i32
        %dma_wait3A_1057 = tpu.memref_slice %arg7[%dma_wait3A_1056] : memref<25600xf32, #tpu.memory_space<vmem>> -> memref<1024xf32, #tpu.memory_space<vmem>>
        tpu.wait_dma2 semaphore(%arg9 : memref<!tpu.dma_semaphore, #tpu.memory_space<semaphore_mem>>) src(%dma_wait3A_1057 : memref<1024xf32, #tpu.memory_space<vmem>>) dst(%dma_wait3A_1055 : memref<1024xf32, #tpu.memory_space<hbm>>)
        %dma_wait3A_1058 = arith.constant 0 : i32
        %dma_wait3A_1059 = tpu.memref_slice %arg7[%dma_wait3A_1058] : memref<25600xf32, #tpu.memory_space<vmem>> -> memref<1024xf32, #tpu.memory_space<vmem>>
        %dma_wait3A_1060 = arith.constant 0 : i32
        %dma_wait3A_1061 = tpu.memref_slice %arg4[%dma_wait3A_1060] : memref<13107200xf32, #tpu.memory_space<hbm>> -> memref<1024xf32, #tpu.memory_space<hbm>>
        %dma_wait3A_1062 = arith.constant 0 : i32
        %dma_wait3A_1063 = tpu.memref_slice %arg4[%dma_wait3A_1062] : memref<13107200xf32, #tpu.memory_space<hbm>> -> memref<1024xf32, #tpu.memory_space<hbm>>
        %dma_wait3A_1064 = arith.constant 0 : i32
        %dma_wait3A_1065 = tpu.memref_slice %arg7[%dma_wait3A_1064] : memref<25600xf32, #tpu.memory_space<vmem>> -> memref<1024xf32, #tpu.memory_space<vmem>>
        tpu.wait_dma2 semaphore(%arg9 : memref<!tpu.dma_semaphore, #tpu.memory_space<semaphore_mem>>) src(%dma_wait3A_1065 : memref<1024xf32, #tpu.memory_space<vmem>>) dst(%dma_wait3A_1063 : memref<1024xf32, #tpu.memory_space<hbm>>)
      } else {
      }
      %parallel_loop3A = arith.constant 0 : i32
      %parallel_loop3A_423 = arith.constant 400 : i32
      %parallel_loop3A_424 = arith.constant 1 : i32
      scf.for %parallel_loop3A_866 = %parallel_loop3A to %parallel_loop3A_423 step %parallel_loop3A_424  : i32 {
        %parallel_loop3A_867 = arith.constant 4 : i32
        %parallel_loop3A_868 = arith.shrsi %parallel_loop3A_866, %parallel_loop3A_867 : i32
        %parallel_loop3A_869 = arith.constant 4 : i32
        %parallel_loop3A_870 = arith.shli %parallel_loop3A_868, %parallel_loop3A_869 : i32
        %parallel_loop3A_871 = arith.subi %parallel_loop3A_866, %parallel_loop3A_870 : i32
        %parallel_loop3A_872 = arith.constant 16 : i32
        %parallel_loop3A_873 = arith.muli %parallel_loop3A_871, %parallel_loop3A_872 : i32
        %parallel_loop3A_874 = arith.constant 200 : i32
        %parallel_loop3A_875 = arith.muli %parallel_loop3A_873, %parallel_loop3A_874 : i32
        %parallel_loop3A_876 = arith.constant 25 : i32
        %parallel_loop3A_877 = arith.muli %sub3A, %parallel_loop3A_876 : i32
        %parallel_loop3A_878 = arith.addi %parallel_loop3A_875, %parallel_loop3A_877 : i32
        %parallel_loop3A_879 = arith.addi %parallel_loop3A_878, %parallel_loop3A_868 : i32
        %parallel_loop3A_880 = vector.broadcast %parallel_loop3A_879 : i32 to vector<16xi32>
        %parallel_loop3A_881 = arith.addi %parallel_loop3A_880, %mul3A_5 : vector<16xi32>
        %parallel_loop3A_882 = tpu.vector_load_idx %arg6[%parallel_loop3A_881] : memref<51200xi32, #tpu.memory_space<vmem>>[vector<16xi32>], vector<16xi32>,
        %parallel_loop3A_883 = arith.constant 0 : i32
        %parallel_loop3A_884 = vector.broadcast %parallel_loop3A_883 : i32 to vector<16xi32>
        %parallel_loop3A_885 = arith.maxsi %parallel_loop3A_882, %parallel_loop3A_884 : vector<16xi32>
        %parallel_loop3A_886 = arith.constant 2048 : i32
        %parallel_loop3A_887 = vector.broadcast %parallel_loop3A_886 : i32 to vector<16xi32>
        %parallel_loop3A_888 = arith.minsi %parallel_loop3A_885, %parallel_loop3A_887 : vector<16xi32>
        %parallel_loop3A_889 = arith.constant 4 : i32
        %parallel_loop3A_890 = vector.broadcast %parallel_loop3A_889 : i32 to vector<16xi32>
        %parallel_loop3A_891 = arith.muli %parallel_loop3A_888, %parallel_loop3A_890 : vector<16xi32>
        %parallel_loop3A_892 = arith.constant 3 : i32
        %parallel_loop3A_893 = arith.shrsi %parallel_loop3A_871, %parallel_loop3A_892 : i32
        %parallel_loop3A_894 = arith.constant 1024 : i32
        %parallel_loop3A_895 = arith.muli %parallel_loop3A_868, %parallel_loop3A_894 : i32
        %parallel_loop3A_896 = arith.constant 512 : i32
        %parallel_loop3A_897 = arith.muli %parallel_loop3A_893, %parallel_loop3A_896 : i32
        %parallel_loop3A_898 = arith.addi %parallel_loop3A_895, %parallel_loop3A_897 : i32
        %parallel_loop3A_899 = arith.constant 3 : i32
        %parallel_loop3A_900 = arith.shli %parallel_loop3A_893, %parallel_loop3A_899 : i32
        %parallel_loop3A_901 = arith.subi %parallel_loop3A_871, %parallel_loop3A_900 : i32
        %parallel_loop3A_902 = arith.constant 16 : i32
        %parallel_loop3A_903 = arith.muli %parallel_loop3A_901, %parallel_loop3A_902 : i32
        %parallel_loop3A_904 = arith.addi %parallel_loop3A_898, %parallel_loop3A_903 : i32
        %parallel_loop3A_905 = arith.constant 0 : i32
        %parallel_loop3A_906 = vector.broadcast %parallel_loop3A_905 : i32 to vector<16xi32>
        %parallel_loop3A_907 = arith.addi %parallel_loop3A_891, %parallel_loop3A_906 : vector<16xi32>
        %parallel_loop3A_908 = tpu.vector_load_idx %arg5[%parallel_loop3A_907] : memref<8200xf32, #tpu.memory_space<vmem>>[vector<16xi32>], vector<16xf32>,
        %parallel_loop3A_909 = arith.constant 0 : i32
        %parallel_loop3A_910 = arith.addi %parallel_loop3A_904, %parallel_loop3A_909 : i32
        %parallel_loop3A_911 = arith.index_cast %parallel_loop3A_910 : i32 to index
        %parallel_loop3A_912 = tpu.vector_load %arg7[%parallel_loop3A_911] {strides = array<i32>} : memref<25600xf32, #tpu.memory_space<vmem>>, vector<16xf32>,
        tpu.vector_store %arg7[%parallel_loop3A_911], %parallel_loop3A_908 {strides = array<i32>} : memref<25600xf32, #tpu.memory_space<vmem>>, vector<16xf32>,
        %parallel_loop3A_913 = arith.constant 1 : i32
        %parallel_loop3A_914 = vector.broadcast %parallel_loop3A_913 : i32 to vector<16xi32>
        %parallel_loop3A_915 = arith.addi %parallel_loop3A_891, %parallel_loop3A_914 : vector<16xi32>
        %parallel_loop3A_916 = tpu.vector_load_idx %arg5[%parallel_loop3A_915] : memref<8200xf32, #tpu.memory_space<vmem>>[vector<16xi32>], vector<16xf32>,
        %parallel_loop3A_917 = arith.constant 128 : i32
        %parallel_loop3A_918 = arith.addi %parallel_loop3A_904, %parallel_loop3A_917 : i32
        %parallel_loop3A_919 = arith.index_cast %parallel_loop3A_918 : i32 to index
        %parallel_loop3A_920 = tpu.vector_load %arg7[%parallel_loop3A_919] {strides = array<i32>} : memref<25600xf32, #tpu.memory_space<vmem>>, vector<16xf32>,
        tpu.vector_store %arg7[%parallel_loop3A_919], %parallel_loop3A_916 {strides = array<i32>} : memref<25600xf32, #tpu.memory_space<vmem>>, vector<16xf32>,
        %parallel_loop3A_921 = arith.constant 2 : i32
        %parallel_loop3A_922 = vector.broadcast %parallel_loop3A_921 : i32 to vector<16xi32>
        %parallel_loop3A_923 = arith.addi %parallel_loop3A_891, %parallel_loop3A_922 : vector<16xi32>
        %parallel_loop3A_924 = tpu.vector_load_idx %arg5[%parallel_loop3A_923] : memref<8200xf32, #tpu.memory_space<vmem>>[vector<16xi32>], vector<16xf32>,
        %parallel_loop3A_925 = arith.constant 256 : i32
        %parallel_loop3A_926 = arith.addi %parallel_loop3A_904, %parallel_loop3A_925 : i32
        %parallel_loop3A_927 = arith.index_cast %parallel_loop3A_926 : i32 to index
        %parallel_loop3A_928 = tpu.vector_load %arg7[%parallel_loop3A_927] {strides = array<i32>} : memref<25600xf32, #tpu.memory_space<vmem>>, vector<16xf32>,
        tpu.vector_store %arg7[%parallel_loop3A_927], %parallel_loop3A_924 {strides = array<i32>} : memref<25600xf32, #tpu.memory_space<vmem>>, vector<16xf32>,
        %parallel_loop3A_929 = arith.constant 3 : i32
        %parallel_loop3A_930 = vector.broadcast %parallel_loop3A_929 : i32 to vector<16xi32>
        %parallel_loop3A_931 = arith.addi %parallel_loop3A_891, %parallel_loop3A_930 : vector<16xi32>
        %parallel_loop3A_932 = tpu.vector_load_idx %arg5[%parallel_loop3A_931] : memref<8200xf32, #tpu.memory_space<vmem>>[vector<16xi32>], vector<16xf32>,
        %parallel_loop3A_933 = arith.constant 384 : i32
        %parallel_loop3A_934 = arith.addi %parallel_loop3A_904, %parallel_loop3A_933 : i32
        %parallel_loop3A_935 = arith.index_cast %parallel_loop3A_934 : i32 to index
        %parallel_loop3A_936 = tpu.vector_load %arg7[%parallel_loop3A_935] {strides = array<i32>} : memref<25600xf32, #tpu.memory_space<vmem>>, vector<16xf32>,
        tpu.vector_store %arg7[%parallel_loop3A_935], %parallel_loop3A_932 {strides = array<i32>} : memref<25600xf32, #tpu.memory_space<vmem>>, vector<16xf32>,
      } {sc.loop_unroll_factor = 8 : i64, sc.parallel_access}
      %mul3A_425 = arith.constant 25 : i32
      %mul3A_426 = arith.muli %sub3A, %mul3A_425 : i32
      %mul3A_427 = arith.constant 65536 : i32
      %mul3A_428 = arith.muli %mul3A_426, %mul3A_427 : i32
      %mul3A_429 = arith.constant 2048 : i32
      %mul3A_430 = arith.muli %add3A, %mul3A_429 : i32
      %add3A_431 = arith.addi %mul3A_428, %mul3A_430 : i32
      %mul3A_432 = arith.constant 1024 : i32
      %mul3A_433 = arith.muli %shift_right_arithmetic3A_415, %mul3A_432 : i32
      %add3A_434 = arith.addi %add3A_431, %mul3A_433 : i32
      %add3A_435 = arith.constant 0 : i32
      %add3A_436 = arith.addi %add3A_434, %add3A_435 : i32
      %dma_start3A = arith.constant 0 : i32
      %dma_start3A_437 = tpu.memref_slice %arg7[%dma_start3A] : memref<25600xf32, #tpu.memory_space<vmem>> -> memref<1024xf32, #tpu.memory_space<vmem>>
      %dma_start3A_438 = tpu.memref_slice %arg4[%add3A_436] : memref<13107200xf32, #tpu.memory_space<hbm>> -> memref<1024xf32, #tpu.memory_space<hbm>>
      %dma_start3A_439 = tpu.memref_slice %arg4[%add3A_436] : memref<13107200xf32, #tpu.memory_space<hbm>> -> memref<1024xf32, #tpu.memory_space<hbm>>
      %dma_start3A_440 = arith.constant 0 : i32
      %dma_start3A_441 = tpu.memref_slice %arg7[%dma_start3A_440] : memref<25600xf32, #tpu.memory_space<vmem>> -> memref<1024xf32, #tpu.memory_space<vmem>>
      tpu.enqueue_dma source(%dma_start3A_441 : memref<1024xf32, #tpu.memory_space<vmem>>) target(%dma_start3A_439 : memref<1024xf32, #tpu.memory_space<hbm>>) target_semaphore(%arg9 : memref<!tpu.dma_semaphore, #tpu.memory_space<semaphore_mem>>)
      %add3A_442 = arith.constant 65536 : i32
      %add3A_443 = arith.addi %add3A_434, %add3A_442 : i32
      %dma_start3A_444 = arith.constant 1024 : i32
      %dma_start3A_445 = tpu.memref_slice %arg7[%dma_start3A_444] : memref<25600xf32, #tpu.memory_space<vmem>> -> memref<1024xf32, #tpu.memory_space<vmem>>
      %dma_start3A_446 = tpu.memref_slice %arg4[%add3A_443] : memref<13107200xf32, #tpu.memory_space<hbm>> -> memref<1024xf32, #tpu.memory_space<hbm>>
      %dma_start3A_447 = tpu.memref_slice %arg4[%add3A_443] : memref<13107200xf32, #tpu.memory_space<hbm>> -> memref<1024xf32, #tpu.memory_space<hbm>>
      %dma_start3A_448 = arith.constant 1024 : i32
      %dma_start3A_449 = tpu.memref_slice %arg7[%dma_start3A_448] : memref<25600xf32, #tpu.memory_space<vmem>> -> memref<1024xf32, #tpu.memory_space<vmem>>
      tpu.enqueue_dma source(%dma_start3A_449 : memref<1024xf32, #tpu.memory_space<vmem>>) target(%dma_start3A_447 : memref<1024xf32, #tpu.memory_space<hbm>>) target_semaphore(%arg9 : memref<!tpu.dma_semaphore, #tpu.memory_space<semaphore_mem>>)
      %add3A_450 = arith.constant 131072 : i32
      %add3A_451 = arith.addi %add3A_434, %add3A_450 : i32
      %dma_start3A_452 = arith.constant 2048 : i32
      %dma_start3A_453 = tpu.memref_slice %arg7[%dma_start3A_452] : memref<25600xf32, #tpu.memory_space<vmem>> -> memref<1024xf32, #tpu.memory_space<vmem>>
      %dma_start3A_454 = tpu.memref_slice %arg4[%add3A_451] : memref<13107200xf32, #tpu.memory_space<hbm>> -> memref<1024xf32, #tpu.memory_space<hbm>>
      %dma_start3A_455 = tpu.memref_slice %arg4[%add3A_451] : memref<13107200xf32, #tpu.memory_space<hbm>> -> memref<1024xf32, #tpu.memory_space<hbm>>
      %dma_start3A_456 = arith.constant 2048 : i32
      %dma_start3A_457 = tpu.memref_slice %arg7[%dma_start3A_456] : memref<25600xf32, #tpu.memory_space<vmem>> -> memref<1024xf32, #tpu.memory_space<vmem>>
      tpu.enqueue_dma source(%dma_start3A_457 : memref<1024xf32, #tpu.memory_space<vmem>>) target(%dma_start3A_455 : memref<1024xf32, #tpu.memory_space<hbm>>) target_semaphore(%arg9 : memref<!tpu.dma_semaphore, #tpu.memory_space<semaphore_mem>>)
      %add3A_458 = arith.constant 196608 : i32
      %add3A_459 = arith.addi %add3A_434, %add3A_458 : i32
      %dma_start3A_460 = arith.constant 3072 : i32
      %dma_start3A_461 = tpu.memref_slice %arg7[%dma_start3A_460] : memref<25600xf32, #tpu.memory_space<vmem>> -> memref<1024xf32, #tpu.memory_space<vmem>>
      %dma_start3A_462 = tpu.memref_slice %arg4[%add3A_459] : memref<13107200xf32, #tpu.memory_space<hbm>> -> memref<1024xf32, #tpu.memory_space<hbm>>
      %dma_start3A_463 = tpu.memref_slice %arg4[%add3A_459] : memref<13107200xf32, #tpu.memory_space<hbm>> -> memref<1024xf32, #tpu.memory_space<hbm>>
      %dma_start3A_464 = arith.constant 3072 : i32
      %dma_start3A_465 = tpu.memref_slice %arg7[%dma_start3A_464] : memref<25600xf32, #tpu.memory_space<vmem>> -> memref<1024xf32, #tpu.memory_space<vmem>>
      tpu.enqueue_dma source(%dma_start3A_465 : memref<1024xf32, #tpu.memory_space<vmem>>) target(%dma_start3A_463 : memref<1024xf32, #tpu.memory_space<hbm>>) target_semaphore(%arg9 : memref<!tpu.dma_semaphore, #tpu.memory_space<semaphore_mem>>)
      %add3A_466 = arith.constant 262144 : i32
      %add3A_467 = arith.addi %add3A_434, %add3A_466 : i32
      %dma_start3A_468 = arith.constant 4096 : i32
      %dma_start3A_469 = tpu.memref_slice %arg7[%dma_start3A_468] : memref<25600xf32, #tpu.memory_space<vmem>> -> memref<1024xf32, #tpu.memory_space<vmem>>
      %dma_start3A_470 = tpu.memref_slice %arg4[%add3A_467] : memref<13107200xf32, #tpu.memory_space<hbm>> -> memref<1024xf32, #tpu.memory_space<hbm>>
      %dma_start3A_471 = tpu.memref_slice %arg4[%add3A_467] : memref<13107200xf32, #tpu.memory_space<hbm>> -> memref<1024xf32, #tpu.memory_space<hbm>>
      %dma_start3A_472 = arith.constant 4096 : i32
      %dma_start3A_473 = tpu.memref_slice %arg7[%dma_start3A_472] : memref<25600xf32, #tpu.memory_space<vmem>> -> memref<1024xf32, #tpu.memory_space<vmem>>
      tpu.enqueue_dma source(%dma_start3A_473 : memref<1024xf32, #tpu.memory_space<vmem>>) target(%dma_start3A_471 : memref<1024xf32, #tpu.memory_space<hbm>>) target_semaphore(%arg9 : memref<!tpu.dma_semaphore, #tpu.memory_space<semaphore_mem>>)
      %add3A_474 = arith.constant 327680 : i32
      %add3A_475 = arith.addi %add3A_434, %add3A_474 : i32
      %dma_start3A_476 = arith.constant 5120 : i32
      %dma_start3A_477 = tpu.memref_slice %arg7[%dma_start3A_476] : memref<25600xf32, #tpu.memory_space<vmem>> -> memref<1024xf32, #tpu.memory_space<vmem>>
      %dma_start3A_478 = tpu.memref_slice %arg4[%add3A_475] : memref<13107200xf32, #tpu.memory_space<hbm>> -> memref<1024xf32, #tpu.memory_space<hbm>>
      %dma_start3A_479 = tpu.memref_slice %arg4[%add3A_475] : memref<13107200xf32, #tpu.memory_space<hbm>> -> memref<1024xf32, #tpu.memory_space<hbm>>
      %dma_start3A_480 = arith.constant 5120 : i32
      %dma_start3A_481 = tpu.memref_slice %arg7[%dma_start3A_480] : memref<25600xf32, #tpu.memory_space<vmem>> -> memref<1024xf32, #tpu.memory_space<vmem>>
      tpu.enqueue_dma source(%dma_start3A_481 : memref<1024xf32, #tpu.memory_space<vmem>>) target(%dma_start3A_479 : memref<1024xf32, #tpu.memory_space<hbm>>) target_semaphore(%arg9 : memref<!tpu.dma_semaphore, #tpu.memory_space<semaphore_mem>>)
      %add3A_482 = arith.constant 393216 : i32
      %add3A_483 = arith.addi %add3A_434, %add3A_482 : i32
      %dma_start3A_484 = arith.constant 6144 : i32
      %dma_start3A_485 = tpu.memref_slice %arg7[%dma_start3A_484] : memref<25600xf32, #tpu.memory_space<vmem>> -> memref<1024xf32, #tpu.memory_space<vmem>>
      %dma_start3A_486 = tpu.memref_slice %arg4[%add3A_483] : memref<13107200xf32, #tpu.memory_space<hbm>> -> memref<1024xf32, #tpu.memory_space<hbm>>
      %dma_start3A_487 = tpu.memref_slice %arg4[%add3A_483] : memref<13107200xf32, #tpu.memory_space<hbm>> -> memref<1024xf32, #tpu.memory_space<hbm>>
      %dma_start3A_488 = arith.constant 6144 : i32
      %dma_start3A_489 = tpu.memref_slice %arg7[%dma_start3A_488] : memref<25600xf32, #tpu.memory_space<vmem>> -> memref<1024xf32, #tpu.memory_space<vmem>>
      tpu.enqueue_dma source(%dma_start3A_489 : memref<1024xf32, #tpu.memory_space<vmem>>) target(%dma_start3A_487 : memref<1024xf32, #tpu.memory_space<hbm>>) target_semaphore(%arg9 : memref<!tpu.dma_semaphore, #tpu.memory_space<semaphore_mem>>)
      %add3A_490 = arith.constant 458752 : i32
      %add3A_491 = arith.addi %add3A_434, %add3A_490 : i32
      %dma_start3A_492 = arith.constant 7168 : i32
      %dma_start3A_493 = tpu.memref_slice %arg7[%dma_start3A_492] : memref<25600xf32, #tpu.memory_space<vmem>> -> memref<1024xf32, #tpu.memory_space<vmem>>
      %dma_start3A_494 = tpu.memref_slice %arg4[%add3A_491] : memref<13107200xf32, #tpu.memory_space<hbm>> -> memref<1024xf32, #tpu.memory_space<hbm>>
      %dma_start3A_495 = tpu.memref_slice %arg4[%add3A_491] : memref<13107200xf32, #tpu.memory_space<hbm>> -> memref<1024xf32, #tpu.memory_space<hbm>>
      %dma_start3A_496 = arith.constant 7168 : i32
      %dma_start3A_497 = tpu.memref_slice %arg7[%dma_start3A_496] : memref<25600xf32, #tpu.memory_space<vmem>> -> memref<1024xf32, #tpu.memory_space<vmem>>
      tpu.enqueue_dma source(%dma_start3A_497 : memref<1024xf32, #tpu.memory_space<vmem>>) target(%dma_start3A_495 : memref<1024xf32, #tpu.memory_space<hbm>>) target_semaphore(%arg9 : memref<!tpu.dma_semaphore, #tpu.memory_space<semaphore_mem>>)
      %add3A_498 = arith.constant 524288 : i32
      %add3A_499 = arith.addi %add3A_434, %add3A_498 : i32
      %dma_start3A_500 = arith.constant 8192 : i32
      %dma_start3A_501 = tpu.memref_slice %arg7[%dma_start3A_500] : memref<25600xf32, #tpu.memory_space<vmem>> -> memref<1024xf32, #tpu.memory_space<vmem>>
      %dma_start3A_502 = tpu.memref_slice %arg4[%add3A_499] : memref<13107200xf32, #tpu.memory_space<hbm>> -> memref<1024xf32, #tpu.memory_space<hbm>>
      %dma_start3A_503 = tpu.memref_slice %arg4[%add3A_499] : memref<13107200xf32, #tpu.memory_space<hbm>> -> memref<1024xf32, #tpu.memory_space<hbm>>
      %dma_start3A_504 = arith.constant 8192 : i32
      %dma_start3A_505 = tpu.memref_slice %arg7[%dma_start3A_504] : memref<25600xf32, #tpu.memory_space<vmem>> -> memref<1024xf32, #tpu.memory_space<vmem>>
      tpu.enqueue_dma source(%dma_start3A_505 : memref<1024xf32, #tpu.memory_space<vmem>>) target(%dma_start3A_503 : memref<1024xf32, #tpu.memory_space<hbm>>) target_semaphore(%arg9 : memref<!tpu.dma_semaphore, #tpu.memory_space<semaphore_mem>>)
      %add3A_506 = arith.constant 589824 : i32
      %add3A_507 = arith.addi %add3A_434, %add3A_506 : i32
      %dma_start3A_508 = arith.constant 9216 : i32
      %dma_start3A_509 = tpu.memref_slice %arg7[%dma_start3A_508] : memref<25600xf32, #tpu.memory_space<vmem>> -> memref<1024xf32, #tpu.memory_space<vmem>>
      %dma_start3A_510 = tpu.memref_slice %arg4[%add3A_507] : memref<13107200xf32, #tpu.memory_space<hbm>> -> memref<1024xf32, #tpu.memory_space<hbm>>
      %dma_start3A_511 = tpu.memref_slice %arg4[%add3A_507] : memref<13107200xf32, #tpu.memory_space<hbm>> -> memref<1024xf32, #tpu.memory_space<hbm>>
      %dma_start3A_512 = arith.constant 9216 : i32
      %dma_start3A_513 = tpu.memref_slice %arg7[%dma_start3A_512] : memref<25600xf32, #tpu.memory_space<vmem>> -> memref<1024xf32, #tpu.memory_space<vmem>>
      tpu.enqueue_dma source(%dma_start3A_513 : memref<1024xf32, #tpu.memory_space<vmem>>) target(%dma_start3A_511 : memref<1024xf32, #tpu.memory_space<hbm>>) target_semaphore(%arg9 : memref<!tpu.dma_semaphore, #tpu.memory_space<semaphore_mem>>)
      %add3A_514 = arith.constant 655360 : i32
      %add3A_515 = arith.addi %add3A_434, %add3A_514 : i32
      %dma_start3A_516 = arith.constant 10240 : i32
      %dma_start3A_517 = tpu.memref_slice %arg7[%dma_start3A_516] : memref<25600xf32, #tpu.memory_space<vmem>> -> memref<1024xf32, #tpu.memory_space<vmem>>
      %dma_start3A_518 = tpu.memref_slice %arg4[%add3A_515] : memref<13107200xf32, #tpu.memory_space<hbm>> -> memref<1024xf32, #tpu.memory_space<hbm>>
      %dma_start3A_519 = tpu.memref_slice %arg4[%add3A_515] : memref<13107200xf32, #tpu.memory_space<hbm>> -> memref<1024xf32, #tpu.memory_space<hbm>>
      %dma_start3A_520 = arith.constant 10240 : i32
      %dma_start3A_521 = tpu.memref_slice %arg7[%dma_start3A_520] : memref<25600xf32, #tpu.memory_space<vmem>> -> memref<1024xf32, #tpu.memory_space<vmem>>
      tpu.enqueue_dma source(%dma_start3A_521 : memref<1024xf32, #tpu.memory_space<vmem>>) target(%dma_start3A_519 : memref<1024xf32, #tpu.memory_space<hbm>>) target_semaphore(%arg9 : memref<!tpu.dma_semaphore, #tpu.memory_space<semaphore_mem>>)
      %add3A_522 = arith.constant 720896 : i32
      %add3A_523 = arith.addi %add3A_434, %add3A_522 : i32
      %dma_start3A_524 = arith.constant 11264 : i32
      %dma_start3A_525 = tpu.memref_slice %arg7[%dma_start3A_524] : memref<25600xf32, #tpu.memory_space<vmem>> -> memref<1024xf32, #tpu.memory_space<vmem>>
      %dma_start3A_526 = tpu.memref_slice %arg4[%add3A_523] : memref<13107200xf32, #tpu.memory_space<hbm>> -> memref<1024xf32, #tpu.memory_space<hbm>>
      %dma_start3A_527 = tpu.memref_slice %arg4[%add3A_523] : memref<13107200xf32, #tpu.memory_space<hbm>> -> memref<1024xf32, #tpu.memory_space<hbm>>
      %dma_start3A_528 = arith.constant 11264 : i32
      %dma_start3A_529 = tpu.memref_slice %arg7[%dma_start3A_528] : memref<25600xf32, #tpu.memory_space<vmem>> -> memref<1024xf32, #tpu.memory_space<vmem>>
      tpu.enqueue_dma source(%dma_start3A_529 : memref<1024xf32, #tpu.memory_space<vmem>>) target(%dma_start3A_527 : memref<1024xf32, #tpu.memory_space<hbm>>) target_semaphore(%arg9 : memref<!tpu.dma_semaphore, #tpu.memory_space<semaphore_mem>>)
      %add3A_530 = arith.constant 786432 : i32
      %add3A_531 = arith.addi %add3A_434, %add3A_530 : i32
      %dma_start3A_532 = arith.constant 12288 : i32
      %dma_start3A_533 = tpu.memref_slice %arg7[%dma_start3A_532] : memref<25600xf32, #tpu.memory_space<vmem>> -> memref<1024xf32, #tpu.memory_space<vmem>>
      %dma_start3A_534 = tpu.memref_slice %arg4[%add3A_531] : memref<13107200xf32, #tpu.memory_space<hbm>> -> memref<1024xf32, #tpu.memory_space<hbm>>
      %dma_start3A_535 = tpu.memref_slice %arg4[%add3A_531] : memref<13107200xf32, #tpu.memory_space<hbm>> -> memref<1024xf32, #tpu.memory_space<hbm>>
      %dma_start3A_536 = arith.constant 12288 : i32
      %dma_start3A_537 = tpu.memref_slice %arg7[%dma_start3A_536] : memref<25600xf32, #tpu.memory_space<vmem>> -> memref<1024xf32, #tpu.memory_space<vmem>>
      tpu.enqueue_dma source(%dma_start3A_537 : memref<1024xf32, #tpu.memory_space<vmem>>) target(%dma_start3A_535 : memref<1024xf32, #tpu.memory_space<hbm>>) target_semaphore(%arg9 : memref<!tpu.dma_semaphore, #tpu.memory_space<semaphore_mem>>)
      %add3A_538 = arith.constant 851968 : i32
      %add3A_539 = arith.addi %add3A_434, %add3A_538 : i32
      %dma_start3A_540 = arith.constant 13312 : i32
      %dma_start3A_541 = tpu.memref_slice %arg7[%dma_start3A_540] : memref<25600xf32, #tpu.memory_space<vmem>> -> memref<1024xf32, #tpu.memory_space<vmem>>
      %dma_start3A_542 = tpu.memref_slice %arg4[%add3A_539] : memref<13107200xf32, #tpu.memory_space<hbm>> -> memref<1024xf32, #tpu.memory_space<hbm>>
      %dma_start3A_543 = tpu.memref_slice %arg4[%add3A_539] : memref<13107200xf32, #tpu.memory_space<hbm>> -> memref<1024xf32, #tpu.memory_space<hbm>>
      %dma_start3A_544 = arith.constant 13312 : i32
      %dma_start3A_545 = tpu.memref_slice %arg7[%dma_start3A_544] : memref<25600xf32, #tpu.memory_space<vmem>> -> memref<1024xf32, #tpu.memory_space<vmem>>
      tpu.enqueue_dma source(%dma_start3A_545 : memref<1024xf32, #tpu.memory_space<vmem>>) target(%dma_start3A_543 : memref<1024xf32, #tpu.memory_space<hbm>>) target_semaphore(%arg9 : memref<!tpu.dma_semaphore, #tpu.memory_space<semaphore_mem>>)
      %add3A_546 = arith.constant 917504 : i32
      %add3A_547 = arith.addi %add3A_434, %add3A_546 : i32
      %dma_start3A_548 = arith.constant 14336 : i32
      %dma_start3A_549 = tpu.memref_slice %arg7[%dma_start3A_548] : memref<25600xf32, #tpu.memory_space<vmem>> -> memref<1024xf32, #tpu.memory_space<vmem>>
      %dma_start3A_550 = tpu.memref_slice %arg4[%add3A_547] : memref<13107200xf32, #tpu.memory_space<hbm>> -> memref<1024xf32, #tpu.memory_space<hbm>>
      %dma_start3A_551 = tpu.memref_slice %arg4[%add3A_547] : memref<13107200xf32, #tpu.memory_space<hbm>> -> memref<1024xf32, #tpu.memory_space<hbm>>
      %dma_start3A_552 = arith.constant 14336 : i32
      %dma_start3A_553 = tpu.memref_slice %arg7[%dma_start3A_552] : memref<25600xf32, #tpu.memory_space<vmem>> -> memref<1024xf32, #tpu.memory_space<vmem>>
      tpu.enqueue_dma source(%dma_start3A_553 : memref<1024xf32, #tpu.memory_space<vmem>>) target(%dma_start3A_551 : memref<1024xf32, #tpu.memory_space<hbm>>) target_semaphore(%arg9 : memref<!tpu.dma_semaphore, #tpu.memory_space<semaphore_mem>>)
      %add3A_554 = arith.constant 983040 : i32
      %add3A_555 = arith.addi %add3A_434, %add3A_554 : i32
      %dma_start3A_556 = arith.constant 15360 : i32
      %dma_start3A_557 = tpu.memref_slice %arg7[%dma_start3A_556] : memref<25600xf32, #tpu.memory_space<vmem>> -> memref<1024xf32, #tpu.memory_space<vmem>>
      %dma_start3A_558 = tpu.memref_slice %arg4[%add3A_555] : memref<13107200xf32, #tpu.memory_space<hbm>> -> memref<1024xf32, #tpu.memory_space<hbm>>
      %dma_start3A_559 = tpu.memref_slice %arg4[%add3A_555] : memref<13107200xf32, #tpu.memory_space<hbm>> -> memref<1024xf32, #tpu.memory_space<hbm>>
      %dma_start3A_560 = arith.constant 15360 : i32
      %dma_start3A_561 = tpu.memref_slice %arg7[%dma_start3A_560] : memref<25600xf32, #tpu.memory_space<vmem>> -> memref<1024xf32, #tpu.memory_space<vmem>>
      tpu.enqueue_dma source(%dma_start3A_561 : memref<1024xf32, #tpu.memory_space<vmem>>) target(%dma_start3A_559 : memref<1024xf32, #tpu.memory_space<hbm>>) target_semaphore(%arg9 : memref<!tpu.dma_semaphore, #tpu.memory_space<semaphore_mem>>)
      %add3A_562 = arith.constant 1048576 : i32
      %add3A_563 = arith.addi %add3A_434, %add3A_562 : i32
      %dma_start3A_564 = arith.constant 16384 : i32
      %dma_start3A_565 = tpu.memref_slice %arg7[%dma_start3A_564] : memref<25600xf32, #tpu.memory_space<vmem>> -> memref<1024xf32, #tpu.memory_space<vmem>>
      %dma_start3A_566 = tpu.memref_slice %arg4[%add3A_563] : memref<13107200xf32, #tpu.memory_space<hbm>> -> memref<1024xf32, #tpu.memory_space<hbm>>
      %dma_start3A_567 = tpu.memref_slice %arg4[%add3A_563] : memref<13107200xf32, #tpu.memory_space<hbm>> -> memref<1024xf32, #tpu.memory_space<hbm>>
      %dma_start3A_568 = arith.constant 16384 : i32
      %dma_start3A_569 = tpu.memref_slice %arg7[%dma_start3A_568] : memref<25600xf32, #tpu.memory_space<vmem>> -> memref<1024xf32, #tpu.memory_space<vmem>>
      tpu.enqueue_dma source(%dma_start3A_569 : memref<1024xf32, #tpu.memory_space<vmem>>) target(%dma_start3A_567 : memref<1024xf32, #tpu.memory_space<hbm>>) target_semaphore(%arg9 : memref<!tpu.dma_semaphore, #tpu.memory_space<semaphore_mem>>)
      %add3A_570 = arith.constant 1114112 : i32
      %add3A_571 = arith.addi %add3A_434, %add3A_570 : i32
      %dma_start3A_572 = arith.constant 17408 : i32
      %dma_start3A_573 = tpu.memref_slice %arg7[%dma_start3A_572] : memref<25600xf32, #tpu.memory_space<vmem>> -> memref<1024xf32, #tpu.memory_space<vmem>>
      %dma_start3A_574 = tpu.memref_slice %arg4[%add3A_571] : memref<13107200xf32, #tpu.memory_space<hbm>> -> memref<1024xf32, #tpu.memory_space<hbm>>
      %dma_start3A_575 = tpu.memref_slice %arg4[%add3A_571] : memref<13107200xf32, #tpu.memory_space<hbm>> -> memref<1024xf32, #tpu.memory_space<hbm>>
      %dma_start3A_576 = arith.constant 17408 : i32
      %dma_start3A_577 = tpu.memref_slice %arg7[%dma_start3A_576] : memref<25600xf32, #tpu.memory_space<vmem>> -> memref<1024xf32, #tpu.memory_space<vmem>>
      tpu.enqueue_dma source(%dma_start3A_577 : memref<1024xf32, #tpu.memory_space<vmem>>) target(%dma_start3A_575 : memref<1024xf32, #tpu.memory_space<hbm>>) target_semaphore(%arg9 : memref<!tpu.dma_semaphore, #tpu.memory_space<semaphore_mem>>)
      %add3A_578 = arith.constant 1179648 : i32
      %add3A_579 = arith.addi %add3A_434, %add3A_578 : i32
      %dma_start3A_580 = arith.constant 18432 : i32
      %dma_start3A_581 = tpu.memref_slice %arg7[%dma_start3A_580] : memref<25600xf32, #tpu.memory_space<vmem>> -> memref<1024xf32, #tpu.memory_space<vmem>>
      %dma_start3A_582 = tpu.memref_slice %arg4[%add3A_579] : memref<13107200xf32, #tpu.memory_space<hbm>> -> memref<1024xf32, #tpu.memory_space<hbm>>
      %dma_start3A_583 = tpu.memref_slice %arg4[%add3A_579] : memref<13107200xf32, #tpu.memory_space<hbm>> -> memref<1024xf32, #tpu.memory_space<hbm>>
      %dma_start3A_584 = arith.constant 18432 : i32
      %dma_start3A_585 = tpu.memref_slice %arg7[%dma_start3A_584] : memref<25600xf32, #tpu.memory_space<vmem>> -> memref<1024xf32, #tpu.memory_space<vmem>>
      tpu.enqueue_dma source(%dma_start3A_585 : memref<1024xf32, #tpu.memory_space<vmem>>) target(%dma_start3A_583 : memref<1024xf32, #tpu.memory_space<hbm>>) target_semaphore(%arg9 : memref<!tpu.dma_semaphore, #tpu.memory_space<semaphore_mem>>)
      %add3A_586 = arith.constant 1245184 : i32
      %add3A_587 = arith.addi %add3A_434, %add3A_586 : i32
      %dma_start3A_588 = arith.constant 19456 : i32
      %dma_start3A_589 = tpu.memref_slice %arg7[%dma_start3A_588] : memref<25600xf32, #tpu.memory_space<vmem>> -> memref<1024xf32, #tpu.memory_space<vmem>>
      %dma_start3A_590 = tpu.memref_slice %arg4[%add3A_587] : memref<13107200xf32, #tpu.memory_space<hbm>> -> memref<1024xf32, #tpu.memory_space<hbm>>
      %dma_start3A_591 = tpu.memref_slice %arg4[%add3A_587] : memref<13107200xf32, #tpu.memory_space<hbm>> -> memref<1024xf32, #tpu.memory_space<hbm>>
      %dma_start3A_592 = arith.constant 19456 : i32
      %dma_start3A_593 = tpu.memref_slice %arg7[%dma_start3A_592] : memref<25600xf32, #tpu.memory_space<vmem>> -> memref<1024xf32, #tpu.memory_space<vmem>>
      tpu.enqueue_dma source(%dma_start3A_593 : memref<1024xf32, #tpu.memory_space<vmem>>) target(%dma_start3A_591 : memref<1024xf32, #tpu.memory_space<hbm>>) target_semaphore(%arg9 : memref<!tpu.dma_semaphore, #tpu.memory_space<semaphore_mem>>)
      %add3A_594 = arith.constant 1310720 : i32
      %add3A_595 = arith.addi %add3A_434, %add3A_594 : i32
      %dma_start3A_596 = arith.constant 20480 : i32
      %dma_start3A_597 = tpu.memref_slice %arg7[%dma_start3A_596] : memref<25600xf32, #tpu.memory_space<vmem>> -> memref<1024xf32, #tpu.memory_space<vmem>>
      %dma_start3A_598 = tpu.memref_slice %arg4[%add3A_595] : memref<13107200xf32, #tpu.memory_space<hbm>> -> memref<1024xf32, #tpu.memory_space<hbm>>
      %dma_start3A_599 = tpu.memref_slice %arg4[%add3A_595] : memref<13107200xf32, #tpu.memory_space<hbm>> -> memref<1024xf32, #tpu.memory_space<hbm>>
      %dma_start3A_600 = arith.constant 20480 : i32
      %dma_start3A_601 = tpu.memref_slice %arg7[%dma_start3A_600] : memref<25600xf32, #tpu.memory_space<vmem>> -> memref<1024xf32, #tpu.memory_space<vmem>>
      tpu.enqueue_dma source(%dma_start3A_601 : memref<1024xf32, #tpu.memory_space<vmem>>) target(%dma_start3A_599 : memref<1024xf32, #tpu.memory_space<hbm>>) target_semaphore(%arg9 : memref<!tpu.dma_semaphore, #tpu.memory_space<semaphore_mem>>)
      %add3A_602 = arith.constant 1376256 : i32
      %add3A_603 = arith.addi %add3A_434, %add3A_602 : i32
      %dma_start3A_604 = arith.constant 21504 : i32
      %dma_start3A_605 = tpu.memref_slice %arg7[%dma_start3A_604] : memref<25600xf32, #tpu.memory_space<vmem>> -> memref<1024xf32, #tpu.memory_space<vmem>>
      %dma_start3A_606 = tpu.memref_slice %arg4[%add3A_603] : memref<13107200xf32, #tpu.memory_space<hbm>> -> memref<1024xf32, #tpu.memory_space<hbm>>
      %dma_start3A_607 = tpu.memref_slice %arg4[%add3A_603] : memref<13107200xf32, #tpu.memory_space<hbm>> -> memref<1024xf32, #tpu.memory_space<hbm>>
      %dma_start3A_608 = arith.constant 21504 : i32
      %dma_start3A_609 = tpu.memref_slice %arg7[%dma_start3A_608] : memref<25600xf32, #tpu.memory_space<vmem>> -> memref<1024xf32, #tpu.memory_space<vmem>>
      tpu.enqueue_dma source(%dma_start3A_609 : memref<1024xf32, #tpu.memory_space<vmem>>) target(%dma_start3A_607 : memref<1024xf32, #tpu.memory_space<hbm>>) target_semaphore(%arg9 : memref<!tpu.dma_semaphore, #tpu.memory_space<semaphore_mem>>)
      %add3A_610 = arith.constant 1441792 : i32
      %add3A_611 = arith.addi %add3A_434, %add3A_610 : i32
      %dma_start3A_612 = arith.constant 22528 : i32
      %dma_start3A_613 = tpu.memref_slice %arg7[%dma_start3A_612] : memref<25600xf32, #tpu.memory_space<vmem>> -> memref<1024xf32, #tpu.memory_space<vmem>>
      %dma_start3A_614 = tpu.memref_slice %arg4[%add3A_611] : memref<13107200xf32, #tpu.memory_space<hbm>> -> memref<1024xf32, #tpu.memory_space<hbm>>
      %dma_start3A_615 = tpu.memref_slice %arg4[%add3A_611] : memref<13107200xf32, #tpu.memory_space<hbm>> -> memref<1024xf32, #tpu.memory_space<hbm>>
      %dma_start3A_616 = arith.constant 22528 : i32
      %dma_start3A_617 = tpu.memref_slice %arg7[%dma_start3A_616] : memref<25600xf32, #tpu.memory_space<vmem>> -> memref<1024xf32, #tpu.memory_space<vmem>>
      tpu.enqueue_dma source(%dma_start3A_617 : memref<1024xf32, #tpu.memory_space<vmem>>) target(%dma_start3A_615 : memref<1024xf32, #tpu.memory_space<hbm>>) target_semaphore(%arg9 : memref<!tpu.dma_semaphore, #tpu.memory_space<semaphore_mem>>)
      %add3A_618 = arith.constant 1507328 : i32
      %add3A_619 = arith.addi %add3A_434, %add3A_618 : i32
      %dma_start3A_620 = arith.constant 23552 : i32
      %dma_start3A_621 = tpu.memref_slice %arg7[%dma_start3A_620] : memref<25600xf32, #tpu.memory_space<vmem>> -> memref<1024xf32, #tpu.memory_space<vmem>>
      %dma_start3A_622 = tpu.memref_slice %arg4[%add3A_619] : memref<13107200xf32, #tpu.memory_space<hbm>> -> memref<1024xf32, #tpu.memory_space<hbm>>
      %dma_start3A_623 = tpu.memref_slice %arg4[%add3A_619] : memref<13107200xf32, #tpu.memory_space<hbm>> -> memref<1024xf32, #tpu.memory_space<hbm>>
      %dma_start3A_624 = arith.constant 23552 : i32
      %dma_start3A_625 = tpu.memref_slice %arg7[%dma_start3A_624] : memref<25600xf32, #tpu.memory_space<vmem>> -> memref<1024xf32, #tpu.memory_space<vmem>>
      tpu.enqueue_dma source(%dma_start3A_625 : memref<1024xf32, #tpu.memory_space<vmem>>) target(%dma_start3A_623 : memref<1024xf32, #tpu.memory_space<hbm>>) target_semaphore(%arg9 : memref<!tpu.dma_semaphore, #tpu.memory_space<semaphore_mem>>)
      %add3A_626 = arith.constant 1572864 : i32
      %add3A_627 = arith.addi %add3A_434, %add3A_626 : i32
      %dma_start3A_628 = arith.constant 24576 : i32
      %dma_start3A_629 = tpu.memref_slice %arg7[%dma_start3A_628] : memref<25600xf32, #tpu.memory_space<vmem>> -> memref<1024xf32, #tpu.memory_space<vmem>>
      %dma_start3A_630 = tpu.memref_slice %arg4[%add3A_627] : memref<13107200xf32, #tpu.memory_space<hbm>> -> memref<1024xf32, #tpu.memory_space<hbm>>
      %dma_start3A_631 = tpu.memref_slice %arg4[%add3A_627] : memref<13107200xf32, #tpu.memory_space<hbm>> -> memref<1024xf32, #tpu.memory_space<hbm>>
      %dma_start3A_632 = arith.constant 24576 : i32
      %dma_start3A_633 = tpu.memref_slice %arg7[%dma_start3A_632] : memref<25600xf32, #tpu.memory_space<vmem>> -> memref<1024xf32, #tpu.memory_space<vmem>>
      tpu.enqueue_dma source(%dma_start3A_633 : memref<1024xf32, #tpu.memory_space<vmem>>) target(%dma_start3A_631 : memref<1024xf32, #tpu.memory_space<hbm>>) target_semaphore(%arg9 : memref<!tpu.dma_semaphore, #tpu.memory_space<semaphore_mem>>)
      %mul3A_634 = arith.constant 2 : i32
      %mul3A_635 = arith.muli %scan3A_410, %mul3A_634 : i32
      %add3A_636 = arith.constant 1 : i32
      %add3A_637 = arith.addi %mul3A_635, %add3A_636 : i32
      %shift_right_arithmetic3A_638 = arith.constant 3 : i32
      %shift_right_arithmetic3A_639 = arith.shrsi %add3A_637, %shift_right_arithmetic3A_638 : i32
      %shift_left3A_640 = arith.constant 3 : i32
      %shift_left3A_641 = arith.shli %shift_right_arithmetic3A_639, %shift_left3A_640 : i32
      %sub3A_642 = arith.subi %add3A_637, %shift_left3A_641 : i32
      %eq3A_643 = arith.constant 0 : i32
      %eq3A_644 = arith.cmpi eq, %sub3A_642, %eq3A_643 : i32
      %convert_element_type3A_645 = arith.extui %eq3A_644 : i1 to i32
      %cond3A_646 = arith.constant 0 : i32
      %cond3A_647 = arith.cmpi ne, %convert_element_type3A_645, %cond3A_646 : i32
      scf.if %cond3A_647 {
        %mul3A_866 = arith.constant 256 : i32
        %mul3A_867 = arith.muli %shift_right_arithmetic3A_639, %mul3A_866 : i32
        %add3A_868 = arith.addi %mul3A_2, %mul3A_867 : i32
        %mul3A_869 = arith.constant 200 : i32
        %mul3A_870 = arith.muli %add3A_868, %mul3A_869 : i32
        "tpu.region"() ({
          %run_scoped3A = tpu.sem_alloc : memref<!tpu.dma_semaphore, #tpu.memory_space<semaphore_mem>>
          %dma_start3A_871 = tpu.memref_slice %arg3[%mul3A_870] : memref<3276800xi32, #tpu.memory_space<hbm>> -> memref<51200xi32, #tpu.memory_space<hbm>>
          %dma_start3A_872 = tpu.memref_slice %arg3[%mul3A_870] : memref<3276800xi32, #tpu.memory_space<hbm>> -> memref<51200xi32, #tpu.memory_space<hbm>>
          tpu.enqueue_dma source(%dma_start3A_872 : memref<51200xi32, #tpu.memory_space<hbm>>) target(%arg6 : memref<51200xi32, #tpu.memory_space<vmem>>) target_semaphore(%run_scoped3A : memref<!tpu.dma_semaphore, #tpu.memory_space<semaphore_mem>>)
          %dma_wait3A_873 = tpu.memref_slice %arg3[%mul3A_870] : memref<3276800xi32, #tpu.memory_space<hbm>> -> memref<51200xi32, #tpu.memory_space<hbm>>
          %dma_wait3A_874 = tpu.memref_slice %arg3[%mul3A_870] : memref<3276800xi32, #tpu.memory_space<hbm>> -> memref<51200xi32, #tpu.memory_space<hbm>>
          tpu.wait_dma2 semaphore(%run_scoped3A : memref<!tpu.dma_semaphore, #tpu.memory_space<semaphore_mem>>) src(%dma_wait3A_874 : memref<51200xi32, #tpu.memory_space<hbm>>) dst(%arg6 : memref<51200xi32, #tpu.memory_space<vmem>>)
          tpu.yield
        }) : () -> ()
      } else {
      }
      %ge3A_648 = arith.constant 2 : i32
      %ge3A_649 = arith.cmpi sge, %add3A_637, %ge3A_648 : i32
      %convert_element_type3A_650 = arith.extui %ge3A_649 : i1 to i32
      %cond3A_651 = arith.constant 0 : i32
      %cond3A_652 = arith.cmpi ne, %convert_element_type3A_650, %cond3A_651 : i32
      scf.if %cond3A_652 {
        %dma_wait3A_866 = arith.constant 0 : i32
        %dma_wait3A_867 = tpu.memref_slice %arg8[%dma_wait3A_866] : memref<25600xf32, #tpu.memory_space<vmem>> -> memref<1024xf32, #tpu.memory_space<vmem>>
        %dma_wait3A_868 = arith.constant 0 : i32
        %dma_wait3A_869 = tpu.memref_slice %arg4[%dma_wait3A_868] : memref<13107200xf32, #tpu.memory_space<hbm>> -> memref<1024xf32, #tpu.memory_space<hbm>>
        %dma_wait3A_870 = arith.constant 0 : i32
        %dma_wait3A_871 = tpu.memref_slice %arg4[%dma_wait3A_870] : memref<13107200xf32, #tpu.memory_space<hbm>> -> memref<1024xf32, #tpu.memory_space<hbm>>
        %dma_wait3A_872 = arith.constant 0 : i32
        %dma_wait3A_873 = tpu.memref_slice %arg8[%dma_wait3A_872] : memref<25600xf32, #tpu.memory_space<vmem>> -> memref<1024xf32, #tpu.memory_space<vmem>>
        tpu.wait_dma2 semaphore(%arg10 : memref<!tpu.dma_semaphore, #tpu.memory_space<semaphore_mem>>) src(%dma_wait3A_873 : memref<1024xf32, #tpu.memory_space<vmem>>) dst(%dma_wait3A_871 : memref<1024xf32, #tpu.memory_space<hbm>>)
        %dma_wait3A_874 = arith.constant 0 : i32
        %dma_wait3A_875 = tpu.memref_slice %arg8[%dma_wait3A_874] : memref<25600xf32, #tpu.memory_space<vmem>> -> memref<1024xf32, #tpu.memory_space<vmem>>
        %dma_wait3A_876 = arith.constant 0 : i32
        %dma_wait3A_877 = tpu.memref_slice %arg4[%dma_wait3A_876] : memref<13107200xf32, #tpu.memory_space<hbm>> -> memref<1024xf32, #tpu.memory_space<hbm>>
        %dma_wait3A_878 = arith.constant 0 : i32
        %dma_wait3A_879 = tpu.memref_slice %arg4[%dma_wait3A_878] : memref<13107200xf32, #tpu.memory_space<hbm>> -> memref<1024xf32, #tpu.memory_space<hbm>>
        %dma_wait3A_880 = arith.constant 0 : i32
        %dma_wait3A_881 = tpu.memref_slice %arg8[%dma_wait3A_880] : memref<25600xf32, #tpu.memory_space<vmem>> -> memref<1024xf32, #tpu.memory_space<vmem>>
        tpu.wait_dma2 semaphore(%arg10 : memref<!tpu.dma_semaphore, #tpu.memory_space<semaphore_mem>>) src(%dma_wait3A_881 : memref<1024xf32, #tpu.memory_space<vmem>>) dst(%dma_wait3A_879 : memref<1024xf32, #tpu.memory_space<hbm>>)
        %dma_wait3A_882 = arith.constant 0 : i32
        %dma_wait3A_883 = tpu.memref_slice %arg8[%dma_wait3A_882] : memref<25600xf32, #tpu.memory_space<vmem>> -> memref<1024xf32, #tpu.memory_space<vmem>>
        %dma_wait3A_884 = arith.constant 0 : i32
        %dma_wait3A_885 = tpu.memref_slice %arg4[%dma_wait3A_884] : memref<13107200xf32, #tpu.memory_space<hbm>> -> memref<1024xf32, #tpu.memory_space<hbm>>
        %dma_wait3A_886 = arith.constant 0 : i32
        %dma_wait3A_887 = tpu.memref_slice %arg4[%dma_wait3A_886] : memref<13107200xf32, #tpu.memory_space<hbm>> -> memref<1024xf32, #tpu.memory_space<hbm>>
        %dma_wait3A_888 = arith.constant 0 : i32
        %dma_wait3A_889 = tpu.memref_slice %arg8[%dma_wait3A_888] : memref<25600xf32, #tpu.memory_space<vmem>> -> memref<1024xf32, #tpu.memory_space<vmem>>
        tpu.wait_dma2 semaphore(%arg10 : memref<!tpu.dma_semaphore, #tpu.memory_space<semaphore_mem>>) src(%dma_wait3A_889 : memref<1024xf32, #tpu.memory_space<vmem>>) dst(%dma_wait3A_887 : memref<1024xf32, #tpu.memory_space<hbm>>)
        %dma_wait3A_890 = arith.constant 0 : i32
        %dma_wait3A_891 = tpu.memref_slice %arg8[%dma_wait3A_890] : memref<25600xf32, #tpu.memory_space<vmem>> -> memref<1024xf32, #tpu.memory_space<vmem>>
        %dma_wait3A_892 = arith.constant 0 : i32
        %dma_wait3A_893 = tpu.memref_slice %arg4[%dma_wait3A_892] : memref<13107200xf32, #tpu.memory_space<hbm>> -> memref<1024xf32, #tpu.memory_space<hbm>>
        %dma_wait3A_894 = arith.constant 0 : i32
        %dma_wait3A_895 = tpu.memref_slice %arg4[%dma_wait3A_894] : memref<13107200xf32, #tpu.memory_space<hbm>> -> memref<1024xf32, #tpu.memory_space<hbm>>
        %dma_wait3A_896 = arith.constant 0 : i32
        %dma_wait3A_897 = tpu.memref_slice %arg8[%dma_wait3A_896] : memref<25600xf32, #tpu.memory_space<vmem>> -> memref<1024xf32, #tpu.memory_space<vmem>>
        tpu.wait_dma2 semaphore(%arg10 : memref<!tpu.dma_semaphore, #tpu.memory_space<semaphore_mem>>) src(%dma_wait3A_897 : memref<1024xf32, #tpu.memory_space<vmem>>) dst(%dma_wait3A_895 : memref<1024xf32, #tpu.memory_space<hbm>>)
        %dma_wait3A_898 = arith.constant 0 : i32
        %dma_wait3A_899 = tpu.memref_slice %arg8[%dma_wait3A_898] : memref<25600xf32, #tpu.memory_space<vmem>> -> memref<1024xf32, #tpu.memory_space<vmem>>
        %dma_wait3A_900 = arith.constant 0 : i32
        %dma_wait3A_901 = tpu.memref_slice %arg4[%dma_wait3A_900] : memref<13107200xf32, #tpu.memory_space<hbm>> -> memref<1024xf32, #tpu.memory_space<hbm>>
        %dma_wait3A_902 = arith.constant 0 : i32
        %dma_wait3A_903 = tpu.memref_slice %arg4[%dma_wait3A_902] : memref<13107200xf32, #tpu.memory_space<hbm>> -> memref<1024xf32, #tpu.memory_space<hbm>>
        %dma_wait3A_904 = arith.constant 0 : i32
        %dma_wait3A_905 = tpu.memref_slice %arg8[%dma_wait3A_904] : memref<25600xf32, #tpu.memory_space<vmem>> -> memref<1024xf32, #tpu.memory_space<vmem>>
        tpu.wait_dma2 semaphore(%arg10 : memref<!tpu.dma_semaphore, #tpu.memory_space<semaphore_mem>>) src(%dma_wait3A_905 : memref<1024xf32, #tpu.memory_space<vmem>>) dst(%dma_wait3A_903 : memref<1024xf32, #tpu.memory_space<hbm>>)
        %dma_wait3A_906 = arith.constant 0 : i32
        %dma_wait3A_907 = tpu.memref_slice %arg8[%dma_wait3A_906] : memref<25600xf32, #tpu.memory_space<vmem>> -> memref<1024xf32, #tpu.memory_space<vmem>>
        %dma_wait3A_908 = arith.constant 0 : i32
        %dma_wait3A_909 = tpu.memref_slice %arg4[%dma_wait3A_908] : memref<13107200xf32, #tpu.memory_space<hbm>> -> memref<1024xf32, #tpu.memory_space<hbm>>
        %dma_wait3A_910 = arith.constant 0 : i32
        %dma_wait3A_911 = tpu.memref_slice %arg4[%dma_wait3A_910] : memref<13107200xf32, #tpu.memory_space<hbm>> -> memref<1024xf32, #tpu.memory_space<hbm>>
        %dma_wait3A_912 = arith.constant 0 : i32
        %dma_wait3A_913 = tpu.memref_slice %arg8[%dma_wait3A_912] : memref<25600xf32, #tpu.memory_space<vmem>> -> memref<1024xf32, #tpu.memory_space<vmem>>
        tpu.wait_dma2 semaphore(%arg10 : memref<!tpu.dma_semaphore, #tpu.memory_space<semaphore_mem>>) src(%dma_wait3A_913 : memref<1024xf32, #tpu.memory_space<vmem>>) dst(%dma_wait3A_911 : memref<1024xf32, #tpu.memory_space<hbm>>)
        %dma_wait3A_914 = arith.constant 0 : i32
        %dma_wait3A_915 = tpu.memref_slice %arg8[%dma_wait3A_914] : memref<25600xf32, #tpu.memory_space<vmem>> -> memref<1024xf32, #tpu.memory_space<vmem>>
        %dma_wait3A_916 = arith.constant 0 : i32
        %dma_wait3A_917 = tpu.memref_slice %arg4[%dma_wait3A_916] : memref<13107200xf32, #tpu.memory_space<hbm>> -> memref<1024xf32, #tpu.memory_space<hbm>>
        %dma_wait3A_918 = arith.constant 0 : i32
        %dma_wait3A_919 = tpu.memref_slice %arg4[%dma_wait3A_918] : memref<13107200xf32, #tpu.memory_space<hbm>> -> memref<1024xf32, #tpu.memory_space<hbm>>
        %dma_wait3A_920 = arith.constant 0 : i32
        %dma_wait3A_921 = tpu.memref_slice %arg8[%dma_wait3A_920] : memref<25600xf32, #tpu.memory_space<vmem>> -> memref<1024xf32, #tpu.memory_space<vmem>>
        tpu.wait_dma2 semaphore(%arg10 : memref<!tpu.dma_semaphore, #tpu.memory_space<semaphore_mem>>) src(%dma_wait3A_921 : memref<1024xf32, #tpu.memory_space<vmem>>) dst(%dma_wait3A_919 : memref<1024xf32, #tpu.memory_space<hbm>>)
        %dma_wait3A_922 = arith.constant 0 : i32
        %dma_wait3A_923 = tpu.memref_slice %arg8[%dma_wait3A_922] : memref<25600xf32, #tpu.memory_space<vmem>> -> memref<1024xf32, #tpu.memory_space<vmem>>
        %dma_wait3A_924 = arith.constant 0 : i32
        %dma_wait3A_925 = tpu.memref_slice %arg4[%dma_wait3A_924] : memref<13107200xf32, #tpu.memory_space<hbm>> -> memref<1024xf32, #tpu.memory_space<hbm>>
        %dma_wait3A_926 = arith.constant 0 : i32
        %dma_wait3A_927 = tpu.memref_slice %arg4[%dma_wait3A_926] : memref<13107200xf32, #tpu.memory_space<hbm>> -> memref<1024xf32, #tpu.memory_space<hbm>>
        %dma_wait3A_928 = arith.constant 0 : i32
        %dma_wait3A_929 = tpu.memref_slice %arg8[%dma_wait3A_928] : memref<25600xf32, #tpu.memory_space<vmem>> -> memref<1024xf32, #tpu.memory_space<vmem>>
        tpu.wait_dma2 semaphore(%arg10 : memref<!tpu.dma_semaphore, #tpu.memory_space<semaphore_mem>>) src(%dma_wait3A_929 : memref<1024xf32, #tpu.memory_space<vmem>>) dst(%dma_wait3A_927 : memref<1024xf32, #tpu.memory_space<hbm>>)
        %dma_wait3A_930 = arith.constant 0 : i32
        %dma_wait3A_931 = tpu.memref_slice %arg8[%dma_wait3A_930] : memref<25600xf32, #tpu.memory_space<vmem>> -> memref<1024xf32, #tpu.memory_space<vmem>>
        %dma_wait3A_932 = arith.constant 0 : i32
        %dma_wait3A_933 = tpu.memref_slice %arg4[%dma_wait3A_932] : memref<13107200xf32, #tpu.memory_space<hbm>> -> memref<1024xf32, #tpu.memory_space<hbm>>
        %dma_wait3A_934 = arith.constant 0 : i32
        %dma_wait3A_935 = tpu.memref_slice %arg4[%dma_wait3A_934] : memref<13107200xf32, #tpu.memory_space<hbm>> -> memref<1024xf32, #tpu.memory_space<hbm>>
        %dma_wait3A_936 = arith.constant 0 : i32
        %dma_wait3A_937 = tpu.memref_slice %arg8[%dma_wait3A_936] : memref<25600xf32, #tpu.memory_space<vmem>> -> memref<1024xf32, #tpu.memory_space<vmem>>
        tpu.wait_dma2 semaphore(%arg10 : memref<!tpu.dma_semaphore, #tpu.memory_space<semaphore_mem>>) src(%dma_wait3A_937 : memref<1024xf32, #tpu.memory_space<vmem>>) dst(%dma_wait3A_935 : memref<1024xf32, #tpu.memory_space<hbm>>)
        %dma_wait3A_938 = arith.constant 0 : i32
        %dma_wait3A_939 = tpu.memref_slice %arg8[%dma_wait3A_938] : memref<25600xf32, #tpu.memory_space<vmem>> -> memref<1024xf32, #tpu.memory_space<vmem>>
        %dma_wait3A_940 = arith.constant 0 : i32
        %dma_wait3A_941 = tpu.memref_slice %arg4[%dma_wait3A_940] : memref<13107200xf32, #tpu.memory_space<hbm>> -> memref<1024xf32, #tpu.memory_space<hbm>>
        %dma_wait3A_942 = arith.constant 0 : i32
        %dma_wait3A_943 = tpu.memref_slice %arg4[%dma_wait3A_942] : memref<13107200xf32, #tpu.memory_space<hbm>> -> memref<1024xf32, #tpu.memory_space<hbm>>
        %dma_wait3A_944 = arith.constant 0 : i32
        %dma_wait3A_945 = tpu.memref_slice %arg8[%dma_wait3A_944] : memref<25600xf32, #tpu.memory_space<vmem>> -> memref<1024xf32, #tpu.memory_space<vmem>>
        tpu.wait_dma2 semaphore(%arg10 : memref<!tpu.dma_semaphore, #tpu.memory_space<semaphore_mem>>) src(%dma_wait3A_945 : memref<1024xf32, #tpu.memory_space<vmem>>) dst(%dma_wait3A_943 : memref<1024xf32, #tpu.memory_space<hbm>>)
        %dma_wait3A_946 = arith.constant 0 : i32
        %dma_wait3A_947 = tpu.memref_slice %arg8[%dma_wait3A_946] : memref<25600xf32, #tpu.memory_space<vmem>> -> memref<1024xf32, #tpu.memory_space<vmem>>
        %dma_wait3A_948 = arith.constant 0 : i32
        %dma_wait3A_949 = tpu.memref_slice %arg4[%dma_wait3A_948] : memref<13107200xf32, #tpu.memory_space<hbm>> -> memref<1024xf32, #tpu.memory_space<hbm>>
        %dma_wait3A_950 = arith.constant 0 : i32
        %dma_wait3A_951 = tpu.memref_slice %arg4[%dma_wait3A_950] : memref<13107200xf32, #tpu.memory_space<hbm>> -> memref<1024xf32, #tpu.memory_space<hbm>>
        %dma_wait3A_952 = arith.constant 0 : i32
        %dma_wait3A_953 = tpu.memref_slice %arg8[%dma_wait3A_952] : memref<25600xf32, #tpu.memory_space<vmem>> -> memref<1024xf32, #tpu.memory_space<vmem>>
        tpu.wait_dma2 semaphore(%arg10 : memref<!tpu.dma_semaphore, #tpu.memory_space<semaphore_mem>>) src(%dma_wait3A_953 : memref<1024xf32, #tpu.memory_space<vmem>>) dst(%dma_wait3A_951 : memref<1024xf32, #tpu.memory_space<hbm>>)
        %dma_wait3A_954 = arith.constant 0 : i32
        %dma_wait3A_955 = tpu.memref_slice %arg8[%dma_wait3A_954] : memref<25600xf32, #tpu.memory_space<vmem>> -> memref<1024xf32, #tpu.memory_space<vmem>>
        %dma_wait3A_956 = arith.constant 0 : i32
        %dma_wait3A_957 = tpu.memref_slice %arg4[%dma_wait3A_956] : memref<13107200xf32, #tpu.memory_space<hbm>> -> memref<1024xf32, #tpu.memory_space<hbm>>
        %dma_wait3A_958 = arith.constant 0 : i32
        %dma_wait3A_959 = tpu.memref_slice %arg4[%dma_wait3A_958] : memref<13107200xf32, #tpu.memory_space<hbm>> -> memref<1024xf32, #tpu.memory_space<hbm>>
        %dma_wait3A_960 = arith.constant 0 : i32
        %dma_wait3A_961 = tpu.memref_slice %arg8[%dma_wait3A_960] : memref<25600xf32, #tpu.memory_space<vmem>> -> memref<1024xf32, #tpu.memory_space<vmem>>
        tpu.wait_dma2 semaphore(%arg10 : memref<!tpu.dma_semaphore, #tpu.memory_space<semaphore_mem>>) src(%dma_wait3A_961 : memref<1024xf32, #tpu.memory_space<vmem>>) dst(%dma_wait3A_959 : memref<1024xf32, #tpu.memory_space<hbm>>)
        %dma_wait3A_962 = arith.constant 0 : i32
        %dma_wait3A_963 = tpu.memref_slice %arg8[%dma_wait3A_962] : memref<25600xf32, #tpu.memory_space<vmem>> -> memref<1024xf32, #tpu.memory_space<vmem>>
        %dma_wait3A_964 = arith.constant 0 : i32
        %dma_wait3A_965 = tpu.memref_slice %arg4[%dma_wait3A_964] : memref<13107200xf32, #tpu.memory_space<hbm>> -> memref<1024xf32, #tpu.memory_space<hbm>>
        %dma_wait3A_966 = arith.constant 0 : i32
        %dma_wait3A_967 = tpu.memref_slice %arg4[%dma_wait3A_966] : memref<13107200xf32, #tpu.memory_space<hbm>> -> memref<1024xf32, #tpu.memory_space<hbm>>
        %dma_wait3A_968 = arith.constant 0 : i32
        %dma_wait3A_969 = tpu.memref_slice %arg8[%dma_wait3A_968] : memref<25600xf32, #tpu.memory_space<vmem>> -> memref<1024xf32, #tpu.memory_space<vmem>>
        tpu.wait_dma2 semaphore(%arg10 : memref<!tpu.dma_semaphore, #tpu.memory_space<semaphore_mem>>) src(%dma_wait3A_969 : memref<1024xf32, #tpu.memory_space<vmem>>) dst(%dma_wait3A_967 : memref<1024xf32, #tpu.memory_space<hbm>>)
        %dma_wait3A_970 = arith.constant 0 : i32
        %dma_wait3A_971 = tpu.memref_slice %arg8[%dma_wait3A_970] : memref<25600xf32, #tpu.memory_space<vmem>> -> memref<1024xf32, #tpu.memory_space<vmem>>
        %dma_wait3A_972 = arith.constant 0 : i32
        %dma_wait3A_973 = tpu.memref_slice %arg4[%dma_wait3A_972] : memref<13107200xf32, #tpu.memory_space<hbm>> -> memref<1024xf32, #tpu.memory_space<hbm>>
        %dma_wait3A_974 = arith.constant 0 : i32
        %dma_wait3A_975 = tpu.memref_slice %arg4[%dma_wait3A_974] : memref<13107200xf32, #tpu.memory_space<hbm>> -> memref<1024xf32, #tpu.memory_space<hbm>>
        %dma_wait3A_976 = arith.constant 0 : i32
        %dma_wait3A_977 = tpu.memref_slice %arg8[%dma_wait3A_976] : memref<25600xf32, #tpu.memory_space<vmem>> -> memref<1024xf32, #tpu.memory_space<vmem>>
        tpu.wait_dma2 semaphore(%arg10 : memref<!tpu.dma_semaphore, #tpu.memory_space<semaphore_mem>>) src(%dma_wait3A_977 : memref<1024xf32, #tpu.memory_space<vmem>>) dst(%dma_wait3A_975 : memref<1024xf32, #tpu.memory_space<hbm>>)
        %dma_wait3A_978 = arith.constant 0 : i32
        %dma_wait3A_979 = tpu.memref_slice %arg8[%dma_wait3A_978] : memref<25600xf32, #tpu.memory_space<vmem>> -> memref<1024xf32, #tpu.memory_space<vmem>>
        %dma_wait3A_980 = arith.constant 0 : i32
        %dma_wait3A_981 = tpu.memref_slice %arg4[%dma_wait3A_980] : memref<13107200xf32, #tpu.memory_space<hbm>> -> memref<1024xf32, #tpu.memory_space<hbm>>
        %dma_wait3A_982 = arith.constant 0 : i32
        %dma_wait3A_983 = tpu.memref_slice %arg4[%dma_wait3A_982] : memref<13107200xf32, #tpu.memory_space<hbm>> -> memref<1024xf32, #tpu.memory_space<hbm>>
        %dma_wait3A_984 = arith.constant 0 : i32
        %dma_wait3A_985 = tpu.memref_slice %arg8[%dma_wait3A_984] : memref<25600xf32, #tpu.memory_space<vmem>> -> memref<1024xf32, #tpu.memory_space<vmem>>
        tpu.wait_dma2 semaphore(%arg10 : memref<!tpu.dma_semaphore, #tpu.memory_space<semaphore_mem>>) src(%dma_wait3A_985 : memref<1024xf32, #tpu.memory_space<vmem>>) dst(%dma_wait3A_983 : memref<1024xf32, #tpu.memory_space<hbm>>)
        %dma_wait3A_986 = arith.constant 0 : i32
        %dma_wait3A_987 = tpu.memref_slice %arg8[%dma_wait3A_986] : memref<25600xf32, #tpu.memory_space<vmem>> -> memref<1024xf32, #tpu.memory_space<vmem>>
        %dma_wait3A_988 = arith.constant 0 : i32
        %dma_wait3A_989 = tpu.memref_slice %arg4[%dma_wait3A_988] : memref<13107200xf32, #tpu.memory_space<hbm>> -> memref<1024xf32, #tpu.memory_space<hbm>>
        %dma_wait3A_990 = arith.constant 0 : i32
        %dma_wait3A_991 = tpu.memref_slice %arg4[%dma_wait3A_990] : memref<13107200xf32, #tpu.memory_space<hbm>> -> memref<1024xf32, #tpu.memory_space<hbm>>
        %dma_wait3A_992 = arith.constant 0 : i32
        %dma_wait3A_993 = tpu.memref_slice %arg8[%dma_wait3A_992] : memref<25600xf32, #tpu.memory_space<vmem>> -> memref<1024xf32, #tpu.memory_space<vmem>>
        tpu.wait_dma2 semaphore(%arg10 : memref<!tpu.dma_semaphore, #tpu.memory_space<semaphore_mem>>) src(%dma_wait3A_993 : memref<1024xf32, #tpu.memory_space<vmem>>) dst(%dma_wait3A_991 : memref<1024xf32, #tpu.memory_space<hbm>>)
        %dma_wait3A_994 = arith.constant 0 : i32
        %dma_wait3A_995 = tpu.memref_slice %arg8[%dma_wait3A_994] : memref<25600xf32, #tpu.memory_space<vmem>> -> memref<1024xf32, #tpu.memory_space<vmem>>
        %dma_wait3A_996 = arith.constant 0 : i32
        %dma_wait3A_997 = tpu.memref_slice %arg4[%dma_wait3A_996] : memref<13107200xf32, #tpu.memory_space<hbm>> -> memref<1024xf32, #tpu.memory_space<hbm>>
        %dma_wait3A_998 = arith.constant 0 : i32
        %dma_wait3A_999 = tpu.memref_slice %arg4[%dma_wait3A_998] : memref<13107200xf32, #tpu.memory_space<hbm>> -> memref<1024xf32, #tpu.memory_space<hbm>>
        %dma_wait3A_1000 = arith.constant 0 : i32
        %dma_wait3A_1001 = tpu.memref_slice %arg8[%dma_wait3A_1000] : memref<25600xf32, #tpu.memory_space<vmem>> -> memref<1024xf32, #tpu.memory_space<vmem>>
        tpu.wait_dma2 semaphore(%arg10 : memref<!tpu.dma_semaphore, #tpu.memory_space<semaphore_mem>>) src(%dma_wait3A_1001 : memref<1024xf32, #tpu.memory_space<vmem>>) dst(%dma_wait3A_999 : memref<1024xf32, #tpu.memory_space<hbm>>)
        %dma_wait3A_1002 = arith.constant 0 : i32
        %dma_wait3A_1003 = tpu.memref_slice %arg8[%dma_wait3A_1002] : memref<25600xf32, #tpu.memory_space<vmem>> -> memref<1024xf32, #tpu.memory_space<vmem>>
        %dma_wait3A_1004 = arith.constant 0 : i32
        %dma_wait3A_1005 = tpu.memref_slice %arg4[%dma_wait3A_1004] : memref<13107200xf32, #tpu.memory_space<hbm>> -> memref<1024xf32, #tpu.memory_space<hbm>>
        %dma_wait3A_1006 = arith.constant 0 : i32
        %dma_wait3A_1007 = tpu.memref_slice %arg4[%dma_wait3A_1006] : memref<13107200xf32, #tpu.memory_space<hbm>> -> memref<1024xf32, #tpu.memory_space<hbm>>
        %dma_wait3A_1008 = arith.constant 0 : i32
        %dma_wait3A_1009 = tpu.memref_slice %arg8[%dma_wait3A_1008] : memref<25600xf32, #tpu.memory_space<vmem>> -> memref<1024xf32, #tpu.memory_space<vmem>>
        tpu.wait_dma2 semaphore(%arg10 : memref<!tpu.dma_semaphore, #tpu.memory_space<semaphore_mem>>) src(%dma_wait3A_1009 : memref<1024xf32, #tpu.memory_space<vmem>>) dst(%dma_wait3A_1007 : memref<1024xf32, #tpu.memory_space<hbm>>)
        %dma_wait3A_1010 = arith.constant 0 : i32
        %dma_wait3A_1011 = tpu.memref_slice %arg8[%dma_wait3A_1010] : memref<25600xf32, #tpu.memory_space<vmem>> -> memref<1024xf32, #tpu.memory_space<vmem>>
        %dma_wait3A_1012 = arith.constant 0 : i32
        %dma_wait3A_1013 = tpu.memref_slice %arg4[%dma_wait3A_1012] : memref<13107200xf32, #tpu.memory_space<hbm>> -> memref<1024xf32, #tpu.memory_space<hbm>>
        %dma_wait3A_1014 = arith.constant 0 : i32
        %dma_wait3A_1015 = tpu.memref_slice %arg4[%dma_wait3A_1014] : memref<13107200xf32, #tpu.memory_space<hbm>> -> memref<1024xf32, #tpu.memory_space<hbm>>
        %dma_wait3A_1016 = arith.constant 0 : i32
        %dma_wait3A_1017 = tpu.memref_slice %arg8[%dma_wait3A_1016] : memref<25600xf32, #tpu.memory_space<vmem>> -> memref<1024xf32, #tpu.memory_space<vmem>>
        tpu.wait_dma2 semaphore(%arg10 : memref<!tpu.dma_semaphore, #tpu.memory_space<semaphore_mem>>) src(%dma_wait3A_1017 : memref<1024xf32, #tpu.memory_space<vmem>>) dst(%dma_wait3A_1015 : memref<1024xf32, #tpu.memory_space<hbm>>)
        %dma_wait3A_1018 = arith.constant 0 : i32
        %dma_wait3A_1019 = tpu.memref_slice %arg8[%dma_wait3A_1018] : memref<25600xf32, #tpu.memory_space<vmem>> -> memref<1024xf32, #tpu.memory_space<vmem>>
        %dma_wait3A_1020 = arith.constant 0 : i32
        %dma_wait3A_1021 = tpu.memref_slice %arg4[%dma_wait3A_1020] : memref<13107200xf32, #tpu.memory_space<hbm>> -> memref<1024xf32, #tpu.memory_space<hbm>>
        %dma_wait3A_1022 = arith.constant 0 : i32
        %dma_wait3A_1023 = tpu.memref_slice %arg4[%dma_wait3A_1022] : memref<13107200xf32, #tpu.memory_space<hbm>> -> memref<1024xf32, #tpu.memory_space<hbm>>
        %dma_wait3A_1024 = arith.constant 0 : i32
        %dma_wait3A_1025 = tpu.memref_slice %arg8[%dma_wait3A_1024] : memref<25600xf32, #tpu.memory_space<vmem>> -> memref<1024xf32, #tpu.memory_space<vmem>>
        tpu.wait_dma2 semaphore(%arg10 : memref<!tpu.dma_semaphore, #tpu.memory_space<semaphore_mem>>) src(%dma_wait3A_1025 : memref<1024xf32, #tpu.memory_space<vmem>>) dst(%dma_wait3A_1023 : memref<1024xf32, #tpu.memory_space<hbm>>)
        %dma_wait3A_1026 = arith.constant 0 : i32
        %dma_wait3A_1027 = tpu.memref_slice %arg8[%dma_wait3A_1026] : memref<25600xf32, #tpu.memory_space<vmem>> -> memref<1024xf32, #tpu.memory_space<vmem>>
        %dma_wait3A_1028 = arith.constant 0 : i32
        %dma_wait3A_1029 = tpu.memref_slice %arg4[%dma_wait3A_1028] : memref<13107200xf32, #tpu.memory_space<hbm>> -> memref<1024xf32, #tpu.memory_space<hbm>>
        %dma_wait3A_1030 = arith.constant 0 : i32
        %dma_wait3A_1031 = tpu.memref_slice %arg4[%dma_wait3A_1030] : memref<13107200xf32, #tpu.memory_space<hbm>> -> memref<1024xf32, #tpu.memory_space<hbm>>
        %dma_wait3A_1032 = arith.constant 0 : i32
        %dma_wait3A_1033 = tpu.memref_slice %arg8[%dma_wait3A_1032] : memref<25600xf32, #tpu.memory_space<vmem>> -> memref<1024xf32, #tpu.memory_space<vmem>>
        tpu.wait_dma2 semaphore(%arg10 : memref<!tpu.dma_semaphore, #tpu.memory_space<semaphore_mem>>) src(%dma_wait3A_1033 : memref<1024xf32, #tpu.memory_space<vmem>>) dst(%dma_wait3A_1031 : memref<1024xf32, #tpu.memory_space<hbm>>)
        %dma_wait3A_1034 = arith.constant 0 : i32
        %dma_wait3A_1035 = tpu.memref_slice %arg8[%dma_wait3A_1034] : memref<25600xf32, #tpu.memory_space<vmem>> -> memref<1024xf32, #tpu.memory_space<vmem>>
        %dma_wait3A_1036 = arith.constant 0 : i32
        %dma_wait3A_1037 = tpu.memref_slice %arg4[%dma_wait3A_1036] : memref<13107200xf32, #tpu.memory_space<hbm>> -> memref<1024xf32, #tpu.memory_space<hbm>>
        %dma_wait3A_1038 = arith.constant 0 : i32
        %dma_wait3A_1039 = tpu.memref_slice %arg4[%dma_wait3A_1038] : memref<13107200xf32, #tpu.memory_space<hbm>> -> memref<1024xf32, #tpu.memory_space<hbm>>
        %dma_wait3A_1040 = arith.constant 0 : i32
        %dma_wait3A_1041 = tpu.memref_slice %arg8[%dma_wait3A_1040] : memref<25600xf32, #tpu.memory_space<vmem>> -> memref<1024xf32, #tpu.memory_space<vmem>>
        tpu.wait_dma2 semaphore(%arg10 : memref<!tpu.dma_semaphore, #tpu.memory_space<semaphore_mem>>) src(%dma_wait3A_1041 : memref<1024xf32, #tpu.memory_space<vmem>>) dst(%dma_wait3A_1039 : memref<1024xf32, #tpu.memory_space<hbm>>)
        %dma_wait3A_1042 = arith.constant 0 : i32
        %dma_wait3A_1043 = tpu.memref_slice %arg8[%dma_wait3A_1042] : memref<25600xf32, #tpu.memory_space<vmem>> -> memref<1024xf32, #tpu.memory_space<vmem>>
        %dma_wait3A_1044 = arith.constant 0 : i32
        %dma_wait3A_1045 = tpu.memref_slice %arg4[%dma_wait3A_1044] : memref<13107200xf32, #tpu.memory_space<hbm>> -> memref<1024xf32, #tpu.memory_space<hbm>>
        %dma_wait3A_1046 = arith.constant 0 : i32
        %dma_wait3A_1047 = tpu.memref_slice %arg4[%dma_wait3A_1046] : memref<13107200xf32, #tpu.memory_space<hbm>> -> memref<1024xf32, #tpu.memory_space<hbm>>
        %dma_wait3A_1048 = arith.constant 0 : i32
        %dma_wait3A_1049 = tpu.memref_slice %arg8[%dma_wait3A_1048] : memref<25600xf32, #tpu.memory_space<vmem>> -> memref<1024xf32, #tpu.memory_space<vmem>>
        tpu.wait_dma2 semaphore(%arg10 : memref<!tpu.dma_semaphore, #tpu.memory_space<semaphore_mem>>) src(%dma_wait3A_1049 : memref<1024xf32, #tpu.memory_space<vmem>>) dst(%dma_wait3A_1047 : memref<1024xf32, #tpu.memory_space<hbm>>)
        %dma_wait3A_1050 = arith.constant 0 : i32
        %dma_wait3A_1051 = tpu.memref_slice %arg8[%dma_wait3A_1050] : memref<25600xf32, #tpu.memory_space<vmem>> -> memref<1024xf32, #tpu.memory_space<vmem>>
        %dma_wait3A_1052 = arith.constant 0 : i32
        %dma_wait3A_1053 = tpu.memref_slice %arg4[%dma_wait3A_1052] : memref<13107200xf32, #tpu.memory_space<hbm>> -> memref<1024xf32, #tpu.memory_space<hbm>>
        %dma_wait3A_1054 = arith.constant 0 : i32
        %dma_wait3A_1055 = tpu.memref_slice %arg4[%dma_wait3A_1054] : memref<13107200xf32, #tpu.memory_space<hbm>> -> memref<1024xf32, #tpu.memory_space<hbm>>
        %dma_wait3A_1056 = arith.constant 0 : i32
        %dma_wait3A_1057 = tpu.memref_slice %arg8[%dma_wait3A_1056] : memref<25600xf32, #tpu.memory_space<vmem>> -> memref<1024xf32, #tpu.memory_space<vmem>>
        tpu.wait_dma2 semaphore(%arg10 : memref<!tpu.dma_semaphore, #tpu.memory_space<semaphore_mem>>) src(%dma_wait3A_1057 : memref<1024xf32, #tpu.memory_space<vmem>>) dst(%dma_wait3A_1055 : memref<1024xf32, #tpu.memory_space<hbm>>)
        %dma_wait3A_1058 = arith.constant 0 : i32
        %dma_wait3A_1059 = tpu.memref_slice %arg8[%dma_wait3A_1058] : memref<25600xf32, #tpu.memory_space<vmem>> -> memref<1024xf32, #tpu.memory_space<vmem>>
        %dma_wait3A_1060 = arith.constant 0 : i32
        %dma_wait3A_1061 = tpu.memref_slice %arg4[%dma_wait3A_1060] : memref<13107200xf32, #tpu.memory_space<hbm>> -> memref<1024xf32, #tpu.memory_space<hbm>>
        %dma_wait3A_1062 = arith.constant 0 : i32
        %dma_wait3A_1063 = tpu.memref_slice %arg4[%dma_wait3A_1062] : memref<13107200xf32, #tpu.memory_space<hbm>> -> memref<1024xf32, #tpu.memory_space<hbm>>
        %dma_wait3A_1064 = arith.constant 0 : i32
        %dma_wait3A_1065 = tpu.memref_slice %arg8[%dma_wait3A_1064] : memref<25600xf32, #tpu.memory_space<vmem>> -> memref<1024xf32, #tpu.memory_space<vmem>>
        tpu.wait_dma2 semaphore(%arg10 : memref<!tpu.dma_semaphore, #tpu.memory_space<semaphore_mem>>) src(%dma_wait3A_1065 : memref<1024xf32, #tpu.memory_space<vmem>>) dst(%dma_wait3A_1063 : memref<1024xf32, #tpu.memory_space<hbm>>)
      } else {
      }
      %parallel_loop3A_653 = arith.constant 0 : i32
      %parallel_loop3A_654 = arith.constant 400 : i32
      %parallel_loop3A_655 = arith.constant 1 : i32
      scf.for %parallel_loop3A_866 = %parallel_loop3A_653 to %parallel_loop3A_654 step %parallel_loop3A_655  : i32 {
        %parallel_loop3A_867 = arith.constant 4 : i32
        %parallel_loop3A_868 = arith.shrsi %parallel_loop3A_866, %parallel_loop3A_867 : i32
        %parallel_loop3A_869 = arith.constant 4 : i32
        %parallel_loop3A_870 = arith.shli %parallel_loop3A_868, %parallel_loop3A_869 : i32
        %parallel_loop3A_871 = arith.subi %parallel_loop3A_866, %parallel_loop3A_870 : i32
        %parallel_loop3A_872 = arith.constant 16 : i32
        %parallel_loop3A_873 = arith.muli %parallel_loop3A_871, %parallel_loop3A_872 : i32
        %parallel_loop3A_874 = arith.constant 200 : i32
        %parallel_loop3A_875 = arith.muli %parallel_loop3A_873, %parallel_loop3A_874 : i32
        %parallel_loop3A_876 = arith.constant 25 : i32
        %parallel_loop3A_877 = arith.muli %sub3A_642, %parallel_loop3A_876 : i32
        %parallel_loop3A_878 = arith.addi %parallel_loop3A_875, %parallel_loop3A_877 : i32
        %parallel_loop3A_879 = arith.addi %parallel_loop3A_878, %parallel_loop3A_868 : i32
        %parallel_loop3A_880 = vector.broadcast %parallel_loop3A_879 : i32 to vector<16xi32>
        %parallel_loop3A_881 = arith.addi %parallel_loop3A_880, %mul3A_5 : vector<16xi32>
        %parallel_loop3A_882 = tpu.vector_load_idx %arg6[%parallel_loop3A_881] : memref<51200xi32, #tpu.memory_space<vmem>>[vector<16xi32>], vector<16xi32>,
        %parallel_loop3A_883 = arith.constant 0 : i32
        %parallel_loop3A_884 = vector.broadcast %parallel_loop3A_883 : i32 to vector<16xi32>
        %parallel_loop3A_885 = arith.maxsi %parallel_loop3A_882, %parallel_loop3A_884 : vector<16xi32>
        %parallel_loop3A_886 = arith.constant 2048 : i32
        %parallel_loop3A_887 = vector.broadcast %parallel_loop3A_886 : i32 to vector<16xi32>
        %parallel_loop3A_888 = arith.minsi %parallel_loop3A_885, %parallel_loop3A_887 : vector<16xi32>
        %parallel_loop3A_889 = arith.constant 4 : i32
        %parallel_loop3A_890 = vector.broadcast %parallel_loop3A_889 : i32 to vector<16xi32>
        %parallel_loop3A_891 = arith.muli %parallel_loop3A_888, %parallel_loop3A_890 : vector<16xi32>
        %parallel_loop3A_892 = arith.constant 3 : i32
        %parallel_loop3A_893 = arith.shrsi %parallel_loop3A_871, %parallel_loop3A_892 : i32
        %parallel_loop3A_894 = arith.constant 1024 : i32
        %parallel_loop3A_895 = arith.muli %parallel_loop3A_868, %parallel_loop3A_894 : i32
        %parallel_loop3A_896 = arith.constant 512 : i32
        %parallel_loop3A_897 = arith.muli %parallel_loop3A_893, %parallel_loop3A_896 : i32
        %parallel_loop3A_898 = arith.addi %parallel_loop3A_895, %parallel_loop3A_897 : i32
        %parallel_loop3A_899 = arith.constant 3 : i32
        %parallel_loop3A_900 = arith.shli %parallel_loop3A_893, %parallel_loop3A_899 : i32
        %parallel_loop3A_901 = arith.subi %parallel_loop3A_871, %parallel_loop3A_900 : i32
        %parallel_loop3A_902 = arith.constant 16 : i32
        %parallel_loop3A_903 = arith.muli %parallel_loop3A_901, %parallel_loop3A_902 : i32
        %parallel_loop3A_904 = arith.addi %parallel_loop3A_898, %parallel_loop3A_903 : i32
        %parallel_loop3A_905 = arith.constant 0 : i32
        %parallel_loop3A_906 = vector.broadcast %parallel_loop3A_905 : i32 to vector<16xi32>
        %parallel_loop3A_907 = arith.addi %parallel_loop3A_891, %parallel_loop3A_906 : vector<16xi32>
        %parallel_loop3A_908 = tpu.vector_load_idx %arg5[%parallel_loop3A_907] : memref<8200xf32, #tpu.memory_space<vmem>>[vector<16xi32>], vector<16xf32>,
        %parallel_loop3A_909 = arith.constant 0 : i32
        %parallel_loop3A_910 = arith.addi %parallel_loop3A_904, %parallel_loop3A_909 : i32
        %parallel_loop3A_911 = arith.index_cast %parallel_loop3A_910 : i32 to index
        %parallel_loop3A_912 = tpu.vector_load %arg8[%parallel_loop3A_911] {strides = array<i32>} : memref<25600xf32, #tpu.memory_space<vmem>>, vector<16xf32>,
        tpu.vector_store %arg8[%parallel_loop3A_911], %parallel_loop3A_908 {strides = array<i32>} : memref<25600xf32, #tpu.memory_space<vmem>>, vector<16xf32>,
        %parallel_loop3A_913 = arith.constant 1 : i32
        %parallel_loop3A_914 = vector.broadcast %parallel_loop3A_913 : i32 to vector<16xi32>
        %parallel_loop3A_915 = arith.addi %parallel_loop3A_891, %parallel_loop3A_914 : vector<16xi32>
        %parallel_loop3A_916 = tpu.vector_load_idx %arg5[%parallel_loop3A_915] : memref<8200xf32, #tpu.memory_space<vmem>>[vector<16xi32>], vector<16xf32>,
        %parallel_loop3A_917 = arith.constant 128 : i32
        %parallel_loop3A_918 = arith.addi %parallel_loop3A_904, %parallel_loop3A_917 : i32
        %parallel_loop3A_919 = arith.index_cast %parallel_loop3A_918 : i32 to index
        %parallel_loop3A_920 = tpu.vector_load %arg8[%parallel_loop3A_919] {strides = array<i32>} : memref<25600xf32, #tpu.memory_space<vmem>>, vector<16xf32>,
        tpu.vector_store %arg8[%parallel_loop3A_919], %parallel_loop3A_916 {strides = array<i32>} : memref<25600xf32, #tpu.memory_space<vmem>>, vector<16xf32>,
        %parallel_loop3A_921 = arith.constant 2 : i32
        %parallel_loop3A_922 = vector.broadcast %parallel_loop3A_921 : i32 to vector<16xi32>
        %parallel_loop3A_923 = arith.addi %parallel_loop3A_891, %parallel_loop3A_922 : vector<16xi32>
        %parallel_loop3A_924 = tpu.vector_load_idx %arg5[%parallel_loop3A_923] : memref<8200xf32, #tpu.memory_space<vmem>>[vector<16xi32>], vector<16xf32>,
        %parallel_loop3A_925 = arith.constant 256 : i32
        %parallel_loop3A_926 = arith.addi %parallel_loop3A_904, %parallel_loop3A_925 : i32
        %parallel_loop3A_927 = arith.index_cast %parallel_loop3A_926 : i32 to index
        %parallel_loop3A_928 = tpu.vector_load %arg8[%parallel_loop3A_927] {strides = array<i32>} : memref<25600xf32, #tpu.memory_space<vmem>>, vector<16xf32>,
        tpu.vector_store %arg8[%parallel_loop3A_927], %parallel_loop3A_924 {strides = array<i32>} : memref<25600xf32, #tpu.memory_space<vmem>>, vector<16xf32>,
        %parallel_loop3A_929 = arith.constant 3 : i32
        %parallel_loop3A_930 = vector.broadcast %parallel_loop3A_929 : i32 to vector<16xi32>
        %parallel_loop3A_931 = arith.addi %parallel_loop3A_891, %parallel_loop3A_930 : vector<16xi32>
        %parallel_loop3A_932 = tpu.vector_load_idx %arg5[%parallel_loop3A_931] : memref<8200xf32, #tpu.memory_space<vmem>>[vector<16xi32>], vector<16xf32>,
        %parallel_loop3A_933 = arith.constant 384 : i32
        %parallel_loop3A_934 = arith.addi %parallel_loop3A_904, %parallel_loop3A_933 : i32
        %parallel_loop3A_935 = arith.index_cast %parallel_loop3A_934 : i32 to index
        %parallel_loop3A_936 = tpu.vector_load %arg8[%parallel_loop3A_935] {strides = array<i32>} : memref<25600xf32, #tpu.memory_space<vmem>>, vector<16xf32>,
        tpu.vector_store %arg8[%parallel_loop3A_935], %parallel_loop3A_932 {strides = array<i32>} : memref<25600xf32, #tpu.memory_space<vmem>>, vector<16xf32>,
      } {sc.loop_unroll_factor = 8 : i64, sc.parallel_access}
      %mul3A_656 = arith.constant 25 : i32
      %mul3A_657 = arith.muli %sub3A_642, %mul3A_656 : i32
      %mul3A_658 = arith.constant 65536 : i32
      %mul3A_659 = arith.muli %mul3A_657, %mul3A_658 : i32
      %mul3A_660 = arith.constant 2048 : i32
      %mul3A_661 = arith.muli %add3A, %mul3A_660 : i32
      %add3A_662 = arith.addi %mul3A_659, %mul3A_661 : i32
      %mul3A_663 = arith.constant 1024 : i32
      %mul3A_664 = arith.muli %shift_right_arithmetic3A_639, %mul3A_663 : i32
      %add3A_665 = arith.addi %add3A_662, %mul3A_664 : i32
      %add3A_666 = arith.constant 0 : i32
      %add3A_667 = arith.addi %add3A_665, %add3A_666 : i32
      %dma_start3A_668 = arith.constant 0 : i32
      %dma_start3A_669 = tpu.memref_slice %arg8[%dma_start3A_668] : memref<25600xf32, #tpu.memory_space<vmem>> -> memref<1024xf32, #tpu.memory_space<vmem>>
      %dma_start3A_670 = tpu.memref_slice %arg4[%add3A_667] : memref<13107200xf32, #tpu.memory_space<hbm>> -> memref<1024xf32, #tpu.memory_space<hbm>>
      %dma_start3A_671 = tpu.memref_slice %arg4[%add3A_667] : memref<13107200xf32, #tpu.memory_space<hbm>> -> memref<1024xf32, #tpu.memory_space<hbm>>
      %dma_start3A_672 = arith.constant 0 : i32
      %dma_start3A_673 = tpu.memref_slice %arg8[%dma_start3A_672] : memref<25600xf32, #tpu.memory_space<vmem>> -> memref<1024xf32, #tpu.memory_space<vmem>>
      tpu.enqueue_dma source(%dma_start3A_673 : memref<1024xf32, #tpu.memory_space<vmem>>) target(%dma_start3A_671 : memref<1024xf32, #tpu.memory_space<hbm>>) target_semaphore(%arg10 : memref<!tpu.dma_semaphore, #tpu.memory_space<semaphore_mem>>)
      %add3A_674 = arith.constant 65536 : i32
      %add3A_675 = arith.addi %add3A_665, %add3A_674 : i32
      %dma_start3A_676 = arith.constant 1024 : i32
      %dma_start3A_677 = tpu.memref_slice %arg8[%dma_start3A_676] : memref<25600xf32, #tpu.memory_space<vmem>> -> memref<1024xf32, #tpu.memory_space<vmem>>
      %dma_start3A_678 = tpu.memref_slice %arg4[%add3A_675] : memref<13107200xf32, #tpu.memory_space<hbm>> -> memref<1024xf32, #tpu.memory_space<hbm>>
      %dma_start3A_679 = tpu.memref_slice %arg4[%add3A_675] : memref<13107200xf32, #tpu.memory_space<hbm>> -> memref<1024xf32, #tpu.memory_space<hbm>>
      %dma_start3A_680 = arith.constant 1024 : i32
      %dma_start3A_681 = tpu.memref_slice %arg8[%dma_start3A_680] : memref<25600xf32, #tpu.memory_space<vmem>> -> memref<1024xf32, #tpu.memory_space<vmem>>
      tpu.enqueue_dma source(%dma_start3A_681 : memref<1024xf32, #tpu.memory_space<vmem>>) target(%dma_start3A_679 : memref<1024xf32, #tpu.memory_space<hbm>>) target_semaphore(%arg10 : memref<!tpu.dma_semaphore, #tpu.memory_space<semaphore_mem>>)
      %add3A_682 = arith.constant 131072 : i32
      %add3A_683 = arith.addi %add3A_665, %add3A_682 : i32
      %dma_start3A_684 = arith.constant 2048 : i32
      %dma_start3A_685 = tpu.memref_slice %arg8[%dma_start3A_684] : memref<25600xf32, #tpu.memory_space<vmem>> -> memref<1024xf32, #tpu.memory_space<vmem>>
      %dma_start3A_686 = tpu.memref_slice %arg4[%add3A_683] : memref<13107200xf32, #tpu.memory_space<hbm>> -> memref<1024xf32, #tpu.memory_space<hbm>>
      %dma_start3A_687 = tpu.memref_slice %arg4[%add3A_683] : memref<13107200xf32, #tpu.memory_space<hbm>> -> memref<1024xf32, #tpu.memory_space<hbm>>
      %dma_start3A_688 = arith.constant 2048 : i32
      %dma_start3A_689 = tpu.memref_slice %arg8[%dma_start3A_688] : memref<25600xf32, #tpu.memory_space<vmem>> -> memref<1024xf32, #tpu.memory_space<vmem>>
      tpu.enqueue_dma source(%dma_start3A_689 : memref<1024xf32, #tpu.memory_space<vmem>>) target(%dma_start3A_687 : memref<1024xf32, #tpu.memory_space<hbm>>) target_semaphore(%arg10 : memref<!tpu.dma_semaphore, #tpu.memory_space<semaphore_mem>>)
      %add3A_690 = arith.constant 196608 : i32
      %add3A_691 = arith.addi %add3A_665, %add3A_690 : i32
      %dma_start3A_692 = arith.constant 3072 : i32
      %dma_start3A_693 = tpu.memref_slice %arg8[%dma_start3A_692] : memref<25600xf32, #tpu.memory_space<vmem>> -> memref<1024xf32, #tpu.memory_space<vmem>>
      %dma_start3A_694 = tpu.memref_slice %arg4[%add3A_691] : memref<13107200xf32, #tpu.memory_space<hbm>> -> memref<1024xf32, #tpu.memory_space<hbm>>
      %dma_start3A_695 = tpu.memref_slice %arg4[%add3A_691] : memref<13107200xf32, #tpu.memory_space<hbm>> -> memref<1024xf32, #tpu.memory_space<hbm>>
      %dma_start3A_696 = arith.constant 3072 : i32
      %dma_start3A_697 = tpu.memref_slice %arg8[%dma_start3A_696] : memref<25600xf32, #tpu.memory_space<vmem>> -> memref<1024xf32, #tpu.memory_space<vmem>>
      tpu.enqueue_dma source(%dma_start3A_697 : memref<1024xf32, #tpu.memory_space<vmem>>) target(%dma_start3A_695 : memref<1024xf32, #tpu.memory_space<hbm>>) target_semaphore(%arg10 : memref<!tpu.dma_semaphore, #tpu.memory_space<semaphore_mem>>)
      %add3A_698 = arith.constant 262144 : i32
      %add3A_699 = arith.addi %add3A_665, %add3A_698 : i32
      %dma_start3A_700 = arith.constant 4096 : i32
      %dma_start3A_701 = tpu.memref_slice %arg8[%dma_start3A_700] : memref<25600xf32, #tpu.memory_space<vmem>> -> memref<1024xf32, #tpu.memory_space<vmem>>
      %dma_start3A_702 = tpu.memref_slice %arg4[%add3A_699] : memref<13107200xf32, #tpu.memory_space<hbm>> -> memref<1024xf32, #tpu.memory_space<hbm>>
      %dma_start3A_703 = tpu.memref_slice %arg4[%add3A_699] : memref<13107200xf32, #tpu.memory_space<hbm>> -> memref<1024xf32, #tpu.memory_space<hbm>>
      %dma_start3A_704 = arith.constant 4096 : i32
      %dma_start3A_705 = tpu.memref_slice %arg8[%dma_start3A_704] : memref<25600xf32, #tpu.memory_space<vmem>> -> memref<1024xf32, #tpu.memory_space<vmem>>
      tpu.enqueue_dma source(%dma_start3A_705 : memref<1024xf32, #tpu.memory_space<vmem>>) target(%dma_start3A_703 : memref<1024xf32, #tpu.memory_space<hbm>>) target_semaphore(%arg10 : memref<!tpu.dma_semaphore, #tpu.memory_space<semaphore_mem>>)
      %add3A_706 = arith.constant 327680 : i32
      %add3A_707 = arith.addi %add3A_665, %add3A_706 : i32
      %dma_start3A_708 = arith.constant 5120 : i32
      %dma_start3A_709 = tpu.memref_slice %arg8[%dma_start3A_708] : memref<25600xf32, #tpu.memory_space<vmem>> -> memref<1024xf32, #tpu.memory_space<vmem>>
      %dma_start3A_710 = tpu.memref_slice %arg4[%add3A_707] : memref<13107200xf32, #tpu.memory_space<hbm>> -> memref<1024xf32, #tpu.memory_space<hbm>>
      %dma_start3A_711 = tpu.memref_slice %arg4[%add3A_707] : memref<13107200xf32, #tpu.memory_space<hbm>> -> memref<1024xf32, #tpu.memory_space<hbm>>
      %dma_start3A_712 = arith.constant 5120 : i32
      %dma_start3A_713 = tpu.memref_slice %arg8[%dma_start3A_712] : memref<25600xf32, #tpu.memory_space<vmem>> -> memref<1024xf32, #tpu.memory_space<vmem>>
      tpu.enqueue_dma source(%dma_start3A_713 : memref<1024xf32, #tpu.memory_space<vmem>>) target(%dma_start3A_711 : memref<1024xf32, #tpu.memory_space<hbm>>) target_semaphore(%arg10 : memref<!tpu.dma_semaphore, #tpu.memory_space<semaphore_mem>>)
      %add3A_714 = arith.constant 393216 : i32
      %add3A_715 = arith.addi %add3A_665, %add3A_714 : i32
      %dma_start3A_716 = arith.constant 6144 : i32
      %dma_start3A_717 = tpu.memref_slice %arg8[%dma_start3A_716] : memref<25600xf32, #tpu.memory_space<vmem>> -> memref<1024xf32, #tpu.memory_space<vmem>>
      %dma_start3A_718 = tpu.memref_slice %arg4[%add3A_715] : memref<13107200xf32, #tpu.memory_space<hbm>> -> memref<1024xf32, #tpu.memory_space<hbm>>
      %dma_start3A_719 = tpu.memref_slice %arg4[%add3A_715] : memref<13107200xf32, #tpu.memory_space<hbm>> -> memref<1024xf32, #tpu.memory_space<hbm>>
      %dma_start3A_720 = arith.constant 6144 : i32
      %dma_start3A_721 = tpu.memref_slice %arg8[%dma_start3A_720] : memref<25600xf32, #tpu.memory_space<vmem>> -> memref<1024xf32, #tpu.memory_space<vmem>>
      tpu.enqueue_dma source(%dma_start3A_721 : memref<1024xf32, #tpu.memory_space<vmem>>) target(%dma_start3A_719 : memref<1024xf32, #tpu.memory_space<hbm>>) target_semaphore(%arg10 : memref<!tpu.dma_semaphore, #tpu.memory_space<semaphore_mem>>)
      %add3A_722 = arith.constant 458752 : i32
      %add3A_723 = arith.addi %add3A_665, %add3A_722 : i32
      %dma_start3A_724 = arith.constant 7168 : i32
      %dma_start3A_725 = tpu.memref_slice %arg8[%dma_start3A_724] : memref<25600xf32, #tpu.memory_space<vmem>> -> memref<1024xf32, #tpu.memory_space<vmem>>
      %dma_start3A_726 = tpu.memref_slice %arg4[%add3A_723] : memref<13107200xf32, #tpu.memory_space<hbm>> -> memref<1024xf32, #tpu.memory_space<hbm>>
      %dma_start3A_727 = tpu.memref_slice %arg4[%add3A_723] : memref<13107200xf32, #tpu.memory_space<hbm>> -> memref<1024xf32, #tpu.memory_space<hbm>>
      %dma_start3A_728 = arith.constant 7168 : i32
      %dma_start3A_729 = tpu.memref_slice %arg8[%dma_start3A_728] : memref<25600xf32, #tpu.memory_space<vmem>> -> memref<1024xf32, #tpu.memory_space<vmem>>
      tpu.enqueue_dma source(%dma_start3A_729 : memref<1024xf32, #tpu.memory_space<vmem>>) target(%dma_start3A_727 : memref<1024xf32, #tpu.memory_space<hbm>>) target_semaphore(%arg10 : memref<!tpu.dma_semaphore, #tpu.memory_space<semaphore_mem>>)
      %add3A_730 = arith.constant 524288 : i32
      %add3A_731 = arith.addi %add3A_665, %add3A_730 : i32
      %dma_start3A_732 = arith.constant 8192 : i32
      %dma_start3A_733 = tpu.memref_slice %arg8[%dma_start3A_732] : memref<25600xf32, #tpu.memory_space<vmem>> -> memref<1024xf32, #tpu.memory_space<vmem>>
      %dma_start3A_734 = tpu.memref_slice %arg4[%add3A_731] : memref<13107200xf32, #tpu.memory_space<hbm>> -> memref<1024xf32, #tpu.memory_space<hbm>>
      %dma_start3A_735 = tpu.memref_slice %arg4[%add3A_731] : memref<13107200xf32, #tpu.memory_space<hbm>> -> memref<1024xf32, #tpu.memory_space<hbm>>
      %dma_start3A_736 = arith.constant 8192 : i32
      %dma_start3A_737 = tpu.memref_slice %arg8[%dma_start3A_736] : memref<25600xf32, #tpu.memory_space<vmem>> -> memref<1024xf32, #tpu.memory_space<vmem>>
      tpu.enqueue_dma source(%dma_start3A_737 : memref<1024xf32, #tpu.memory_space<vmem>>) target(%dma_start3A_735 : memref<1024xf32, #tpu.memory_space<hbm>>) target_semaphore(%arg10 : memref<!tpu.dma_semaphore, #tpu.memory_space<semaphore_mem>>)
      %add3A_738 = arith.constant 589824 : i32
      %add3A_739 = arith.addi %add3A_665, %add3A_738 : i32
      %dma_start3A_740 = arith.constant 9216 : i32
      %dma_start3A_741 = tpu.memref_slice %arg8[%dma_start3A_740] : memref<25600xf32, #tpu.memory_space<vmem>> -> memref<1024xf32, #tpu.memory_space<vmem>>
      %dma_start3A_742 = tpu.memref_slice %arg4[%add3A_739] : memref<13107200xf32, #tpu.memory_space<hbm>> -> memref<1024xf32, #tpu.memory_space<hbm>>
      %dma_start3A_743 = tpu.memref_slice %arg4[%add3A_739] : memref<13107200xf32, #tpu.memory_space<hbm>> -> memref<1024xf32, #tpu.memory_space<hbm>>
      %dma_start3A_744 = arith.constant 9216 : i32
      %dma_start3A_745 = tpu.memref_slice %arg8[%dma_start3A_744] : memref<25600xf32, #tpu.memory_space<vmem>> -> memref<1024xf32, #tpu.memory_space<vmem>>
      tpu.enqueue_dma source(%dma_start3A_745 : memref<1024xf32, #tpu.memory_space<vmem>>) target(%dma_start3A_743 : memref<1024xf32, #tpu.memory_space<hbm>>) target_semaphore(%arg10 : memref<!tpu.dma_semaphore, #tpu.memory_space<semaphore_mem>>)
      %add3A_746 = arith.constant 655360 : i32
      %add3A_747 = arith.addi %add3A_665, %add3A_746 : i32
      %dma_start3A_748 = arith.constant 10240 : i32
      %dma_start3A_749 = tpu.memref_slice %arg8[%dma_start3A_748] : memref<25600xf32, #tpu.memory_space<vmem>> -> memref<1024xf32, #tpu.memory_space<vmem>>
      %dma_start3A_750 = tpu.memref_slice %arg4[%add3A_747] : memref<13107200xf32, #tpu.memory_space<hbm>> -> memref<1024xf32, #tpu.memory_space<hbm>>
      %dma_start3A_751 = tpu.memref_slice %arg4[%add3A_747] : memref<13107200xf32, #tpu.memory_space<hbm>> -> memref<1024xf32, #tpu.memory_space<hbm>>
      %dma_start3A_752 = arith.constant 10240 : i32
      %dma_start3A_753 = tpu.memref_slice %arg8[%dma_start3A_752] : memref<25600xf32, #tpu.memory_space<vmem>> -> memref<1024xf32, #tpu.memory_space<vmem>>
      tpu.enqueue_dma source(%dma_start3A_753 : memref<1024xf32, #tpu.memory_space<vmem>>) target(%dma_start3A_751 : memref<1024xf32, #tpu.memory_space<hbm>>) target_semaphore(%arg10 : memref<!tpu.dma_semaphore, #tpu.memory_space<semaphore_mem>>)
      %add3A_754 = arith.constant 720896 : i32
      %add3A_755 = arith.addi %add3A_665, %add3A_754 : i32
      %dma_start3A_756 = arith.constant 11264 : i32
      %dma_start3A_757 = tpu.memref_slice %arg8[%dma_start3A_756] : memref<25600xf32, #tpu.memory_space<vmem>> -> memref<1024xf32, #tpu.memory_space<vmem>>
      %dma_start3A_758 = tpu.memref_slice %arg4[%add3A_755] : memref<13107200xf32, #tpu.memory_space<hbm>> -> memref<1024xf32, #tpu.memory_space<hbm>>
      %dma_start3A_759 = tpu.memref_slice %arg4[%add3A_755] : memref<13107200xf32, #tpu.memory_space<hbm>> -> memref<1024xf32, #tpu.memory_space<hbm>>
      %dma_start3A_760 = arith.constant 11264 : i32
      %dma_start3A_761 = tpu.memref_slice %arg8[%dma_start3A_760] : memref<25600xf32, #tpu.memory_space<vmem>> -> memref<1024xf32, #tpu.memory_space<vmem>>
      tpu.enqueue_dma source(%dma_start3A_761 : memref<1024xf32, #tpu.memory_space<vmem>>) target(%dma_start3A_759 : memref<1024xf32, #tpu.memory_space<hbm>>) target_semaphore(%arg10 : memref<!tpu.dma_semaphore, #tpu.memory_space<semaphore_mem>>)
      %add3A_762 = arith.constant 786432 : i32
      %add3A_763 = arith.addi %add3A_665, %add3A_762 : i32
      %dma_start3A_764 = arith.constant 12288 : i32
      %dma_start3A_765 = tpu.memref_slice %arg8[%dma_start3A_764] : memref<25600xf32, #tpu.memory_space<vmem>> -> memref<1024xf32, #tpu.memory_space<vmem>>
      %dma_start3A_766 = tpu.memref_slice %arg4[%add3A_763] : memref<13107200xf32, #tpu.memory_space<hbm>> -> memref<1024xf32, #tpu.memory_space<hbm>>
      %dma_start3A_767 = tpu.memref_slice %arg4[%add3A_763] : memref<13107200xf32, #tpu.memory_space<hbm>> -> memref<1024xf32, #tpu.memory_space<hbm>>
      %dma_start3A_768 = arith.constant 12288 : i32
      %dma_start3A_769 = tpu.memref_slice %arg8[%dma_start3A_768] : memref<25600xf32, #tpu.memory_space<vmem>> -> memref<1024xf32, #tpu.memory_space<vmem>>
      tpu.enqueue_dma source(%dma_start3A_769 : memref<1024xf32, #tpu.memory_space<vmem>>) target(%dma_start3A_767 : memref<1024xf32, #tpu.memory_space<hbm>>) target_semaphore(%arg10 : memref<!tpu.dma_semaphore, #tpu.memory_space<semaphore_mem>>)
      %add3A_770 = arith.constant 851968 : i32
      %add3A_771 = arith.addi %add3A_665, %add3A_770 : i32
      %dma_start3A_772 = arith.constant 13312 : i32
      %dma_start3A_773 = tpu.memref_slice %arg8[%dma_start3A_772] : memref<25600xf32, #tpu.memory_space<vmem>> -> memref<1024xf32, #tpu.memory_space<vmem>>
      %dma_start3A_774 = tpu.memref_slice %arg4[%add3A_771] : memref<13107200xf32, #tpu.memory_space<hbm>> -> memref<1024xf32, #tpu.memory_space<hbm>>
      %dma_start3A_775 = tpu.memref_slice %arg4[%add3A_771] : memref<13107200xf32, #tpu.memory_space<hbm>> -> memref<1024xf32, #tpu.memory_space<hbm>>
      %dma_start3A_776 = arith.constant 13312 : i32
      %dma_start3A_777 = tpu.memref_slice %arg8[%dma_start3A_776] : memref<25600xf32, #tpu.memory_space<vmem>> -> memref<1024xf32, #tpu.memory_space<vmem>>
      tpu.enqueue_dma source(%dma_start3A_777 : memref<1024xf32, #tpu.memory_space<vmem>>) target(%dma_start3A_775 : memref<1024xf32, #tpu.memory_space<hbm>>) target_semaphore(%arg10 : memref<!tpu.dma_semaphore, #tpu.memory_space<semaphore_mem>>)
      %add3A_778 = arith.constant 917504 : i32
      %add3A_779 = arith.addi %add3A_665, %add3A_778 : i32
      %dma_start3A_780 = arith.constant 14336 : i32
      %dma_start3A_781 = tpu.memref_slice %arg8[%dma_start3A_780] : memref<25600xf32, #tpu.memory_space<vmem>> -> memref<1024xf32, #tpu.memory_space<vmem>>
      %dma_start3A_782 = tpu.memref_slice %arg4[%add3A_779] : memref<13107200xf32, #tpu.memory_space<hbm>> -> memref<1024xf32, #tpu.memory_space<hbm>>
      %dma_start3A_783 = tpu.memref_slice %arg4[%add3A_779] : memref<13107200xf32, #tpu.memory_space<hbm>> -> memref<1024xf32, #tpu.memory_space<hbm>>
      %dma_start3A_784 = arith.constant 14336 : i32
      %dma_start3A_785 = tpu.memref_slice %arg8[%dma_start3A_784] : memref<25600xf32, #tpu.memory_space<vmem>> -> memref<1024xf32, #tpu.memory_space<vmem>>
      tpu.enqueue_dma source(%dma_start3A_785 : memref<1024xf32, #tpu.memory_space<vmem>>) target(%dma_start3A_783 : memref<1024xf32, #tpu.memory_space<hbm>>) target_semaphore(%arg10 : memref<!tpu.dma_semaphore, #tpu.memory_space<semaphore_mem>>)
      %add3A_786 = arith.constant 983040 : i32
      %add3A_787 = arith.addi %add3A_665, %add3A_786 : i32
      %dma_start3A_788 = arith.constant 15360 : i32
      %dma_start3A_789 = tpu.memref_slice %arg8[%dma_start3A_788] : memref<25600xf32, #tpu.memory_space<vmem>> -> memref<1024xf32, #tpu.memory_space<vmem>>
      %dma_start3A_790 = tpu.memref_slice %arg4[%add3A_787] : memref<13107200xf32, #tpu.memory_space<hbm>> -> memref<1024xf32, #tpu.memory_space<hbm>>
      %dma_start3A_791 = tpu.memref_slice %arg4[%add3A_787] : memref<13107200xf32, #tpu.memory_space<hbm>> -> memref<1024xf32, #tpu.memory_space<hbm>>
      %dma_start3A_792 = arith.constant 15360 : i32
      %dma_start3A_793 = tpu.memref_slice %arg8[%dma_start3A_792] : memref<25600xf32, #tpu.memory_space<vmem>> -> memref<1024xf32, #tpu.memory_space<vmem>>
      tpu.enqueue_dma source(%dma_start3A_793 : memref<1024xf32, #tpu.memory_space<vmem>>) target(%dma_start3A_791 : memref<1024xf32, #tpu.memory_space<hbm>>) target_semaphore(%arg10 : memref<!tpu.dma_semaphore, #tpu.memory_space<semaphore_mem>>)
      %add3A_794 = arith.constant 1048576 : i32
      %add3A_795 = arith.addi %add3A_665, %add3A_794 : i32
      %dma_start3A_796 = arith.constant 16384 : i32
      %dma_start3A_797 = tpu.memref_slice %arg8[%dma_start3A_796] : memref<25600xf32, #tpu.memory_space<vmem>> -> memref<1024xf32, #tpu.memory_space<vmem>>
      %dma_start3A_798 = tpu.memref_slice %arg4[%add3A_795] : memref<13107200xf32, #tpu.memory_space<hbm>> -> memref<1024xf32, #tpu.memory_space<hbm>>
      %dma_start3A_799 = tpu.memref_slice %arg4[%add3A_795] : memref<13107200xf32, #tpu.memory_space<hbm>> -> memref<1024xf32, #tpu.memory_space<hbm>>
      %dma_start3A_800 = arith.constant 16384 : i32
      %dma_start3A_801 = tpu.memref_slice %arg8[%dma_start3A_800] : memref<25600xf32, #tpu.memory_space<vmem>> -> memref<1024xf32, #tpu.memory_space<vmem>>
      tpu.enqueue_dma source(%dma_start3A_801 : memref<1024xf32, #tpu.memory_space<vmem>>) target(%dma_start3A_799 : memref<1024xf32, #tpu.memory_space<hbm>>) target_semaphore(%arg10 : memref<!tpu.dma_semaphore, #tpu.memory_space<semaphore_mem>>)
      %add3A_802 = arith.constant 1114112 : i32
      %add3A_803 = arith.addi %add3A_665, %add3A_802 : i32
      %dma_start3A_804 = arith.constant 17408 : i32
      %dma_start3A_805 = tpu.memref_slice %arg8[%dma_start3A_804] : memref<25600xf32, #tpu.memory_space<vmem>> -> memref<1024xf32, #tpu.memory_space<vmem>>
      %dma_start3A_806 = tpu.memref_slice %arg4[%add3A_803] : memref<13107200xf32, #tpu.memory_space<hbm>> -> memref<1024xf32, #tpu.memory_space<hbm>>
      %dma_start3A_807 = tpu.memref_slice %arg4[%add3A_803] : memref<13107200xf32, #tpu.memory_space<hbm>> -> memref<1024xf32, #tpu.memory_space<hbm>>
      %dma_start3A_808 = arith.constant 17408 : i32
      %dma_start3A_809 = tpu.memref_slice %arg8[%dma_start3A_808] : memref<25600xf32, #tpu.memory_space<vmem>> -> memref<1024xf32, #tpu.memory_space<vmem>>
      tpu.enqueue_dma source(%dma_start3A_809 : memref<1024xf32, #tpu.memory_space<vmem>>) target(%dma_start3A_807 : memref<1024xf32, #tpu.memory_space<hbm>>) target_semaphore(%arg10 : memref<!tpu.dma_semaphore, #tpu.memory_space<semaphore_mem>>)
      %add3A_810 = arith.constant 1179648 : i32
      %add3A_811 = arith.addi %add3A_665, %add3A_810 : i32
      %dma_start3A_812 = arith.constant 18432 : i32
      %dma_start3A_813 = tpu.memref_slice %arg8[%dma_start3A_812] : memref<25600xf32, #tpu.memory_space<vmem>> -> memref<1024xf32, #tpu.memory_space<vmem>>
      %dma_start3A_814 = tpu.memref_slice %arg4[%add3A_811] : memref<13107200xf32, #tpu.memory_space<hbm>> -> memref<1024xf32, #tpu.memory_space<hbm>>
      %dma_start3A_815 = tpu.memref_slice %arg4[%add3A_811] : memref<13107200xf32, #tpu.memory_space<hbm>> -> memref<1024xf32, #tpu.memory_space<hbm>>
      %dma_start3A_816 = arith.constant 18432 : i32
      %dma_start3A_817 = tpu.memref_slice %arg8[%dma_start3A_816] : memref<25600xf32, #tpu.memory_space<vmem>> -> memref<1024xf32, #tpu.memory_space<vmem>>
      tpu.enqueue_dma source(%dma_start3A_817 : memref<1024xf32, #tpu.memory_space<vmem>>) target(%dma_start3A_815 : memref<1024xf32, #tpu.memory_space<hbm>>) target_semaphore(%arg10 : memref<!tpu.dma_semaphore, #tpu.memory_space<semaphore_mem>>)
      %add3A_818 = arith.constant 1245184 : i32
      %add3A_819 = arith.addi %add3A_665, %add3A_818 : i32
      %dma_start3A_820 = arith.constant 19456 : i32
      %dma_start3A_821 = tpu.memref_slice %arg8[%dma_start3A_820] : memref<25600xf32, #tpu.memory_space<vmem>> -> memref<1024xf32, #tpu.memory_space<vmem>>
      %dma_start3A_822 = tpu.memref_slice %arg4[%add3A_819] : memref<13107200xf32, #tpu.memory_space<hbm>> -> memref<1024xf32, #tpu.memory_space<hbm>>
      %dma_start3A_823 = tpu.memref_slice %arg4[%add3A_819] : memref<13107200xf32, #tpu.memory_space<hbm>> -> memref<1024xf32, #tpu.memory_space<hbm>>
      %dma_start3A_824 = arith.constant 19456 : i32
      %dma_start3A_825 = tpu.memref_slice %arg8[%dma_start3A_824] : memref<25600xf32, #tpu.memory_space<vmem>> -> memref<1024xf32, #tpu.memory_space<vmem>>
      tpu.enqueue_dma source(%dma_start3A_825 : memref<1024xf32, #tpu.memory_space<vmem>>) target(%dma_start3A_823 : memref<1024xf32, #tpu.memory_space<hbm>>) target_semaphore(%arg10 : memref<!tpu.dma_semaphore, #tpu.memory_space<semaphore_mem>>)
      %add3A_826 = arith.constant 1310720 : i32
      %add3A_827 = arith.addi %add3A_665, %add3A_826 : i32
      %dma_start3A_828 = arith.constant 20480 : i32
      %dma_start3A_829 = tpu.memref_slice %arg8[%dma_start3A_828] : memref<25600xf32, #tpu.memory_space<vmem>> -> memref<1024xf32, #tpu.memory_space<vmem>>
      %dma_start3A_830 = tpu.memref_slice %arg4[%add3A_827] : memref<13107200xf32, #tpu.memory_space<hbm>> -> memref<1024xf32, #tpu.memory_space<hbm>>
      %dma_start3A_831 = tpu.memref_slice %arg4[%add3A_827] : memref<13107200xf32, #tpu.memory_space<hbm>> -> memref<1024xf32, #tpu.memory_space<hbm>>
      %dma_start3A_832 = arith.constant 20480 : i32
      %dma_start3A_833 = tpu.memref_slice %arg8[%dma_start3A_832] : memref<25600xf32, #tpu.memory_space<vmem>> -> memref<1024xf32, #tpu.memory_space<vmem>>
      tpu.enqueue_dma source(%dma_start3A_833 : memref<1024xf32, #tpu.memory_space<vmem>>) target(%dma_start3A_831 : memref<1024xf32, #tpu.memory_space<hbm>>) target_semaphore(%arg10 : memref<!tpu.dma_semaphore, #tpu.memory_space<semaphore_mem>>)
      %add3A_834 = arith.constant 1376256 : i32
      %add3A_835 = arith.addi %add3A_665, %add3A_834 : i32
      %dma_start3A_836 = arith.constant 21504 : i32
      %dma_start3A_837 = tpu.memref_slice %arg8[%dma_start3A_836] : memref<25600xf32, #tpu.memory_space<vmem>> -> memref<1024xf32, #tpu.memory_space<vmem>>
      %dma_start3A_838 = tpu.memref_slice %arg4[%add3A_835] : memref<13107200xf32, #tpu.memory_space<hbm>> -> memref<1024xf32, #tpu.memory_space<hbm>>
      %dma_start3A_839 = tpu.memref_slice %arg4[%add3A_835] : memref<13107200xf32, #tpu.memory_space<hbm>> -> memref<1024xf32, #tpu.memory_space<hbm>>
      %dma_start3A_840 = arith.constant 21504 : i32
      %dma_start3A_841 = tpu.memref_slice %arg8[%dma_start3A_840] : memref<25600xf32, #tpu.memory_space<vmem>> -> memref<1024xf32, #tpu.memory_space<vmem>>
      tpu.enqueue_dma source(%dma_start3A_841 : memref<1024xf32, #tpu.memory_space<vmem>>) target(%dma_start3A_839 : memref<1024xf32, #tpu.memory_space<hbm>>) target_semaphore(%arg10 : memref<!tpu.dma_semaphore, #tpu.memory_space<semaphore_mem>>)
      %add3A_842 = arith.constant 1441792 : i32
      %add3A_843 = arith.addi %add3A_665, %add3A_842 : i32
      %dma_start3A_844 = arith.constant 22528 : i32
      %dma_start3A_845 = tpu.memref_slice %arg8[%dma_start3A_844] : memref<25600xf32, #tpu.memory_space<vmem>> -> memref<1024xf32, #tpu.memory_space<vmem>>
      %dma_start3A_846 = tpu.memref_slice %arg4[%add3A_843] : memref<13107200xf32, #tpu.memory_space<hbm>> -> memref<1024xf32, #tpu.memory_space<hbm>>
      %dma_start3A_847 = tpu.memref_slice %arg4[%add3A_843] : memref<13107200xf32, #tpu.memory_space<hbm>> -> memref<1024xf32, #tpu.memory_space<hbm>>
      %dma_start3A_848 = arith.constant 22528 : i32
      %dma_start3A_849 = tpu.memref_slice %arg8[%dma_start3A_848] : memref<25600xf32, #tpu.memory_space<vmem>> -> memref<1024xf32, #tpu.memory_space<vmem>>
      tpu.enqueue_dma source(%dma_start3A_849 : memref<1024xf32, #tpu.memory_space<vmem>>) target(%dma_start3A_847 : memref<1024xf32, #tpu.memory_space<hbm>>) target_semaphore(%arg10 : memref<!tpu.dma_semaphore, #tpu.memory_space<semaphore_mem>>)
      %add3A_850 = arith.constant 1507328 : i32
      %add3A_851 = arith.addi %add3A_665, %add3A_850 : i32
      %dma_start3A_852 = arith.constant 23552 : i32
      %dma_start3A_853 = tpu.memref_slice %arg8[%dma_start3A_852] : memref<25600xf32, #tpu.memory_space<vmem>> -> memref<1024xf32, #tpu.memory_space<vmem>>
      %dma_start3A_854 = tpu.memref_slice %arg4[%add3A_851] : memref<13107200xf32, #tpu.memory_space<hbm>> -> memref<1024xf32, #tpu.memory_space<hbm>>
      %dma_start3A_855 = tpu.memref_slice %arg4[%add3A_851] : memref<13107200xf32, #tpu.memory_space<hbm>> -> memref<1024xf32, #tpu.memory_space<hbm>>
      %dma_start3A_856 = arith.constant 23552 : i32
      %dma_start3A_857 = tpu.memref_slice %arg8[%dma_start3A_856] : memref<25600xf32, #tpu.memory_space<vmem>> -> memref<1024xf32, #tpu.memory_space<vmem>>
      tpu.enqueue_dma source(%dma_start3A_857 : memref<1024xf32, #tpu.memory_space<vmem>>) target(%dma_start3A_855 : memref<1024xf32, #tpu.memory_space<hbm>>) target_semaphore(%arg10 : memref<!tpu.dma_semaphore, #tpu.memory_space<semaphore_mem>>)
      %add3A_858 = arith.constant 1572864 : i32
      %add3A_859 = arith.addi %add3A_665, %add3A_858 : i32
      %dma_start3A_860 = arith.constant 24576 : i32
      %dma_start3A_861 = tpu.memref_slice %arg8[%dma_start3A_860] : memref<25600xf32, #tpu.memory_space<vmem>> -> memref<1024xf32, #tpu.memory_space<vmem>>
      %dma_start3A_862 = tpu.memref_slice %arg4[%add3A_859] : memref<13107200xf32, #tpu.memory_space<hbm>> -> memref<1024xf32, #tpu.memory_space<hbm>>
      %dma_start3A_863 = tpu.memref_slice %arg4[%add3A_859] : memref<13107200xf32, #tpu.memory_space<hbm>> -> memref<1024xf32, #tpu.memory_space<hbm>>
      %dma_start3A_864 = arith.constant 24576 : i32
      %dma_start3A_865 = tpu.memref_slice %arg8[%dma_start3A_864] : memref<25600xf32, #tpu.memory_space<vmem>> -> memref<1024xf32, #tpu.memory_space<vmem>>
      tpu.enqueue_dma source(%dma_start3A_865 : memref<1024xf32, #tpu.memory_space<vmem>>) target(%dma_start3A_863 : memref<1024xf32, #tpu.memory_space<hbm>>) target_semaphore(%arg10 : memref<!tpu.dma_semaphore, #tpu.memory_space<semaphore_mem>>)
    }
    %scan3A_10 = arith.constant 8 : i32
    %dma_wait3A = arith.constant 0 : i32
    %dma_wait3A_11 = tpu.memref_slice %arg7[%dma_wait3A] : memref<25600xf32, #tpu.memory_space<vmem>> -> memref<1024xf32, #tpu.memory_space<vmem>>
    %dma_wait3A_12 = arith.constant 0 : i32
    %dma_wait3A_13 = tpu.memref_slice %arg4[%dma_wait3A_12] : memref<13107200xf32, #tpu.memory_space<hbm>> -> memref<1024xf32, #tpu.memory_space<hbm>>
    %dma_wait3A_14 = arith.constant 0 : i32
    %dma_wait3A_15 = tpu.memref_slice %arg4[%dma_wait3A_14] : memref<13107200xf32, #tpu.memory_space<hbm>> -> memref<1024xf32, #tpu.memory_space<hbm>>
    %dma_wait3A_16 = arith.constant 0 : i32
    %dma_wait3A_17 = tpu.memref_slice %arg7[%dma_wait3A_16] : memref<25600xf32, #tpu.memory_space<vmem>> -> memref<1024xf32, #tpu.memory_space<vmem>>
    tpu.wait_dma2 semaphore(%arg9 : memref<!tpu.dma_semaphore, #tpu.memory_space<semaphore_mem>>) src(%dma_wait3A_17 : memref<1024xf32, #tpu.memory_space<vmem>>) dst(%dma_wait3A_15 : memref<1024xf32, #tpu.memory_space<hbm>>)
    %dma_wait3A_18 = arith.constant 0 : i32
    %dma_wait3A_19 = tpu.memref_slice %arg7[%dma_wait3A_18] : memref<25600xf32, #tpu.memory_space<vmem>> -> memref<1024xf32, #tpu.memory_space<vmem>>
    %dma_wait3A_20 = arith.constant 0 : i32
    %dma_wait3A_21 = tpu.memref_slice %arg4[%dma_wait3A_20] : memref<13107200xf32, #tpu.memory_space<hbm>> -> memref<1024xf32, #tpu.memory_space<hbm>>
    %dma_wait3A_22 = arith.constant 0 : i32
    %dma_wait3A_23 = tpu.memref_slice %arg4[%dma_wait3A_22] : memref<13107200xf32, #tpu.memory_space<hbm>> -> memref<1024xf32, #tpu.memory_space<hbm>>
    %dma_wait3A_24 = arith.constant 0 : i32
    %dma_wait3A_25 = tpu.memref_slice %arg7[%dma_wait3A_24] : memref<25600xf32, #tpu.memory_space<vmem>> -> memref<1024xf32, #tpu.memory_space<vmem>>
    tpu.wait_dma2 semaphore(%arg9 : memref<!tpu.dma_semaphore, #tpu.memory_space<semaphore_mem>>) src(%dma_wait3A_25 : memref<1024xf32, #tpu.memory_space<vmem>>) dst(%dma_wait3A_23 : memref<1024xf32, #tpu.memory_space<hbm>>)
    %dma_wait3A_26 = arith.constant 0 : i32
    %dma_wait3A_27 = tpu.memref_slice %arg7[%dma_wait3A_26] : memref<25600xf32, #tpu.memory_space<vmem>> -> memref<1024xf32, #tpu.memory_space<vmem>>
    %dma_wait3A_28 = arith.constant 0 : i32
    %dma_wait3A_29 = tpu.memref_slice %arg4[%dma_wait3A_28] : memref<13107200xf32, #tpu.memory_space<hbm>> -> memref<1024xf32, #tpu.memory_space<hbm>>
    %dma_wait3A_30 = arith.constant 0 : i32
    %dma_wait3A_31 = tpu.memref_slice %arg4[%dma_wait3A_30] : memref<13107200xf32, #tpu.memory_space<hbm>> -> memref<1024xf32, #tpu.memory_space<hbm>>
    %dma_wait3A_32 = arith.constant 0 : i32
    %dma_wait3A_33 = tpu.memref_slice %arg7[%dma_wait3A_32] : memref<25600xf32, #tpu.memory_space<vmem>> -> memref<1024xf32, #tpu.memory_space<vmem>>
    tpu.wait_dma2 semaphore(%arg9 : memref<!tpu.dma_semaphore, #tpu.memory_space<semaphore_mem>>) src(%dma_wait3A_33 : memref<1024xf32, #tpu.memory_space<vmem>>) dst(%dma_wait3A_31 : memref<1024xf32, #tpu.memory_space<hbm>>)
    %dma_wait3A_34 = arith.constant 0 : i32
    %dma_wait3A_35 = tpu.memref_slice %arg7[%dma_wait3A_34] : memref<25600xf32, #tpu.memory_space<vmem>> -> memref<1024xf32, #tpu.memory_space<vmem>>
    %dma_wait3A_36 = arith.constant 0 : i32
    %dma_wait3A_37 = tpu.memref_slice %arg4[%dma_wait3A_36] : memref<13107200xf32, #tpu.memory_space<hbm>> -> memref<1024xf32, #tpu.memory_space<hbm>>
    %dma_wait3A_38 = arith.constant 0 : i32
    %dma_wait3A_39 = tpu.memref_slice %arg4[%dma_wait3A_38] : memref<13107200xf32, #tpu.memory_space<hbm>> -> memref<1024xf32, #tpu.memory_space<hbm>>
    %dma_wait3A_40 = arith.constant 0 : i32
    %dma_wait3A_41 = tpu.memref_slice %arg7[%dma_wait3A_40] : memref<25600xf32, #tpu.memory_space<vmem>> -> memref<1024xf32, #tpu.memory_space<vmem>>
    tpu.wait_dma2 semaphore(%arg9 : memref<!tpu.dma_semaphore, #tpu.memory_space<semaphore_mem>>) src(%dma_wait3A_41 : memref<1024xf32, #tpu.memory_space<vmem>>) dst(%dma_wait3A_39 : memref<1024xf32, #tpu.memory_space<hbm>>)
    %dma_wait3A_42 = arith.constant 0 : i32
    %dma_wait3A_43 = tpu.memref_slice %arg7[%dma_wait3A_42] : memref<25600xf32, #tpu.memory_space<vmem>> -> memref<1024xf32, #tpu.memory_space<vmem>>
    %dma_wait3A_44 = arith.constant 0 : i32
    %dma_wait3A_45 = tpu.memref_slice %arg4[%dma_wait3A_44] : memref<13107200xf32, #tpu.memory_space<hbm>> -> memref<1024xf32, #tpu.memory_space<hbm>>
    %dma_wait3A_46 = arith.constant 0 : i32
    %dma_wait3A_47 = tpu.memref_slice %arg4[%dma_wait3A_46] : memref<13107200xf32, #tpu.memory_space<hbm>> -> memref<1024xf32, #tpu.memory_space<hbm>>
    %dma_wait3A_48 = arith.constant 0 : i32
    %dma_wait3A_49 = tpu.memref_slice %arg7[%dma_wait3A_48] : memref<25600xf32, #tpu.memory_space<vmem>> -> memref<1024xf32, #tpu.memory_space<vmem>>
    tpu.wait_dma2 semaphore(%arg9 : memref<!tpu.dma_semaphore, #tpu.memory_space<semaphore_mem>>) src(%dma_wait3A_49 : memref<1024xf32, #tpu.memory_space<vmem>>) dst(%dma_wait3A_47 : memref<1024xf32, #tpu.memory_space<hbm>>)
    %dma_wait3A_50 = arith.constant 0 : i32
    %dma_wait3A_51 = tpu.memref_slice %arg7[%dma_wait3A_50] : memref<25600xf32, #tpu.memory_space<vmem>> -> memref<1024xf32, #tpu.memory_space<vmem>>
    %dma_wait3A_52 = arith.constant 0 : i32
    %dma_wait3A_53 = tpu.memref_slice %arg4[%dma_wait3A_52] : memref<13107200xf32, #tpu.memory_space<hbm>> -> memref<1024xf32, #tpu.memory_space<hbm>>
    %dma_wait3A_54 = arith.constant 0 : i32
    %dma_wait3A_55 = tpu.memref_slice %arg4[%dma_wait3A_54] : memref<13107200xf32, #tpu.memory_space<hbm>> -> memref<1024xf32, #tpu.memory_space<hbm>>
    %dma_wait3A_56 = arith.constant 0 : i32
    %dma_wait3A_57 = tpu.memref_slice %arg7[%dma_wait3A_56] : memref<25600xf32, #tpu.memory_space<vmem>> -> memref<1024xf32, #tpu.memory_space<vmem>>
    tpu.wait_dma2 semaphore(%arg9 : memref<!tpu.dma_semaphore, #tpu.memory_space<semaphore_mem>>) src(%dma_wait3A_57 : memref<1024xf32, #tpu.memory_space<vmem>>) dst(%dma_wait3A_55 : memref<1024xf32, #tpu.memory_space<hbm>>)
    %dma_wait3A_58 = arith.constant 0 : i32
    %dma_wait3A_59 = tpu.memref_slice %arg7[%dma_wait3A_58] : memref<25600xf32, #tpu.memory_space<vmem>> -> memref<1024xf32, #tpu.memory_space<vmem>>
    %dma_wait3A_60 = arith.constant 0 : i32
    %dma_wait3A_61 = tpu.memref_slice %arg4[%dma_wait3A_60] : memref<13107200xf32, #tpu.memory_space<hbm>> -> memref<1024xf32, #tpu.memory_space<hbm>>
    %dma_wait3A_62 = arith.constant 0 : i32
    %dma_wait3A_63 = tpu.memref_slice %arg4[%dma_wait3A_62] : memref<13107200xf32, #tpu.memory_space<hbm>> -> memref<1024xf32, #tpu.memory_space<hbm>>
    %dma_wait3A_64 = arith.constant 0 : i32
    %dma_wait3A_65 = tpu.memref_slice %arg7[%dma_wait3A_64] : memref<25600xf32, #tpu.memory_space<vmem>> -> memref<1024xf32, #tpu.memory_space<vmem>>
    tpu.wait_dma2 semaphore(%arg9 : memref<!tpu.dma_semaphore, #tpu.memory_space<semaphore_mem>>) src(%dma_wait3A_65 : memref<1024xf32, #tpu.memory_space<vmem>>) dst(%dma_wait3A_63 : memref<1024xf32, #tpu.memory_space<hbm>>)
    %dma_wait3A_66 = arith.constant 0 : i32
    %dma_wait3A_67 = tpu.memref_slice %arg7[%dma_wait3A_66] : memref<25600xf32, #tpu.memory_space<vmem>> -> memref<1024xf32, #tpu.memory_space<vmem>>
    %dma_wait3A_68 = arith.constant 0 : i32
    %dma_wait3A_69 = tpu.memref_slice %arg4[%dma_wait3A_68] : memref<13107200xf32, #tpu.memory_space<hbm>> -> memref<1024xf32, #tpu.memory_space<hbm>>
    %dma_wait3A_70 = arith.constant 0 : i32
    %dma_wait3A_71 = tpu.memref_slice %arg4[%dma_wait3A_70] : memref<13107200xf32, #tpu.memory_space<hbm>> -> memref<1024xf32, #tpu.memory_space<hbm>>
    %dma_wait3A_72 = arith.constant 0 : i32
    %dma_wait3A_73 = tpu.memref_slice %arg7[%dma_wait3A_72] : memref<25600xf32, #tpu.memory_space<vmem>> -> memref<1024xf32, #tpu.memory_space<vmem>>
    tpu.wait_dma2 semaphore(%arg9 : memref<!tpu.dma_semaphore, #tpu.memory_space<semaphore_mem>>) src(%dma_wait3A_73 : memref<1024xf32, #tpu.memory_space<vmem>>) dst(%dma_wait3A_71 : memref<1024xf32, #tpu.memory_space<hbm>>)
    %dma_wait3A_74 = arith.constant 0 : i32
    %dma_wait3A_75 = tpu.memref_slice %arg7[%dma_wait3A_74] : memref<25600xf32, #tpu.memory_space<vmem>> -> memref<1024xf32, #tpu.memory_space<vmem>>
    %dma_wait3A_76 = arith.constant 0 : i32
    %dma_wait3A_77 = tpu.memref_slice %arg4[%dma_wait3A_76] : memref<13107200xf32, #tpu.memory_space<hbm>> -> memref<1024xf32, #tpu.memory_space<hbm>>
    %dma_wait3A_78 = arith.constant 0 : i32
    %dma_wait3A_79 = tpu.memref_slice %arg4[%dma_wait3A_78] : memref<13107200xf32, #tpu.memory_space<hbm>> -> memref<1024xf32, #tpu.memory_space<hbm>>
    %dma_wait3A_80 = arith.constant 0 : i32
    %dma_wait3A_81 = tpu.memref_slice %arg7[%dma_wait3A_80] : memref<25600xf32, #tpu.memory_space<vmem>> -> memref<1024xf32, #tpu.memory_space<vmem>>
    tpu.wait_dma2 semaphore(%arg9 : memref<!tpu.dma_semaphore, #tpu.memory_space<semaphore_mem>>) src(%dma_wait3A_81 : memref<1024xf32, #tpu.memory_space<vmem>>) dst(%dma_wait3A_79 : memref<1024xf32, #tpu.memory_space<hbm>>)
    %dma_wait3A_82 = arith.constant 0 : i32
    %dma_wait3A_83 = tpu.memref_slice %arg7[%dma_wait3A_82] : memref<25600xf32, #tpu.memory_space<vmem>> -> memref<1024xf32, #tpu.memory_space<vmem>>
    %dma_wait3A_84 = arith.constant 0 : i32
    %dma_wait3A_85 = tpu.memref_slice %arg4[%dma_wait3A_84] : memref<13107200xf32, #tpu.memory_space<hbm>> -> memref<1024xf32, #tpu.memory_space<hbm>>
    %dma_wait3A_86 = arith.constant 0 : i32
    %dma_wait3A_87 = tpu.memref_slice %arg4[%dma_wait3A_86] : memref<13107200xf32, #tpu.memory_space<hbm>> -> memref<1024xf32, #tpu.memory_space<hbm>>
    %dma_wait3A_88 = arith.constant 0 : i32
    %dma_wait3A_89 = tpu.memref_slice %arg7[%dma_wait3A_88] : memref<25600xf32, #tpu.memory_space<vmem>> -> memref<1024xf32, #tpu.memory_space<vmem>>
    tpu.wait_dma2 semaphore(%arg9 : memref<!tpu.dma_semaphore, #tpu.memory_space<semaphore_mem>>) src(%dma_wait3A_89 : memref<1024xf32, #tpu.memory_space<vmem>>) dst(%dma_wait3A_87 : memref<1024xf32, #tpu.memory_space<hbm>>)
    %dma_wait3A_90 = arith.constant 0 : i32
    %dma_wait3A_91 = tpu.memref_slice %arg7[%dma_wait3A_90] : memref<25600xf32, #tpu.memory_space<vmem>> -> memref<1024xf32, #tpu.memory_space<vmem>>
    %dma_wait3A_92 = arith.constant 0 : i32
    %dma_wait3A_93 = tpu.memref_slice %arg4[%dma_wait3A_92] : memref<13107200xf32, #tpu.memory_space<hbm>> -> memref<1024xf32, #tpu.memory_space<hbm>>
    %dma_wait3A_94 = arith.constant 0 : i32
    %dma_wait3A_95 = tpu.memref_slice %arg4[%dma_wait3A_94] : memref<13107200xf32, #tpu.memory_space<hbm>> -> memref<1024xf32, #tpu.memory_space<hbm>>
    %dma_wait3A_96 = arith.constant 0 : i32
    %dma_wait3A_97 = tpu.memref_slice %arg7[%dma_wait3A_96] : memref<25600xf32, #tpu.memory_space<vmem>> -> memref<1024xf32, #tpu.memory_space<vmem>>
    tpu.wait_dma2 semaphore(%arg9 : memref<!tpu.dma_semaphore, #tpu.memory_space<semaphore_mem>>) src(%dma_wait3A_97 : memref<1024xf32, #tpu.memory_space<vmem>>) dst(%dma_wait3A_95 : memref<1024xf32, #tpu.memory_space<hbm>>)
    %dma_wait3A_98 = arith.constant 0 : i32
    %dma_wait3A_99 = tpu.memref_slice %arg7[%dma_wait3A_98] : memref<25600xf32, #tpu.memory_space<vmem>> -> memref<1024xf32, #tpu.memory_space<vmem>>
    %dma_wait3A_100 = arith.constant 0 : i32
    %dma_wait3A_101 = tpu.memref_slice %arg4[%dma_wait3A_100] : memref<13107200xf32, #tpu.memory_space<hbm>> -> memref<1024xf32, #tpu.memory_space<hbm>>
    %dma_wait3A_102 = arith.constant 0 : i32
    %dma_wait3A_103 = tpu.memref_slice %arg4[%dma_wait3A_102] : memref<13107200xf32, #tpu.memory_space<hbm>> -> memref<1024xf32, #tpu.memory_space<hbm>>
    %dma_wait3A_104 = arith.constant 0 : i32
    %dma_wait3A_105 = tpu.memref_slice %arg7[%dma_wait3A_104] : memref<25600xf32, #tpu.memory_space<vmem>> -> memref<1024xf32, #tpu.memory_space<vmem>>
    tpu.wait_dma2 semaphore(%arg9 : memref<!tpu.dma_semaphore, #tpu.memory_space<semaphore_mem>>) src(%dma_wait3A_105 : memref<1024xf32, #tpu.memory_space<vmem>>) dst(%dma_wait3A_103 : memref<1024xf32, #tpu.memory_space<hbm>>)
    %dma_wait3A_106 = arith.constant 0 : i32
    %dma_wait3A_107 = tpu.memref_slice %arg7[%dma_wait3A_106] : memref<25600xf32, #tpu.memory_space<vmem>> -> memref<1024xf32, #tpu.memory_space<vmem>>
    %dma_wait3A_108 = arith.constant 0 : i32
    %dma_wait3A_109 = tpu.memref_slice %arg4[%dma_wait3A_108] : memref<13107200xf32, #tpu.memory_space<hbm>> -> memref<1024xf32, #tpu.memory_space<hbm>>
    %dma_wait3A_110 = arith.constant 0 : i32
    %dma_wait3A_111 = tpu.memref_slice %arg4[%dma_wait3A_110] : memref<13107200xf32, #tpu.memory_space<hbm>> -> memref<1024xf32, #tpu.memory_space<hbm>>
    %dma_wait3A_112 = arith.constant 0 : i32
    %dma_wait3A_113 = tpu.memref_slice %arg7[%dma_wait3A_112] : memref<25600xf32, #tpu.memory_space<vmem>> -> memref<1024xf32, #tpu.memory_space<vmem>>
    tpu.wait_dma2 semaphore(%arg9 : memref<!tpu.dma_semaphore, #tpu.memory_space<semaphore_mem>>) src(%dma_wait3A_113 : memref<1024xf32, #tpu.memory_space<vmem>>) dst(%dma_wait3A_111 : memref<1024xf32, #tpu.memory_space<hbm>>)
    %dma_wait3A_114 = arith.constant 0 : i32
    %dma_wait3A_115 = tpu.memref_slice %arg7[%dma_wait3A_114] : memref<25600xf32, #tpu.memory_space<vmem>> -> memref<1024xf32, #tpu.memory_space<vmem>>
    %dma_wait3A_116 = arith.constant 0 : i32
    %dma_wait3A_117 = tpu.memref_slice %arg4[%dma_wait3A_116] : memref<13107200xf32, #tpu.memory_space<hbm>> -> memref<1024xf32, #tpu.memory_space<hbm>>
    %dma_wait3A_118 = arith.constant 0 : i32
    %dma_wait3A_119 = tpu.memref_slice %arg4[%dma_wait3A_118] : memref<13107200xf32, #tpu.memory_space<hbm>> -> memref<1024xf32, #tpu.memory_space<hbm>>
    %dma_wait3A_120 = arith.constant 0 : i32
    %dma_wait3A_121 = tpu.memref_slice %arg7[%dma_wait3A_120] : memref<25600xf32, #tpu.memory_space<vmem>> -> memref<1024xf32, #tpu.memory_space<vmem>>
    tpu.wait_dma2 semaphore(%arg9 : memref<!tpu.dma_semaphore, #tpu.memory_space<semaphore_mem>>) src(%dma_wait3A_121 : memref<1024xf32, #tpu.memory_space<vmem>>) dst(%dma_wait3A_119 : memref<1024xf32, #tpu.memory_space<hbm>>)
    %dma_wait3A_122 = arith.constant 0 : i32
    %dma_wait3A_123 = tpu.memref_slice %arg7[%dma_wait3A_122] : memref<25600xf32, #tpu.memory_space<vmem>> -> memref<1024xf32, #tpu.memory_space<vmem>>
    %dma_wait3A_124 = arith.constant 0 : i32
    %dma_wait3A_125 = tpu.memref_slice %arg4[%dma_wait3A_124] : memref<13107200xf32, #tpu.memory_space<hbm>> -> memref<1024xf32, #tpu.memory_space<hbm>>
    %dma_wait3A_126 = arith.constant 0 : i32
    %dma_wait3A_127 = tpu.memref_slice %arg4[%dma_wait3A_126] : memref<13107200xf32, #tpu.memory_space<hbm>> -> memref<1024xf32, #tpu.memory_space<hbm>>
    %dma_wait3A_128 = arith.constant 0 : i32
    %dma_wait3A_129 = tpu.memref_slice %arg7[%dma_wait3A_128] : memref<25600xf32, #tpu.memory_space<vmem>> -> memref<1024xf32, #tpu.memory_space<vmem>>
    tpu.wait_dma2 semaphore(%arg9 : memref<!tpu.dma_semaphore, #tpu.memory_space<semaphore_mem>>) src(%dma_wait3A_129 : memref<1024xf32, #tpu.memory_space<vmem>>) dst(%dma_wait3A_127 : memref<1024xf32, #tpu.memory_space<hbm>>)
    %dma_wait3A_130 = arith.constant 0 : i32
    %dma_wait3A_131 = tpu.memref_slice %arg7[%dma_wait3A_130] : memref<25600xf32, #tpu.memory_space<vmem>> -> memref<1024xf32, #tpu.memory_space<vmem>>
    %dma_wait3A_132 = arith.constant 0 : i32
    %dma_wait3A_133 = tpu.memref_slice %arg4[%dma_wait3A_132] : memref<13107200xf32, #tpu.memory_space<hbm>> -> memref<1024xf32, #tpu.memory_space<hbm>>
    %dma_wait3A_134 = arith.constant 0 : i32
    %dma_wait3A_135 = tpu.memref_slice %arg4[%dma_wait3A_134] : memref<13107200xf32, #tpu.memory_space<hbm>> -> memref<1024xf32, #tpu.memory_space<hbm>>
    %dma_wait3A_136 = arith.constant 0 : i32
    %dma_wait3A_137 = tpu.memref_slice %arg7[%dma_wait3A_136] : memref<25600xf32, #tpu.memory_space<vmem>> -> memref<1024xf32, #tpu.memory_space<vmem>>
    tpu.wait_dma2 semaphore(%arg9 : memref<!tpu.dma_semaphore, #tpu.memory_space<semaphore_mem>>) src(%dma_wait3A_137 : memref<1024xf32, #tpu.memory_space<vmem>>) dst(%dma_wait3A_135 : memref<1024xf32, #tpu.memory_space<hbm>>)
    %dma_wait3A_138 = arith.constant 0 : i32
    %dma_wait3A_139 = tpu.memref_slice %arg7[%dma_wait3A_138] : memref<25600xf32, #tpu.memory_space<vmem>> -> memref<1024xf32, #tpu.memory_space<vmem>>
    %dma_wait3A_140 = arith.constant 0 : i32
    %dma_wait3A_141 = tpu.memref_slice %arg4[%dma_wait3A_140] : memref<13107200xf32, #tpu.memory_space<hbm>> -> memref<1024xf32, #tpu.memory_space<hbm>>
    %dma_wait3A_142 = arith.constant 0 : i32
    %dma_wait3A_143 = tpu.memref_slice %arg4[%dma_wait3A_142] : memref<13107200xf32, #tpu.memory_space<hbm>> -> memref<1024xf32, #tpu.memory_space<hbm>>
    %dma_wait3A_144 = arith.constant 0 : i32
    %dma_wait3A_145 = tpu.memref_slice %arg7[%dma_wait3A_144] : memref<25600xf32, #tpu.memory_space<vmem>> -> memref<1024xf32, #tpu.memory_space<vmem>>
    tpu.wait_dma2 semaphore(%arg9 : memref<!tpu.dma_semaphore, #tpu.memory_space<semaphore_mem>>) src(%dma_wait3A_145 : memref<1024xf32, #tpu.memory_space<vmem>>) dst(%dma_wait3A_143 : memref<1024xf32, #tpu.memory_space<hbm>>)
    %dma_wait3A_146 = arith.constant 0 : i32
    %dma_wait3A_147 = tpu.memref_slice %arg7[%dma_wait3A_146] : memref<25600xf32, #tpu.memory_space<vmem>> -> memref<1024xf32, #tpu.memory_space<vmem>>
    %dma_wait3A_148 = arith.constant 0 : i32
    %dma_wait3A_149 = tpu.memref_slice %arg4[%dma_wait3A_148] : memref<13107200xf32, #tpu.memory_space<hbm>> -> memref<1024xf32, #tpu.memory_space<hbm>>
    %dma_wait3A_150 = arith.constant 0 : i32
    %dma_wait3A_151 = tpu.memref_slice %arg4[%dma_wait3A_150] : memref<13107200xf32, #tpu.memory_space<hbm>> -> memref<1024xf32, #tpu.memory_space<hbm>>
    %dma_wait3A_152 = arith.constant 0 : i32
    %dma_wait3A_153 = tpu.memref_slice %arg7[%dma_wait3A_152] : memref<25600xf32, #tpu.memory_space<vmem>> -> memref<1024xf32, #tpu.memory_space<vmem>>
    tpu.wait_dma2 semaphore(%arg9 : memref<!tpu.dma_semaphore, #tpu.memory_space<semaphore_mem>>) src(%dma_wait3A_153 : memref<1024xf32, #tpu.memory_space<vmem>>) dst(%dma_wait3A_151 : memref<1024xf32, #tpu.memory_space<hbm>>)
    %dma_wait3A_154 = arith.constant 0 : i32
    %dma_wait3A_155 = tpu.memref_slice %arg7[%dma_wait3A_154] : memref<25600xf32, #tpu.memory_space<vmem>> -> memref<1024xf32, #tpu.memory_space<vmem>>
    %dma_wait3A_156 = arith.constant 0 : i32
    %dma_wait3A_157 = tpu.memref_slice %arg4[%dma_wait3A_156] : memref<13107200xf32, #tpu.memory_space<hbm>> -> memref<1024xf32, #tpu.memory_space<hbm>>
    %dma_wait3A_158 = arith.constant 0 : i32
    %dma_wait3A_159 = tpu.memref_slice %arg4[%dma_wait3A_158] : memref<13107200xf32, #tpu.memory_space<hbm>> -> memref<1024xf32, #tpu.memory_space<hbm>>
    %dma_wait3A_160 = arith.constant 0 : i32
    %dma_wait3A_161 = tpu.memref_slice %arg7[%dma_wait3A_160] : memref<25600xf32, #tpu.memory_space<vmem>> -> memref<1024xf32, #tpu.memory_space<vmem>>
    tpu.wait_dma2 semaphore(%arg9 : memref<!tpu.dma_semaphore, #tpu.memory_space<semaphore_mem>>) src(%dma_wait3A_161 : memref<1024xf32, #tpu.memory_space<vmem>>) dst(%dma_wait3A_159 : memref<1024xf32, #tpu.memory_space<hbm>>)
    %dma_wait3A_162 = arith.constant 0 : i32
    %dma_wait3A_163 = tpu.memref_slice %arg7[%dma_wait3A_162] : memref<25600xf32, #tpu.memory_space<vmem>> -> memref<1024xf32, #tpu.memory_space<vmem>>
    %dma_wait3A_164 = arith.constant 0 : i32
    %dma_wait3A_165 = tpu.memref_slice %arg4[%dma_wait3A_164] : memref<13107200xf32, #tpu.memory_space<hbm>> -> memref<1024xf32, #tpu.memory_space<hbm>>
    %dma_wait3A_166 = arith.constant 0 : i32
    %dma_wait3A_167 = tpu.memref_slice %arg4[%dma_wait3A_166] : memref<13107200xf32, #tpu.memory_space<hbm>> -> memref<1024xf32, #tpu.memory_space<hbm>>
    %dma_wait3A_168 = arith.constant 0 : i32
    %dma_wait3A_169 = tpu.memref_slice %arg7[%dma_wait3A_168] : memref<25600xf32, #tpu.memory_space<vmem>> -> memref<1024xf32, #tpu.memory_space<vmem>>
    tpu.wait_dma2 semaphore(%arg9 : memref<!tpu.dma_semaphore, #tpu.memory_space<semaphore_mem>>) src(%dma_wait3A_169 : memref<1024xf32, #tpu.memory_space<vmem>>) dst(%dma_wait3A_167 : memref<1024xf32, #tpu.memory_space<hbm>>)
    %dma_wait3A_170 = arith.constant 0 : i32
    %dma_wait3A_171 = tpu.memref_slice %arg7[%dma_wait3A_170] : memref<25600xf32, #tpu.memory_space<vmem>> -> memref<1024xf32, #tpu.memory_space<vmem>>
    %dma_wait3A_172 = arith.constant 0 : i32
    %dma_wait3A_173 = tpu.memref_slice %arg4[%dma_wait3A_172] : memref<13107200xf32, #tpu.memory_space<hbm>> -> memref<1024xf32, #tpu.memory_space<hbm>>
    %dma_wait3A_174 = arith.constant 0 : i32
    %dma_wait3A_175 = tpu.memref_slice %arg4[%dma_wait3A_174] : memref<13107200xf32, #tpu.memory_space<hbm>> -> memref<1024xf32, #tpu.memory_space<hbm>>
    %dma_wait3A_176 = arith.constant 0 : i32
    %dma_wait3A_177 = tpu.memref_slice %arg7[%dma_wait3A_176] : memref<25600xf32, #tpu.memory_space<vmem>> -> memref<1024xf32, #tpu.memory_space<vmem>>
    tpu.wait_dma2 semaphore(%arg9 : memref<!tpu.dma_semaphore, #tpu.memory_space<semaphore_mem>>) src(%dma_wait3A_177 : memref<1024xf32, #tpu.memory_space<vmem>>) dst(%dma_wait3A_175 : memref<1024xf32, #tpu.memory_space<hbm>>)
    %dma_wait3A_178 = arith.constant 0 : i32
    %dma_wait3A_179 = tpu.memref_slice %arg7[%dma_wait3A_178] : memref<25600xf32, #tpu.memory_space<vmem>> -> memref<1024xf32, #tpu.memory_space<vmem>>
    %dma_wait3A_180 = arith.constant 0 : i32
    %dma_wait3A_181 = tpu.memref_slice %arg4[%dma_wait3A_180] : memref<13107200xf32, #tpu.memory_space<hbm>> -> memref<1024xf32, #tpu.memory_space<hbm>>
    %dma_wait3A_182 = arith.constant 0 : i32
    %dma_wait3A_183 = tpu.memref_slice %arg4[%dma_wait3A_182] : memref<13107200xf32, #tpu.memory_space<hbm>> -> memref<1024xf32, #tpu.memory_space<hbm>>
    %dma_wait3A_184 = arith.constant 0 : i32
    %dma_wait3A_185 = tpu.memref_slice %arg7[%dma_wait3A_184] : memref<25600xf32, #tpu.memory_space<vmem>> -> memref<1024xf32, #tpu.memory_space<vmem>>
    tpu.wait_dma2 semaphore(%arg9 : memref<!tpu.dma_semaphore, #tpu.memory_space<semaphore_mem>>) src(%dma_wait3A_185 : memref<1024xf32, #tpu.memory_space<vmem>>) dst(%dma_wait3A_183 : memref<1024xf32, #tpu.memory_space<hbm>>)
    %dma_wait3A_186 = arith.constant 0 : i32
    %dma_wait3A_187 = tpu.memref_slice %arg7[%dma_wait3A_186] : memref<25600xf32, #tpu.memory_space<vmem>> -> memref<1024xf32, #tpu.memory_space<vmem>>
    %dma_wait3A_188 = arith.constant 0 : i32
    %dma_wait3A_189 = tpu.memref_slice %arg4[%dma_wait3A_188] : memref<13107200xf32, #tpu.memory_space<hbm>> -> memref<1024xf32, #tpu.memory_space<hbm>>
    %dma_wait3A_190 = arith.constant 0 : i32
    %dma_wait3A_191 = tpu.memref_slice %arg4[%dma_wait3A_190] : memref<13107200xf32, #tpu.memory_space<hbm>> -> memref<1024xf32, #tpu.memory_space<hbm>>
    %dma_wait3A_192 = arith.constant 0 : i32
    %dma_wait3A_193 = tpu.memref_slice %arg7[%dma_wait3A_192] : memref<25600xf32, #tpu.memory_space<vmem>> -> memref<1024xf32, #tpu.memory_space<vmem>>
    tpu.wait_dma2 semaphore(%arg9 : memref<!tpu.dma_semaphore, #tpu.memory_space<semaphore_mem>>) src(%dma_wait3A_193 : memref<1024xf32, #tpu.memory_space<vmem>>) dst(%dma_wait3A_191 : memref<1024xf32, #tpu.memory_space<hbm>>)
    %dma_wait3A_194 = arith.constant 0 : i32
    %dma_wait3A_195 = tpu.memref_slice %arg7[%dma_wait3A_194] : memref<25600xf32, #tpu.memory_space<vmem>> -> memref<1024xf32, #tpu.memory_space<vmem>>
    %dma_wait3A_196 = arith.constant 0 : i32
    %dma_wait3A_197 = tpu.memref_slice %arg4[%dma_wait3A_196] : memref<13107200xf32, #tpu.memory_space<hbm>> -> memref<1024xf32, #tpu.memory_space<hbm>>
    %dma_wait3A_198 = arith.constant 0 : i32
    %dma_wait3A_199 = tpu.memref_slice %arg4[%dma_wait3A_198] : memref<13107200xf32, #tpu.memory_space<hbm>> -> memref<1024xf32, #tpu.memory_space<hbm>>
    %dma_wait3A_200 = arith.constant 0 : i32
    %dma_wait3A_201 = tpu.memref_slice %arg7[%dma_wait3A_200] : memref<25600xf32, #tpu.memory_space<vmem>> -> memref<1024xf32, #tpu.memory_space<vmem>>
    tpu.wait_dma2 semaphore(%arg9 : memref<!tpu.dma_semaphore, #tpu.memory_space<semaphore_mem>>) src(%dma_wait3A_201 : memref<1024xf32, #tpu.memory_space<vmem>>) dst(%dma_wait3A_199 : memref<1024xf32, #tpu.memory_space<hbm>>)
    %dma_wait3A_202 = arith.constant 0 : i32
    %dma_wait3A_203 = tpu.memref_slice %arg7[%dma_wait3A_202] : memref<25600xf32, #tpu.memory_space<vmem>> -> memref<1024xf32, #tpu.memory_space<vmem>>
    %dma_wait3A_204 = arith.constant 0 : i32
    %dma_wait3A_205 = tpu.memref_slice %arg4[%dma_wait3A_204] : memref<13107200xf32, #tpu.memory_space<hbm>> -> memref<1024xf32, #tpu.memory_space<hbm>>
    %dma_wait3A_206 = arith.constant 0 : i32
    %dma_wait3A_207 = tpu.memref_slice %arg4[%dma_wait3A_206] : memref<13107200xf32, #tpu.memory_space<hbm>> -> memref<1024xf32, #tpu.memory_space<hbm>>
    %dma_wait3A_208 = arith.constant 0 : i32
    %dma_wait3A_209 = tpu.memref_slice %arg7[%dma_wait3A_208] : memref<25600xf32, #tpu.memory_space<vmem>> -> memref<1024xf32, #tpu.memory_space<vmem>>
    tpu.wait_dma2 semaphore(%arg9 : memref<!tpu.dma_semaphore, #tpu.memory_space<semaphore_mem>>) src(%dma_wait3A_209 : memref<1024xf32, #tpu.memory_space<vmem>>) dst(%dma_wait3A_207 : memref<1024xf32, #tpu.memory_space<hbm>>)
    %dma_wait3A_210 = arith.constant 0 : i32
    %dma_wait3A_211 = tpu.memref_slice %arg8[%dma_wait3A_210] : memref<25600xf32, #tpu.memory_space<vmem>> -> memref<1024xf32, #tpu.memory_space<vmem>>
    %dma_wait3A_212 = arith.constant 0 : i32
    %dma_wait3A_213 = tpu.memref_slice %arg4[%dma_wait3A_212] : memref<13107200xf32, #tpu.memory_space<hbm>> -> memref<1024xf32, #tpu.memory_space<hbm>>
    %dma_wait3A_214 = arith.constant 0 : i32
    %dma_wait3A_215 = tpu.memref_slice %arg4[%dma_wait3A_214] : memref<13107200xf32, #tpu.memory_space<hbm>> -> memref<1024xf32, #tpu.memory_space<hbm>>
    %dma_wait3A_216 = arith.constant 0 : i32
    %dma_wait3A_217 = tpu.memref_slice %arg8[%dma_wait3A_216] : memref<25600xf32, #tpu.memory_space<vmem>> -> memref<1024xf32, #tpu.memory_space<vmem>>
    tpu.wait_dma2 semaphore(%arg10 : memref<!tpu.dma_semaphore, #tpu.memory_space<semaphore_mem>>) src(%dma_wait3A_217 : memref<1024xf32, #tpu.memory_space<vmem>>) dst(%dma_wait3A_215 : memref<1024xf32, #tpu.memory_space<hbm>>)
    %dma_wait3A_218 = arith.constant 0 : i32
    %dma_wait3A_219 = tpu.memref_slice %arg8[%dma_wait3A_218] : memref<25600xf32, #tpu.memory_space<vmem>> -> memref<1024xf32, #tpu.memory_space<vmem>>
    %dma_wait3A_220 = arith.constant 0 : i32
    %dma_wait3A_221 = tpu.memref_slice %arg4[%dma_wait3A_220] : memref<13107200xf32, #tpu.memory_space<hbm>> -> memref<1024xf32, #tpu.memory_space<hbm>>
    %dma_wait3A_222 = arith.constant 0 : i32
    %dma_wait3A_223 = tpu.memref_slice %arg4[%dma_wait3A_222] : memref<13107200xf32, #tpu.memory_space<hbm>> -> memref<1024xf32, #tpu.memory_space<hbm>>
    %dma_wait3A_224 = arith.constant 0 : i32
    %dma_wait3A_225 = tpu.memref_slice %arg8[%dma_wait3A_224] : memref<25600xf32, #tpu.memory_space<vmem>> -> memref<1024xf32, #tpu.memory_space<vmem>>
    tpu.wait_dma2 semaphore(%arg10 : memref<!tpu.dma_semaphore, #tpu.memory_space<semaphore_mem>>) src(%dma_wait3A_225 : memref<1024xf32, #tpu.memory_space<vmem>>) dst(%dma_wait3A_223 : memref<1024xf32, #tpu.memory_space<hbm>>)
    %dma_wait3A_226 = arith.constant 0 : i32
    %dma_wait3A_227 = tpu.memref_slice %arg8[%dma_wait3A_226] : memref<25600xf32, #tpu.memory_space<vmem>> -> memref<1024xf32, #tpu.memory_space<vmem>>
    %dma_wait3A_228 = arith.constant 0 : i32
    %dma_wait3A_229 = tpu.memref_slice %arg4[%dma_wait3A_228] : memref<13107200xf32, #tpu.memory_space<hbm>> -> memref<1024xf32, #tpu.memory_space<hbm>>
    %dma_wait3A_230 = arith.constant 0 : i32
    %dma_wait3A_231 = tpu.memref_slice %arg4[%dma_wait3A_230] : memref<13107200xf32, #tpu.memory_space<hbm>> -> memref<1024xf32, #tpu.memory_space<hbm>>
    %dma_wait3A_232 = arith.constant 0 : i32
    %dma_wait3A_233 = tpu.memref_slice %arg8[%dma_wait3A_232] : memref<25600xf32, #tpu.memory_space<vmem>> -> memref<1024xf32, #tpu.memory_space<vmem>>
    tpu.wait_dma2 semaphore(%arg10 : memref<!tpu.dma_semaphore, #tpu.memory_space<semaphore_mem>>) src(%dma_wait3A_233 : memref<1024xf32, #tpu.memory_space<vmem>>) dst(%dma_wait3A_231 : memref<1024xf32, #tpu.memory_space<hbm>>)
    %dma_wait3A_234 = arith.constant 0 : i32
    %dma_wait3A_235 = tpu.memref_slice %arg8[%dma_wait3A_234] : memref<25600xf32, #tpu.memory_space<vmem>> -> memref<1024xf32, #tpu.memory_space<vmem>>
    %dma_wait3A_236 = arith.constant 0 : i32
    %dma_wait3A_237 = tpu.memref_slice %arg4[%dma_wait3A_236] : memref<13107200xf32, #tpu.memory_space<hbm>> -> memref<1024xf32, #tpu.memory_space<hbm>>
    %dma_wait3A_238 = arith.constant 0 : i32
    %dma_wait3A_239 = tpu.memref_slice %arg4[%dma_wait3A_238] : memref<13107200xf32, #tpu.memory_space<hbm>> -> memref<1024xf32, #tpu.memory_space<hbm>>
    %dma_wait3A_240 = arith.constant 0 : i32
    %dma_wait3A_241 = tpu.memref_slice %arg8[%dma_wait3A_240] : memref<25600xf32, #tpu.memory_space<vmem>> -> memref<1024xf32, #tpu.memory_space<vmem>>
    tpu.wait_dma2 semaphore(%arg10 : memref<!tpu.dma_semaphore, #tpu.memory_space<semaphore_mem>>) src(%dma_wait3A_241 : memref<1024xf32, #tpu.memory_space<vmem>>) dst(%dma_wait3A_239 : memref<1024xf32, #tpu.memory_space<hbm>>)
    %dma_wait3A_242 = arith.constant 0 : i32
    %dma_wait3A_243 = tpu.memref_slice %arg8[%dma_wait3A_242] : memref<25600xf32, #tpu.memory_space<vmem>> -> memref<1024xf32, #tpu.memory_space<vmem>>
    %dma_wait3A_244 = arith.constant 0 : i32
    %dma_wait3A_245 = tpu.memref_slice %arg4[%dma_wait3A_244] : memref<13107200xf32, #tpu.memory_space<hbm>> -> memref<1024xf32, #tpu.memory_space<hbm>>
    %dma_wait3A_246 = arith.constant 0 : i32
    %dma_wait3A_247 = tpu.memref_slice %arg4[%dma_wait3A_246] : memref<13107200xf32, #tpu.memory_space<hbm>> -> memref<1024xf32, #tpu.memory_space<hbm>>
    %dma_wait3A_248 = arith.constant 0 : i32
    %dma_wait3A_249 = tpu.memref_slice %arg8[%dma_wait3A_248] : memref<25600xf32, #tpu.memory_space<vmem>> -> memref<1024xf32, #tpu.memory_space<vmem>>
    tpu.wait_dma2 semaphore(%arg10 : memref<!tpu.dma_semaphore, #tpu.memory_space<semaphore_mem>>) src(%dma_wait3A_249 : memref<1024xf32, #tpu.memory_space<vmem>>) dst(%dma_wait3A_247 : memref<1024xf32, #tpu.memory_space<hbm>>)
    %dma_wait3A_250 = arith.constant 0 : i32
    %dma_wait3A_251 = tpu.memref_slice %arg8[%dma_wait3A_250] : memref<25600xf32, #tpu.memory_space<vmem>> -> memref<1024xf32, #tpu.memory_space<vmem>>
    %dma_wait3A_252 = arith.constant 0 : i32
    %dma_wait3A_253 = tpu.memref_slice %arg4[%dma_wait3A_252] : memref<13107200xf32, #tpu.memory_space<hbm>> -> memref<1024xf32, #tpu.memory_space<hbm>>
    %dma_wait3A_254 = arith.constant 0 : i32
    %dma_wait3A_255 = tpu.memref_slice %arg4[%dma_wait3A_254] : memref<13107200xf32, #tpu.memory_space<hbm>> -> memref<1024xf32, #tpu.memory_space<hbm>>
    %dma_wait3A_256 = arith.constant 0 : i32
    %dma_wait3A_257 = tpu.memref_slice %arg8[%dma_wait3A_256] : memref<25600xf32, #tpu.memory_space<vmem>> -> memref<1024xf32, #tpu.memory_space<vmem>>
    tpu.wait_dma2 semaphore(%arg10 : memref<!tpu.dma_semaphore, #tpu.memory_space<semaphore_mem>>) src(%dma_wait3A_257 : memref<1024xf32, #tpu.memory_space<vmem>>) dst(%dma_wait3A_255 : memref<1024xf32, #tpu.memory_space<hbm>>)
    %dma_wait3A_258 = arith.constant 0 : i32
    %dma_wait3A_259 = tpu.memref_slice %arg8[%dma_wait3A_258] : memref<25600xf32, #tpu.memory_space<vmem>> -> memref<1024xf32, #tpu.memory_space<vmem>>
    %dma_wait3A_260 = arith.constant 0 : i32
    %dma_wait3A_261 = tpu.memref_slice %arg4[%dma_wait3A_260] : memref<13107200xf32, #tpu.memory_space<hbm>> -> memref<1024xf32, #tpu.memory_space<hbm>>
    %dma_wait3A_262 = arith.constant 0 : i32
    %dma_wait3A_263 = tpu.memref_slice %arg4[%dma_wait3A_262] : memref<13107200xf32, #tpu.memory_space<hbm>> -> memref<1024xf32, #tpu.memory_space<hbm>>
    %dma_wait3A_264 = arith.constant 0 : i32
    %dma_wait3A_265 = tpu.memref_slice %arg8[%dma_wait3A_264] : memref<25600xf32, #tpu.memory_space<vmem>> -> memref<1024xf32, #tpu.memory_space<vmem>>
    tpu.wait_dma2 semaphore(%arg10 : memref<!tpu.dma_semaphore, #tpu.memory_space<semaphore_mem>>) src(%dma_wait3A_265 : memref<1024xf32, #tpu.memory_space<vmem>>) dst(%dma_wait3A_263 : memref<1024xf32, #tpu.memory_space<hbm>>)
    %dma_wait3A_266 = arith.constant 0 : i32
    %dma_wait3A_267 = tpu.memref_slice %arg8[%dma_wait3A_266] : memref<25600xf32, #tpu.memory_space<vmem>> -> memref<1024xf32, #tpu.memory_space<vmem>>
    %dma_wait3A_268 = arith.constant 0 : i32
    %dma_wait3A_269 = tpu.memref_slice %arg4[%dma_wait3A_268] : memref<13107200xf32, #tpu.memory_space<hbm>> -> memref<1024xf32, #tpu.memory_space<hbm>>
    %dma_wait3A_270 = arith.constant 0 : i32
    %dma_wait3A_271 = tpu.memref_slice %arg4[%dma_wait3A_270] : memref<13107200xf32, #tpu.memory_space<hbm>> -> memref<1024xf32, #tpu.memory_space<hbm>>
    %dma_wait3A_272 = arith.constant 0 : i32
    %dma_wait3A_273 = tpu.memref_slice %arg8[%dma_wait3A_272] : memref<25600xf32, #tpu.memory_space<vmem>> -> memref<1024xf32, #tpu.memory_space<vmem>>
    tpu.wait_dma2 semaphore(%arg10 : memref<!tpu.dma_semaphore, #tpu.memory_space<semaphore_mem>>) src(%dma_wait3A_273 : memref<1024xf32, #tpu.memory_space<vmem>>) dst(%dma_wait3A_271 : memref<1024xf32, #tpu.memory_space<hbm>>)
    %dma_wait3A_274 = arith.constant 0 : i32
    %dma_wait3A_275 = tpu.memref_slice %arg8[%dma_wait3A_274] : memref<25600xf32, #tpu.memory_space<vmem>> -> memref<1024xf32, #tpu.memory_space<vmem>>
    %dma_wait3A_276 = arith.constant 0 : i32
    %dma_wait3A_277 = tpu.memref_slice %arg4[%dma_wait3A_276] : memref<13107200xf32, #tpu.memory_space<hbm>> -> memref<1024xf32, #tpu.memory_space<hbm>>
    %dma_wait3A_278 = arith.constant 0 : i32
    %dma_wait3A_279 = tpu.memref_slice %arg4[%dma_wait3A_278] : memref<13107200xf32, #tpu.memory_space<hbm>> -> memref<1024xf32, #tpu.memory_space<hbm>>
    %dma_wait3A_280 = arith.constant 0 : i32
    %dma_wait3A_281 = tpu.memref_slice %arg8[%dma_wait3A_280] : memref<25600xf32, #tpu.memory_space<vmem>> -> memref<1024xf32, #tpu.memory_space<vmem>>
    tpu.wait_dma2 semaphore(%arg10 : memref<!tpu.dma_semaphore, #tpu.memory_space<semaphore_mem>>) src(%dma_wait3A_281 : memref<1024xf32, #tpu.memory_space<vmem>>) dst(%dma_wait3A_279 : memref<1024xf32, #tpu.memory_space<hbm>>)
    %dma_wait3A_282 = arith.constant 0 : i32
    %dma_wait3A_283 = tpu.memref_slice %arg8[%dma_wait3A_282] : memref<25600xf32, #tpu.memory_space<vmem>> -> memref<1024xf32, #tpu.memory_space<vmem>>
    %dma_wait3A_284 = arith.constant 0 : i32
    %dma_wait3A_285 = tpu.memref_slice %arg4[%dma_wait3A_284] : memref<13107200xf32, #tpu.memory_space<hbm>> -> memref<1024xf32, #tpu.memory_space<hbm>>
    %dma_wait3A_286 = arith.constant 0 : i32
    %dma_wait3A_287 = tpu.memref_slice %arg4[%dma_wait3A_286] : memref<13107200xf32, #tpu.memory_space<hbm>> -> memref<1024xf32, #tpu.memory_space<hbm>>
    %dma_wait3A_288 = arith.constant 0 : i32
    %dma_wait3A_289 = tpu.memref_slice %arg8[%dma_wait3A_288] : memref<25600xf32, #tpu.memory_space<vmem>> -> memref<1024xf32, #tpu.memory_space<vmem>>
    tpu.wait_dma2 semaphore(%arg10 : memref<!tpu.dma_semaphore, #tpu.memory_space<semaphore_mem>>) src(%dma_wait3A_289 : memref<1024xf32, #tpu.memory_space<vmem>>) dst(%dma_wait3A_287 : memref<1024xf32, #tpu.memory_space<hbm>>)
    %dma_wait3A_290 = arith.constant 0 : i32
    %dma_wait3A_291 = tpu.memref_slice %arg8[%dma_wait3A_290] : memref<25600xf32, #tpu.memory_space<vmem>> -> memref<1024xf32, #tpu.memory_space<vmem>>
    %dma_wait3A_292 = arith.constant 0 : i32
    %dma_wait3A_293 = tpu.memref_slice %arg4[%dma_wait3A_292] : memref<13107200xf32, #tpu.memory_space<hbm>> -> memref<1024xf32, #tpu.memory_space<hbm>>
    %dma_wait3A_294 = arith.constant 0 : i32
    %dma_wait3A_295 = tpu.memref_slice %arg4[%dma_wait3A_294] : memref<13107200xf32, #tpu.memory_space<hbm>> -> memref<1024xf32, #tpu.memory_space<hbm>>
    %dma_wait3A_296 = arith.constant 0 : i32
    %dma_wait3A_297 = tpu.memref_slice %arg8[%dma_wait3A_296] : memref<25600xf32, #tpu.memory_space<vmem>> -> memref<1024xf32, #tpu.memory_space<vmem>>
    tpu.wait_dma2 semaphore(%arg10 : memref<!tpu.dma_semaphore, #tpu.memory_space<semaphore_mem>>) src(%dma_wait3A_297 : memref<1024xf32, #tpu.memory_space<vmem>>) dst(%dma_wait3A_295 : memref<1024xf32, #tpu.memory_space<hbm>>)
    %dma_wait3A_298 = arith.constant 0 : i32
    %dma_wait3A_299 = tpu.memref_slice %arg8[%dma_wait3A_298] : memref<25600xf32, #tpu.memory_space<vmem>> -> memref<1024xf32, #tpu.memory_space<vmem>>
    %dma_wait3A_300 = arith.constant 0 : i32
    %dma_wait3A_301 = tpu.memref_slice %arg4[%dma_wait3A_300] : memref<13107200xf32, #tpu.memory_space<hbm>> -> memref<1024xf32, #tpu.memory_space<hbm>>
    %dma_wait3A_302 = arith.constant 0 : i32
    %dma_wait3A_303 = tpu.memref_slice %arg4[%dma_wait3A_302] : memref<13107200xf32, #tpu.memory_space<hbm>> -> memref<1024xf32, #tpu.memory_space<hbm>>
    %dma_wait3A_304 = arith.constant 0 : i32
    %dma_wait3A_305 = tpu.memref_slice %arg8[%dma_wait3A_304] : memref<25600xf32, #tpu.memory_space<vmem>> -> memref<1024xf32, #tpu.memory_space<vmem>>
    tpu.wait_dma2 semaphore(%arg10 : memref<!tpu.dma_semaphore, #tpu.memory_space<semaphore_mem>>) src(%dma_wait3A_305 : memref<1024xf32, #tpu.memory_space<vmem>>) dst(%dma_wait3A_303 : memref<1024xf32, #tpu.memory_space<hbm>>)
    %dma_wait3A_306 = arith.constant 0 : i32
    %dma_wait3A_307 = tpu.memref_slice %arg8[%dma_wait3A_306] : memref<25600xf32, #tpu.memory_space<vmem>> -> memref<1024xf32, #tpu.memory_space<vmem>>
    %dma_wait3A_308 = arith.constant 0 : i32
    %dma_wait3A_309 = tpu.memref_slice %arg4[%dma_wait3A_308] : memref<13107200xf32, #tpu.memory_space<hbm>> -> memref<1024xf32, #tpu.memory_space<hbm>>
    %dma_wait3A_310 = arith.constant 0 : i32
    %dma_wait3A_311 = tpu.memref_slice %arg4[%dma_wait3A_310] : memref<13107200xf32, #tpu.memory_space<hbm>> -> memref<1024xf32, #tpu.memory_space<hbm>>
    %dma_wait3A_312 = arith.constant 0 : i32
    %dma_wait3A_313 = tpu.memref_slice %arg8[%dma_wait3A_312] : memref<25600xf32, #tpu.memory_space<vmem>> -> memref<1024xf32, #tpu.memory_space<vmem>>
    tpu.wait_dma2 semaphore(%arg10 : memref<!tpu.dma_semaphore, #tpu.memory_space<semaphore_mem>>) src(%dma_wait3A_313 : memref<1024xf32, #tpu.memory_space<vmem>>) dst(%dma_wait3A_311 : memref<1024xf32, #tpu.memory_space<hbm>>)
    %dma_wait3A_314 = arith.constant 0 : i32
    %dma_wait3A_315 = tpu.memref_slice %arg8[%dma_wait3A_314] : memref<25600xf32, #tpu.memory_space<vmem>> -> memref<1024xf32, #tpu.memory_space<vmem>>
    %dma_wait3A_316 = arith.constant 0 : i32
    %dma_wait3A_317 = tpu.memref_slice %arg4[%dma_wait3A_316] : memref<13107200xf32, #tpu.memory_space<hbm>> -> memref<1024xf32, #tpu.memory_space<hbm>>
    %dma_wait3A_318 = arith.constant 0 : i32
    %dma_wait3A_319 = tpu.memref_slice %arg4[%dma_wait3A_318] : memref<13107200xf32, #tpu.memory_space<hbm>> -> memref<1024xf32, #tpu.memory_space<hbm>>
    %dma_wait3A_320 = arith.constant 0 : i32
    %dma_wait3A_321 = tpu.memref_slice %arg8[%dma_wait3A_320] : memref<25600xf32, #tpu.memory_space<vmem>> -> memref<1024xf32, #tpu.memory_space<vmem>>
    tpu.wait_dma2 semaphore(%arg10 : memref<!tpu.dma_semaphore, #tpu.memory_space<semaphore_mem>>) src(%dma_wait3A_321 : memref<1024xf32, #tpu.memory_space<vmem>>) dst(%dma_wait3A_319 : memref<1024xf32, #tpu.memory_space<hbm>>)
    %dma_wait3A_322 = arith.constant 0 : i32
    %dma_wait3A_323 = tpu.memref_slice %arg8[%dma_wait3A_322] : memref<25600xf32, #tpu.memory_space<vmem>> -> memref<1024xf32, #tpu.memory_space<vmem>>
    %dma_wait3A_324 = arith.constant 0 : i32
    %dma_wait3A_325 = tpu.memref_slice %arg4[%dma_wait3A_324] : memref<13107200xf32, #tpu.memory_space<hbm>> -> memref<1024xf32, #tpu.memory_space<hbm>>
    %dma_wait3A_326 = arith.constant 0 : i32
    %dma_wait3A_327 = tpu.memref_slice %arg4[%dma_wait3A_326] : memref<13107200xf32, #tpu.memory_space<hbm>> -> memref<1024xf32, #tpu.memory_space<hbm>>
    %dma_wait3A_328 = arith.constant 0 : i32
    %dma_wait3A_329 = tpu.memref_slice %arg8[%dma_wait3A_328] : memref<25600xf32, #tpu.memory_space<vmem>> -> memref<1024xf32, #tpu.memory_space<vmem>>
    tpu.wait_dma2 semaphore(%arg10 : memref<!tpu.dma_semaphore, #tpu.memory_space<semaphore_mem>>) src(%dma_wait3A_329 : memref<1024xf32, #tpu.memory_space<vmem>>) dst(%dma_wait3A_327 : memref<1024xf32, #tpu.memory_space<hbm>>)
    %dma_wait3A_330 = arith.constant 0 : i32
    %dma_wait3A_331 = tpu.memref_slice %arg8[%dma_wait3A_330] : memref<25600xf32, #tpu.memory_space<vmem>> -> memref<1024xf32, #tpu.memory_space<vmem>>
    %dma_wait3A_332 = arith.constant 0 : i32
    %dma_wait3A_333 = tpu.memref_slice %arg4[%dma_wait3A_332] : memref<13107200xf32, #tpu.memory_space<hbm>> -> memref<1024xf32, #tpu.memory_space<hbm>>
    %dma_wait3A_334 = arith.constant 0 : i32
    %dma_wait3A_335 = tpu.memref_slice %arg4[%dma_wait3A_334] : memref<13107200xf32, #tpu.memory_space<hbm>> -> memref<1024xf32, #tpu.memory_space<hbm>>
    %dma_wait3A_336 = arith.constant 0 : i32
    %dma_wait3A_337 = tpu.memref_slice %arg8[%dma_wait3A_336] : memref<25600xf32, #tpu.memory_space<vmem>> -> memref<1024xf32, #tpu.memory_space<vmem>>
    tpu.wait_dma2 semaphore(%arg10 : memref<!tpu.dma_semaphore, #tpu.memory_space<semaphore_mem>>) src(%dma_wait3A_337 : memref<1024xf32, #tpu.memory_space<vmem>>) dst(%dma_wait3A_335 : memref<1024xf32, #tpu.memory_space<hbm>>)
    %dma_wait3A_338 = arith.constant 0 : i32
    %dma_wait3A_339 = tpu.memref_slice %arg8[%dma_wait3A_338] : memref<25600xf32, #tpu.memory_space<vmem>> -> memref<1024xf32, #tpu.memory_space<vmem>>
    %dma_wait3A_340 = arith.constant 0 : i32
    %dma_wait3A_341 = tpu.memref_slice %arg4[%dma_wait3A_340] : memref<13107200xf32, #tpu.memory_space<hbm>> -> memref<1024xf32, #tpu.memory_space<hbm>>
    %dma_wait3A_342 = arith.constant 0 : i32
    %dma_wait3A_343 = tpu.memref_slice %arg4[%dma_wait3A_342] : memref<13107200xf32, #tpu.memory_space<hbm>> -> memref<1024xf32, #tpu.memory_space<hbm>>
    %dma_wait3A_344 = arith.constant 0 : i32
    %dma_wait3A_345 = tpu.memref_slice %arg8[%dma_wait3A_344] : memref<25600xf32, #tpu.memory_space<vmem>> -> memref<1024xf32, #tpu.memory_space<vmem>>
    tpu.wait_dma2 semaphore(%arg10 : memref<!tpu.dma_semaphore, #tpu.memory_space<semaphore_mem>>) src(%dma_wait3A_345 : memref<1024xf32, #tpu.memory_space<vmem>>) dst(%dma_wait3A_343 : memref<1024xf32, #tpu.memory_space<hbm>>)
    %dma_wait3A_346 = arith.constant 0 : i32
    %dma_wait3A_347 = tpu.memref_slice %arg8[%dma_wait3A_346] : memref<25600xf32, #tpu.memory_space<vmem>> -> memref<1024xf32, #tpu.memory_space<vmem>>
    %dma_wait3A_348 = arith.constant 0 : i32
    %dma_wait3A_349 = tpu.memref_slice %arg4[%dma_wait3A_348] : memref<13107200xf32, #tpu.memory_space<hbm>> -> memref<1024xf32, #tpu.memory_space<hbm>>
    %dma_wait3A_350 = arith.constant 0 : i32
    %dma_wait3A_351 = tpu.memref_slice %arg4[%dma_wait3A_350] : memref<13107200xf32, #tpu.memory_space<hbm>> -> memref<1024xf32, #tpu.memory_space<hbm>>
    %dma_wait3A_352 = arith.constant 0 : i32
    %dma_wait3A_353 = tpu.memref_slice %arg8[%dma_wait3A_352] : memref<25600xf32, #tpu.memory_space<vmem>> -> memref<1024xf32, #tpu.memory_space<vmem>>
    tpu.wait_dma2 semaphore(%arg10 : memref<!tpu.dma_semaphore, #tpu.memory_space<semaphore_mem>>) src(%dma_wait3A_353 : memref<1024xf32, #tpu.memory_space<vmem>>) dst(%dma_wait3A_351 : memref<1024xf32, #tpu.memory_space<hbm>>)
    %dma_wait3A_354 = arith.constant 0 : i32
    %dma_wait3A_355 = tpu.memref_slice %arg8[%dma_wait3A_354] : memref<25600xf32, #tpu.memory_space<vmem>> -> memref<1024xf32, #tpu.memory_space<vmem>>
    %dma_wait3A_356 = arith.constant 0 : i32
    %dma_wait3A_357 = tpu.memref_slice %arg4[%dma_wait3A_356] : memref<13107200xf32, #tpu.memory_space<hbm>> -> memref<1024xf32, #tpu.memory_space<hbm>>
    %dma_wait3A_358 = arith.constant 0 : i32
    %dma_wait3A_359 = tpu.memref_slice %arg4[%dma_wait3A_358] : memref<13107200xf32, #tpu.memory_space<hbm>> -> memref<1024xf32, #tpu.memory_space<hbm>>
    %dma_wait3A_360 = arith.constant 0 : i32
    %dma_wait3A_361 = tpu.memref_slice %arg8[%dma_wait3A_360] : memref<25600xf32, #tpu.memory_space<vmem>> -> memref<1024xf32, #tpu.memory_space<vmem>>
    tpu.wait_dma2 semaphore(%arg10 : memref<!tpu.dma_semaphore, #tpu.memory_space<semaphore_mem>>) src(%dma_wait3A_361 : memref<1024xf32, #tpu.memory_space<vmem>>) dst(%dma_wait3A_359 : memref<1024xf32, #tpu.memory_space<hbm>>)
    %dma_wait3A_362 = arith.constant 0 : i32
    %dma_wait3A_363 = tpu.memref_slice %arg8[%dma_wait3A_362] : memref<25600xf32, #tpu.memory_space<vmem>> -> memref<1024xf32, #tpu.memory_space<vmem>>
    %dma_wait3A_364 = arith.constant 0 : i32
    %dma_wait3A_365 = tpu.memref_slice %arg4[%dma_wait3A_364] : memref<13107200xf32, #tpu.memory_space<hbm>> -> memref<1024xf32, #tpu.memory_space<hbm>>
    %dma_wait3A_366 = arith.constant 0 : i32
    %dma_wait3A_367 = tpu.memref_slice %arg4[%dma_wait3A_366] : memref<13107200xf32, #tpu.memory_space<hbm>> -> memref<1024xf32, #tpu.memory_space<hbm>>
    %dma_wait3A_368 = arith.constant 0 : i32
    %dma_wait3A_369 = tpu.memref_slice %arg8[%dma_wait3A_368] : memref<25600xf32, #tpu.memory_space<vmem>> -> memref<1024xf32, #tpu.memory_space<vmem>>
    tpu.wait_dma2 semaphore(%arg10 : memref<!tpu.dma_semaphore, #tpu.memory_space<semaphore_mem>>) src(%dma_wait3A_369 : memref<1024xf32, #tpu.memory_space<vmem>>) dst(%dma_wait3A_367 : memref<1024xf32, #tpu.memory_space<hbm>>)
    %dma_wait3A_370 = arith.constant 0 : i32
    %dma_wait3A_371 = tpu.memref_slice %arg8[%dma_wait3A_370] : memref<25600xf32, #tpu.memory_space<vmem>> -> memref<1024xf32, #tpu.memory_space<vmem>>
    %dma_wait3A_372 = arith.constant 0 : i32
    %dma_wait3A_373 = tpu.memref_slice %arg4[%dma_wait3A_372] : memref<13107200xf32, #tpu.memory_space<hbm>> -> memref<1024xf32, #tpu.memory_space<hbm>>
    %dma_wait3A_374 = arith.constant 0 : i32
    %dma_wait3A_375 = tpu.memref_slice %arg4[%dma_wait3A_374] : memref<13107200xf32, #tpu.memory_space<hbm>> -> memref<1024xf32, #tpu.memory_space<hbm>>
    %dma_wait3A_376 = arith.constant 0 : i32
    %dma_wait3A_377 = tpu.memref_slice %arg8[%dma_wait3A_376] : memref<25600xf32, #tpu.memory_space<vmem>> -> memref<1024xf32, #tpu.memory_space<vmem>>
    tpu.wait_dma2 semaphore(%arg10 : memref<!tpu.dma_semaphore, #tpu.memory_space<semaphore_mem>>) src(%dma_wait3A_377 : memref<1024xf32, #tpu.memory_space<vmem>>) dst(%dma_wait3A_375 : memref<1024xf32, #tpu.memory_space<hbm>>)
    %dma_wait3A_378 = arith.constant 0 : i32
    %dma_wait3A_379 = tpu.memref_slice %arg8[%dma_wait3A_378] : memref<25600xf32, #tpu.memory_space<vmem>> -> memref<1024xf32, #tpu.memory_space<vmem>>
    %dma_wait3A_380 = arith.constant 0 : i32
    %dma_wait3A_381 = tpu.memref_slice %arg4[%dma_wait3A_380] : memref<13107200xf32, #tpu.memory_space<hbm>> -> memref<1024xf32, #tpu.memory_space<hbm>>
    %dma_wait3A_382 = arith.constant 0 : i32
    %dma_wait3A_383 = tpu.memref_slice %arg4[%dma_wait3A_382] : memref<13107200xf32, #tpu.memory_space<hbm>> -> memref<1024xf32, #tpu.memory_space<hbm>>
    %dma_wait3A_384 = arith.constant 0 : i32
    %dma_wait3A_385 = tpu.memref_slice %arg8[%dma_wait3A_384] : memref<25600xf32, #tpu.memory_space<vmem>> -> memref<1024xf32, #tpu.memory_space<vmem>>
    tpu.wait_dma2 semaphore(%arg10 : memref<!tpu.dma_semaphore, #tpu.memory_space<semaphore_mem>>) src(%dma_wait3A_385 : memref<1024xf32, #tpu.memory_space<vmem>>) dst(%dma_wait3A_383 : memref<1024xf32, #tpu.memory_space<hbm>>)
    %dma_wait3A_386 = arith.constant 0 : i32
    %dma_wait3A_387 = tpu.memref_slice %arg8[%dma_wait3A_386] : memref<25600xf32, #tpu.memory_space<vmem>> -> memref<1024xf32, #tpu.memory_space<vmem>>
    %dma_wait3A_388 = arith.constant 0 : i32
    %dma_wait3A_389 = tpu.memref_slice %arg4[%dma_wait3A_388] : memref<13107200xf32, #tpu.memory_space<hbm>> -> memref<1024xf32, #tpu.memory_space<hbm>>
    %dma_wait3A_390 = arith.constant 0 : i32
    %dma_wait3A_391 = tpu.memref_slice %arg4[%dma_wait3A_390] : memref<13107200xf32, #tpu.memory_space<hbm>> -> memref<1024xf32, #tpu.memory_space<hbm>>
    %dma_wait3A_392 = arith.constant 0 : i32
    %dma_wait3A_393 = tpu.memref_slice %arg8[%dma_wait3A_392] : memref<25600xf32, #tpu.memory_space<vmem>> -> memref<1024xf32, #tpu.memory_space<vmem>>
    tpu.wait_dma2 semaphore(%arg10 : memref<!tpu.dma_semaphore, #tpu.memory_space<semaphore_mem>>) src(%dma_wait3A_393 : memref<1024xf32, #tpu.memory_space<vmem>>) dst(%dma_wait3A_391 : memref<1024xf32, #tpu.memory_space<hbm>>)
    %dma_wait3A_394 = arith.constant 0 : i32
    %dma_wait3A_395 = tpu.memref_slice %arg8[%dma_wait3A_394] : memref<25600xf32, #tpu.memory_space<vmem>> -> memref<1024xf32, #tpu.memory_space<vmem>>
    %dma_wait3A_396 = arith.constant 0 : i32
    %dma_wait3A_397 = tpu.memref_slice %arg4[%dma_wait3A_396] : memref<13107200xf32, #tpu.memory_space<hbm>> -> memref<1024xf32, #tpu.memory_space<hbm>>
    %dma_wait3A_398 = arith.constant 0 : i32
    %dma_wait3A_399 = tpu.memref_slice %arg4[%dma_wait3A_398] : memref<13107200xf32, #tpu.memory_space<hbm>> -> memref<1024xf32, #tpu.memory_space<hbm>>
    %dma_wait3A_400 = arith.constant 0 : i32
    %dma_wait3A_401 = tpu.memref_slice %arg8[%dma_wait3A_400] : memref<25600xf32, #tpu.memory_space<vmem>> -> memref<1024xf32, #tpu.memory_space<vmem>>
    tpu.wait_dma2 semaphore(%arg10 : memref<!tpu.dma_semaphore, #tpu.memory_space<semaphore_mem>>) src(%dma_wait3A_401 : memref<1024xf32, #tpu.memory_space<vmem>>) dst(%dma_wait3A_399 : memref<1024xf32, #tpu.memory_space<hbm>>)
    %dma_wait3A_402 = arith.constant 0 : i32
    %dma_wait3A_403 = tpu.memref_slice %arg8[%dma_wait3A_402] : memref<25600xf32, #tpu.memory_space<vmem>> -> memref<1024xf32, #tpu.memory_space<vmem>>
    %dma_wait3A_404 = arith.constant 0 : i32
    %dma_wait3A_405 = tpu.memref_slice %arg4[%dma_wait3A_404] : memref<13107200xf32, #tpu.memory_space<hbm>> -> memref<1024xf32, #tpu.memory_space<hbm>>
    %dma_wait3A_406 = arith.constant 0 : i32
    %dma_wait3A_407 = tpu.memref_slice %arg4[%dma_wait3A_406] : memref<13107200xf32, #tpu.memory_space<hbm>> -> memref<1024xf32, #tpu.memory_space<hbm>>
    %dma_wait3A_408 = arith.constant 0 : i32
    %dma_wait3A_409 = tpu.memref_slice %arg8[%dma_wait3A_408] : memref<25600xf32, #tpu.memory_space<vmem>> -> memref<1024xf32, #tpu.memory_space<vmem>>
    tpu.wait_dma2 semaphore(%arg10 : memref<!tpu.dma_semaphore, #tpu.memory_space<semaphore_mem>>) src(%dma_wait3A_409 : memref<1024xf32, #tpu.memory_space<vmem>>) dst(%dma_wait3A_407 : memref<1024xf32, #tpu.memory_space<hbm>>)
    return
  }
}

</mosaic_0001>

<sc_bundles>
// kernel: kernel.3.cloned.1.call-start
scs
__scs_entry_jumppad:
0x0: {  	(pc) =	sbr.rel $0x88, $3  }
0x1: {  	(tag) =	ssettag $0x0;
	lr =	simm.s32 $0x1  }
0x2: {  	[smem:$0x3F9F] =	sst lr;
	_ =	strace $0xD0000000  }
0x3: {  	_ = 	snop  }
0x4: {  	_ = 	snop  }
0x5: {  	_ = 	snop  }
0x6: {  	_ = 	snop  }
0x7: {  	_ = 	snop  }
__scs_overlays_trampoline_lowered:
0x8: {  	[smem:$0x3FAE] =	sst s0  }
0x9: {  	[smem:$0x3FAF] =	sst s1  }
0xa: {  	[smem:$0x3FB0] =	sst s2  }
0xb: {  	[smem:$0x3FB1] =	sst s3  }
0xc: {  	[smem:$0x3FB2] =	sst s4  }
0xd: {  	[smem:$0x3FB3] =	sst s5  }
0xe: {  	[smem:$0x3FB4] =	sst s6  }
0xf: {  	[smem:$0x3FB5] =	sst s7  }
0x10: {  	[smem:$0x3FB6] =	sst s8  }
0x11: {  	[smem:$0x3FB7] =	sst s9;
	s0 =	simm.s32 @!p0 $0x0  }
0x12: {  	s1 =	sld [smem:$0x3F9D];
	s0 =	simm.s32 @p0 $0x1  }
0x13: {  	[smem:$0x3FB8] =	sst s0;
	s0 =	simm.s32 @!p1 $0x0  }
0x14: {  	s2 =	sld [smem:$0x3F9C];
	s0 =	simm.s32 @p1 $0x1  }
0x15: {  	[smem:$0x3FB9] =	sst s0;
	s0 =	simm.s32 @!p2 $0x0  }
0x16: {  	s3 =	sld [smem:$0x3FDB];
	s0 =	simm.s32 @p2 $0x1  }
0x17: {  	s4 =	simm.s32 $0x1BF5;
	[smem:$0x3FBB] =	sst s0  }
0x18: {  	s0 =	sld [smem:$0x3F9E];
	_ =	swait.ge [sflag:s4], $0x0  }
0x19: {  	s7 =	sld [smem:$0x3F9F]  }
0x1a: {  	s8 =	sadd.s32 $0xFFFFE003, lr  }
0x1b: {  	s9 =	sadd.s32 $0xFFFFFEF7, lr;
	s5 =	simm.s32 $0xFFFFFFFF;
	p2 =	slt.u32 s8, $0xFFFFF086  }
0x1c: {  	p1 =	slt.u32 s9, $0xF7A;
	s5 =	simm.s32 @!p2 $0x0  }
0x1d: {  	s5 =	simm.s32 @p1 $0x1;
	p0 =	seq.s32 s7, s2  }
0x1e: {  	s7 =	smul.u32 @!p0 $0xF7A, s2;
	p2 =	seq.s32 @!p0 s5, $0x0  }
0x1f: {  	s9 =	smul.u32 $0xF7A, s1;
	s8 =	simm.s32 @!p0 $0x1BF5;
	p2 =	por !p2, p0  }
0x20: {  	[sflag:s8] =	ssyncset.s32 @!p0 $0xFFFFF086;
	s6 =	sadd.s32 @!p0 s3, s7;
	s7 =	simm.s32 @!p0 $0x108  }
0x21: {  	s3 =	sadd.s32 s3, s9;
	s6 =	sadd.s32 @!p0 $0x88, s6;
	s7 =	simm.s32 @p2 $0x1082  }
0x22: {  	[simem:s7], [sflag:s8] =	dma.local @!p0 [hbm:s6], $0xF7A  }
0x23: {  	s9 =	sor.u32 $0xD0000000, s2;
	s6 =	simm.s32 $0x108;
	_ =	swait.ge @!p0 [sflag:s8], $0x0  }
0x24: {  	s3 =	sadd.s32 $0x88, s3;
	s6 =	simm.s32 @!p1 $0x1082;
	[sflag:s4] =	ssyncset.s32 $0xFFFFF086  }
0x25: {  	[simem:s6], [sflag:s4] =	dma.local [hbm:s3], $0xF7A  }
0x26: {  	[smem:$0x3F9F] =	sst s1;
	(tag) =	ssettag s2;
	_ =	strace s9  }
0x27: {  	s1 =	sld [smem:$0x3FAF]  }
0x28: {  	s2 =	sld [smem:$0x3FB0]  }
0x29: {  	s4 =	sld [smem:$0x3FB2]  }
0x2a: {  	p0 =	seq.s32 s5, $0x0;
	s5 =	sld [smem:$0x3FB3]  }
0x2b: {  	s6 =	sld [smem:$0x3FB4]  }
0x2c: {  	s7 =	sld [smem:$0x3FB5]  }
0x2d: {  	s3 =	simm.s32 $0x108;
	s8 =	sld [smem:$0x3FB6]  }
0x2e: {  	s3 =	simm.s32 @!p0 $0x1082;
	s9 =	sld [smem:$0x3FB7]  }
0x2f: {  	lr =	sadd.s32 s0, s3;
	s0 =	sld [smem:$0x3FAE]  }
0x30: {  	s3 =	sld [smem:$0x3FB1]  }
0x31: {  	[smem:$0x3FBA] =	sst s10  }
0x32: {  	s10 =	sld [smem:$0x3FB8];
	_ =	sdelay $0x3  }
0x33: {  	p0 =	seq.s32 s10, $0x1;
	s10 =	sld [smem:$0x3FBA];
	_ =	sdelay $0x3  }
0x34: {  	[smem:$0x3FBA] =	sst s10  }
0x35: {  	s10 =	sld [smem:$0x3FB9];
	_ =	sdelay $0x3  }
0x36: {  	p1 =	seq.s32 s10, $0x1;
	s10 =	sld [smem:$0x3FBA];
	_ =	sdelay $0x3  }
0x37: {  	[smem:$0x3FBA] =	sst s10  }
0x38: {  	s10 =	sld [smem:$0x3FBB]  }
0x39: {  	_ = 	snop;
	(pc) =	sbr.ind lr, $3  }
0x3a: {  	_ = 	snop  }
0x3b: {  	_ = 	snop  }
0x3c: {  	p2 =	seq.s32 s10, $0x1;
	s10 =	sld [smem:$0x3FBA]  }
0x3d: {  	_ =	shalt  }
0x3e: {  	_ =	shalt  }
0x3f: {  	_ =	shalt  }
0x40: {  	_ =	shalt  }
0x41: {  	_ =	shalt  }
0x42: {  	_ =	shalt  }
0x43: {  	_ =	shalt  }
0x44: {  	_ =	shalt  }
0x45: {  	_ =	shalt  }
0x46: {  	_ =	shalt  }
0x47: {  	_ =	shalt  }
0x48: {  	_ =	shalt  }
0x49: {  	_ =	shalt  }
0x4a: {  	_ =	shalt  }
0x4b: {  	_ =	shalt  }
0x4c: {  	_ =	shalt  }
0x4d: {  	_ =	shalt  }
0x4e: {  	_ =	shalt  }
0x4f: {  	_ =	shalt  }
0x50: {  	_ =	shalt  }
0x51: {  	_ =	shalt  }
0x52: {  	_ =	shalt  }
0x53: {  	_ =	shalt  }
0x54: {  	_ =	shalt  }
0x55: {  	_ =	shalt  }
0x56: {  	_ =	shalt  }
0x57: {  	_ =	shalt  }
0x58: {  	_ =	shalt  }
0x59: {  	_ =	shalt  }
0x5a: {  	_ =	shalt  }
0x5b: {  	_ =	shalt  }
0x5c: {  	_ =	shalt  }
0x5d: {  	_ =	shalt  }
0x5e: {  	_ =	shalt  }
0x5f: {  	_ =	shalt  }
0x60: {  	_ =	shalt  }
0x61: {  	_ =	shalt  }
0x62: {  	_ =	shalt  }
0x63: {  	_ =	shalt  }
0x64: {  	_ =	shalt  }
0x65: {  	_ =	shalt  }
0x66: {  	_ =	shalt  }
0x67: {  	_ =	shalt  }
0x68: {  	_ =	shalt  }
0x69: {  	_ =	shalt  }
0x6a: {  	_ =	shalt  }
0x6b: {  	_ =	shalt  }
0x6c: {  	_ =	shalt  }
0x6d: {  	_ =	shalt  }
0x6e: {  	_ =	shalt  }
0x6f: {  	_ =	shalt  }
0x70: {  	_ =	shalt  }
0x71: {  	_ =	shalt  }
0x72: {  	_ =	shalt  }
0x73: {  	_ =	shalt  }
0x74: {  	_ =	shalt  }
0x75: {  	_ =	shalt  }
0x76: {  	_ =	shalt  }
0x77: {  	_ =	shalt  }
0x78: {  	_ =	shalt  }
0x79: {  	_ =	shalt  }
0x7a: {  	_ =	shalt  }
0x7b: {  	_ =	shalt  }
0x7c: {  	_ =	shalt  }
0x7d: {  	_ =	shalt  }
0x7e: {  	_ =	shalt  }
0x7f: {  	_ =	shalt  }
0x80: {  	_ =	shalt  }
0x81: {  	_ =	shalt  }
0x82: {  	_ =	shalt  }
0x83: {  	_ =	shalt  }
0x84: {  	_ =	shalt  }
0x85: {  	_ =	shalt  }
0x86: {  	_ =	shalt  }
0x87: {  	_ =	shalt  }
.Lfunc_end0:
.L_simem_size_0:
called_computation_lowered:
.L_overlay_start_0:
0x88: {  	s2 =	sld [smem:$0x3FD9]  }
0x89: {  	s3 =	sld [smem:$0x3FFE];
	_ =	sdelay $0x1  }
0x8a: {  	s1 =	srdreg.scid  }
0x8b: {  	s0 =	sand.u32 $0x1, s1  }
0x8c: {  	s17 =	sshll.u32 s0, $0xA;
	s2 =	sadd.s32 s3, s2  }
0x8d: {  	s2 =	sadd.s32 s2, s17  }
0x8e: {  	[smem:$0x3FC6] =	sst s2  }
0x8f: {  	_ = 	snop  }
0x90: {  	s2 =	sld [smem:$0x3FD0];
	(tm) =	ssettm $0x1  }
0x91: {  	s18 =	sld [smem:$0x3FFB];
	_ =	sdelay $0x3  }
0x92: {  	_ =	strace s18  }
0x93: {  	s3 =	sld [smem:$0x3FFC];
	_ =	sdelay $0x3  }
0x94: {  	_ =	strace s3  }
0x95: {  	s3 =	sld [smem:$0x3FFD];
	_ =	sdelay $0x3  }
0x96: {  	_ =	strace s3  }
0x97: {  	_ =	strace $0x8FFFFFFF  }
0x98: {  	s19 =	sld [smem:$0x3FDB];
	_ =	sdelay $0x1  }
0x99: {  	s4 =	simm.s32 $_scs_section_size  }
0x9a: {  	s5 =	simm.s32 $_size__tile_overlayer_lowered;
	s6 =	simm.s32 $_tile_overlayer_lowered  }
0x9b: {  	s22 =	simm.s32 $0x1BFF;
	s21 =	sshll.u32 s6, $0x1;
	s3 =	sadd.s32 s4, s19  }
0x9c: {  	s7 =	simm.s32 $0x0;
	s20 =	sshll.u32 s5, $0x1;
	s5 =	sadd.s32 s21, s3  }
0x9d: {  	[timem:s7], [sflag:s22] =	dma.local [hbm:s5], s20  }
0x9e: {  	_ =	swait.ge [sflag:s22], s20  }
0x9f: {  	s4 =	ssub.s32 $0x0, s20;
	[sflag:s22] =	ssyncset.done $0x0  }
0xa0: {  	[sflag:s22] =	ssyncadd.s32 s4;
	_ =	sdelay $0x1  }
0xa1: {  	s23 =	simm.s32 $0x1B8B  }
0xa2: {  	_ =	swait.ge [sflag:s23], $0x1  }
0xa3: {  	[sflag:s23] =	ssyncset.done $0x0  }
0xa4: {  	s25 =	simm.s32 $0x1B8E;
	s24 =	sld [smem:$0x3FFE];
	[sflag:s23] =	ssyncadd.s32 $0xFFFFFFFF  }
0xa5: {  	s26 =	simm.s32 $execute0_lowered;
	[smem:$0x3FD2] =	sst s25  }
0xa6: {  	s5 =	sshll.u32 s26, $0x1;
	_ =	strace $0x80000046;
	[dreg:$0x1] =	wrdreg $0xFFFFFFFF  }
0xa7: {  	s28 =	simm.s32 $_size_execute0_lowered;
	s3 =	sadd.s32 s3, s5;
	[dreg:$0x0] =	wrdreg $0x0  }
0xa8: {  	s5 =	sshll.u32 s28, $0x1;
	[dreg:$0x2] =	wrdreg s3  }
0xa9: {  	[dreg:$0x3] =	wrdreg s5  }
0xaa: {  	[dreg:$0x4] =	wrdreg $0xC0  }
0xab: {  	_ =	task [dreg:s7], $0x5FFFF  }
0xac: {  	[dreg:$0x1] =	wrdreg $0xFFFFFFFF  }
0xad: {  	[dreg:$0x0] =	wrdreg $0x60  }
0xae: {  	[dreg:$0x2] =	wrdreg s24  }
0xaf: {  	[dreg:$0x3] =	wrdreg s2  }
0xb0: {  	[dreg:$0x4] =	wrdreg $0x9  }
0xb1: {  	_ =	task.clear_ibuf [dreg:s7], $0x5FFFF;
	_ =	strace $0x90000046  }
0xb2: {  	s29 =	simm.s32 $0x9;
	_ =	strace $0x80000048  }
0xb3: {  	_ =	swait.ge [sflag:s29], $0x1  }
0xb4: {  	[sflag:s29] =	ssyncadd.s32 $0xFFFFFFFF  }
0xb5: {  	_ =	strace $0x90000048  }
0xb6: {  	_ =	sfence  }
0xb7: {  	s30 =	sld [smem:$0x0];
	_ =	sdelay $0x2  }
0xb8: {  	s31 =	sshll.u32 s1, $0xD;
	s1 =	sshrl.u32 s1, $0x2  }
0xb9: {  	s3 =	sand.u32 $0x4000, s31;
	s1 =	sadd.s32 s1, s30  }
0xba: {  	s0 =	sor.u32 s3, s0;
	s1 =	sshll.u32 s1, $0x11  }
0xbb: {  	s0 =	sor.u32 s1, s0  }
0xbc: {  	s0 =	sadd.s32 $0x8F2B, s0  }
0xbd: {  	[sflag:s0] =	ssyncadd.remote.s32 $0x1  }
0xbe: {  	_ =	sfence.sel $0xFFFF  }
0xbf: {  	[dreg:$0x0] =	wrdreg $0xFFFFFFFF;
	(pc) =	sbr.abs _section_cstart, $3  }
0xc0: {  	[dreg:$0x1] =	wrdreg $0xFFFFFFFF  }
0xc1: {  	_ =	task.clear_ibuf [dreg:s7], $0x2FFFF;
	_ =	strace $0x9FFFFFFF  }
0xc2: {  	(tm) =	ssettm $0x7FFFFFFF  }
0xc3: {  	_ =	shalt  }
tec
execute0_lowered:
.L_overlay_start_1:
0x0: {  	(tag) =	ssettag $0x1  }
0x1: {  	s0 =	rddreg [dreg:$0x0]  }
0x2: {  	s1 =	rddreg [dreg:$0x1];
	s3 =	simm.s32 $0x0  }
0x3: {  	s2 =	srdreg.scid;
	s5 =	stileid.u32;
	s10 =	simm.s32 $0x2080  }
0x4: {  	[smem:$0x7FF] =	sst s3;
	s2 =	sand.u32 $0x1, s2;
	s5 =	sshll.u32 s5, $0x1  }
0x5: {  	s6 =	sadd.s32 $0x64400, s0;
	s0 =	sadd.s32 $0x400, s0;
	_ =	strace $0x80000047  }
0x6: {  	s4 =	ssub.s32 $0x2, s2;
	[dreg:$0x5] =	wrdreg s6;
	s2 =	sor.u32 s2, s5  }
0x7: {  	[dreg:$0x6] =	wrdreg s0;
	s29 =	sshrl.u32 s4, $0x1;
	s31 =	sshll.u32 s2, $0x9  }
0x8: {  	s2 =	sshll.u32 s2, $0xB;
	s30 =	ssub.s32 s4, s29;
	[dreg:$0x7] =	wrdreg s31  }
0x9: {  	v0 =	vlaneseq.u32;
	s11 =	simm.s32 $0x1;
	[dreg:$0x8] =	wrdreg s2;
	s0 =	smax.u32 s30, $0x1  }
0xa: {  	s12 =	simm.s32 $0x2;
	v0 =	vmul.u32 $0xC8, v0;
	s2 =	simm.s32 $0x0;
	[dreg:$0x9] =	wrdreg s0  }
.LBB2_1:
0xb: {  	[dreg:$0xa] =	wrdreg s2  }
0xc: {  	s0 =	rddreg [dreg:$0x5];
	s31 =	simm.s32 $0x3  }
0xd: {  	[tilespmem:s3], [sflag:$0x3] =	stream.linear.gather [hbm4b:s0+s3], $0x2080, $0x38;
	[tilespmem:$0x1B080] =	vst v63  }
0xe: {  	_ =	swait.ge [sflag:s31], $0x2080  }
0xf: {  	s16 =	simm.s32 $0x0;
	s17 =	simm.s32 $0x0;
	[sflag:s31] =	ssyncset.done $0x0  }
0x10: {  	s5 =	simm.s32 $0x0;
	s6 =	simm.s32 $0x0;
	[sflag:s31] =	ssyncadd.s32 $0xFFFFDF80  }
.LBB2_2:
0x11: {  	s0 =	sshll.u32 s6, $0x1  }
0x12: {  	s2 =	rddreg [dreg:$0x7];
	s7 =	sand.u32 $0x6, s0  }
0x13: {  	[dreg:$0xf] =	wrdreg s0;
	s0 =	sshrl.u32 s6, $0x2;
	p1 =	sne.s32 s7, $0x0  }
0x14: {  	[dreg:$0x10] =	wrdreg s0;
	s0 =	sshll.u32 @!p1 s0, $0x8  }
0x15: {  	s0 =	sadd.s32 @!p1 s2, s0  }
0x16: {  	s0 =	smul.u32 @!p1 $0x19, s0  }
0x17: {  	p0 =	seq.s32 s6, $0x0;
	s2 =	rddreg [dreg:$0x6]  }
0x18: {  	s4 =	simm.s32 @!p1 $0x2080;
	s0 =	sadd.s32 @!p1 s2, s0;
	s2 =	simm.s32 @!p1 $0x0  }
0x19: {  	[tilespmem:s4], [sflag:$0x3] =	stream.linear.gather @!p1 [hbm4b:s0+s2], $0xC800, $0x38;
	[tilespmem:$0x1B080] =	vst v63  }
.Ltmp0:
0x1a: {  	_ = 	snop;
	(pc) =	sbr.rel @p0 .LBB2_4-.Ltmp0, $4  }
0x1b: {  	s0 =	simm.s32 @!p1 $0x3  }
0x1c: {  	_ =	swait.ge @!p1 [sflag:s0], $0xC800  }
0x1d: {  	[sflag:s0] =	ssyncset.done @!p1 $0x0  }
0x1e: {  	[dreg:$0xe] =	wrdreg s6;
	[sflag:s0] =	ssyncadd.s32 @!p1 $0xFFFF3800  }
0x1f: {  	_ =	swait.ge [sflag:s11], $0x400  }
0x20: {  	[sflag:s11] =	ssyncset.done $0x0  }
0x21: {  	[sflag:s11] =	ssyncadd.s32 $0xFFFFFC00  }
0x22: {  	_ =	swait.ge [sflag:s11], $0x400  }
0x23: {  	[sflag:s11] =	ssyncset.done $0x0  }
0x24: {  	[sflag:s11] =	ssyncadd.s32 $0xFFFFFC00  }
0x25: {  	_ =	swait.ge [sflag:s11], $0x400  }
0x26: {  	[sflag:s11] =	ssyncset.done $0x0  }
0x27: {  	[sflag:s11] =	ssyncadd.s32 $0xFFFFFC00  }
0x28: {  	_ =	swait.ge [sflag:s11], $0x400  }
0x29: {  	[sflag:s11] =	ssyncset.done $0x0  }
0x2a: {  	[sflag:s11] =	ssyncadd.s32 $0xFFFFFC00  }
0x2b: {  	_ =	swait.ge [sflag:s11], $0x400  }
0x2c: {  	[sflag:s11] =	ssyncset.done $0x0  }
0x2d: {  	[sflag:s11] =	ssyncadd.s32 $0xFFFFFC00  }
0x2e: {  	_ =	swait.ge [sflag:s11], $0x400  }
0x2f: {  	[sflag:s11] =	ssyncset.done $0x0  }
0x30: {  	[sflag:s11] =	ssyncadd.s32 $0xFFFFFC00  }
0x31: {  	_ =	swait.ge [sflag:s11], $0x400  }
0x32: {  	[sflag:s11] =	ssyncset.done $0x0  }
0x33: {  	[sflag:s11] =	ssyncadd.s32 $0xFFFFFC00  }
0x34: {  	_ =	swait.ge [sflag:s11], $0x400  }
0x35: {  	[sflag:s11] =	ssyncset.done $0x0  }
0x36: {  	[sflag:s11] =	ssyncadd.s32 $0xFFFFFC00  }
0x37: {  	_ =	swait.ge [sflag:s11], $0x400  }
0x38: {  	[sflag:s11] =	ssyncset.done $0x0  }
0x39: {  	[sflag:s11] =	ssyncadd.s32 $0xFFFFFC00  }
0x3a: {  	_ =	swait.ge [sflag:s11], $0x400  }
0x3b: {  	[sflag:s11] =	ssyncset.done $0x0  }
0x3c: {  	[sflag:s11] =	ssyncadd.s32 $0xFFFFFC00  }
0x3d: {  	_ =	swait.ge [sflag:s11], $0x400  }
0x3e: {  	[sflag:s11] =	ssyncset.done $0x0  }
0x3f: {  	[sflag:s11] =	ssyncadd.s32 $0xFFFFFC00  }
0x40: {  	_ =	swait.ge [sflag:s11], $0x400  }
0x41: {  	[sflag:s11] =	ssyncset.done $0x0  }
0x42: {  	[sflag:s11] =	ssyncadd.s32 $0xFFFFFC00  }
0x43: {  	_ =	swait.ge [sflag:s11], $0x400  }
0x44: {  	[sflag:s11] =	ssyncset.done $0x0  }
0x45: {  	[sflag:s11] =	ssyncadd.s32 $0xFFFFFC00  }
0x46: {  	_ =	swait.ge [sflag:s11], $0x400  }
0x47: {  	[sflag:s11] =	ssyncset.done $0x0  }
0x48: {  	[sflag:s11] =	ssyncadd.s32 $0xFFFFFC00  }
0x49: {  	_ =	swait.ge [sflag:s11], $0x400  }
0x4a: {  	[sflag:s11] =	ssyncset.done $0x0  }
0x4b: {  	[sflag:s11] =	ssyncadd.s32 $0xFFFFFC00  }
0x4c: {  	_ =	swait.ge [sflag:s11], $0x400  }
0x4d: {  	[sflag:s11] =	ssyncset.done $0x0  }
0x4e: {  	[sflag:s11] =	ssyncadd.s32 $0xFFFFFC00  }
0x4f: {  	_ =	swait.ge [sflag:s11], $0x400  }
0x50: {  	[sflag:s11] =	ssyncset.done $0x0  }
0x51: {  	[sflag:s11] =	ssyncadd.s32 $0xFFFFFC00  }
0x52: {  	_ =	swait.ge [sflag:s11], $0x400  }
0x53: {  	[sflag:s11] =	ssyncset.done $0x0  }
0x54: {  	[sflag:s11] =	ssyncadd.s32 $0xFFFFFC00  }
0x55: {  	_ =	swait.ge [sflag:s11], $0x400  }
0x56: {  	[sflag:s11] =	ssyncset.done $0x0  }
0x57: {  	[sflag:s11] =	ssyncadd.s32 $0xFFFFFC00  }
0x58: {  	_ =	swait.ge [sflag:s11], $0x400  }
0x59: {  	[sflag:s11] =	ssyncset.done $0x0  }
0x5a: {  	[sflag:s11] =	ssyncadd.s32 $0xFFFFFC00  }
0x5b: {  	_ =	swait.ge [sflag:s11], $0x400  }
0x5c: {  	[sflag:s11] =	ssyncset.done $0x0  }
0x5d: {  	[sflag:s11] =	ssyncadd.s32 $0xFFFFFC00  }
0x5e: {  	_ =	swait.ge [sflag:s11], $0x400  }
0x5f: {  	[sflag:s11] =	ssyncset.done $0x0  }
0x60: {  	[sflag:s11] =	ssyncadd.s32 $0xFFFFFC00  }
0x61: {  	_ =	swait.ge [sflag:s11], $0x400  }
0x62: {  	[sflag:s11] =	ssyncset.done $0x0  }
0x63: {  	[sflag:s11] =	ssyncadd.s32 $0xFFFFFC00  }
0x64: {  	_ =	swait.ge [sflag:s11], $0x400  }
0x65: {  	[sflag:s11] =	ssyncset.done $0x0  }
0x66: {  	[sflag:s11] =	ssyncadd.s32 $0xFFFFFC00  }
0x67: {  	_ =	swait.ge [sflag:s11], $0x400  }
0x68: {  	[sflag:s11] =	ssyncset.done $0x0  }
0x69: {  	[sflag:s11] =	ssyncadd.s32 $0xFFFFFC00  }
.LBB2_4:
0x6a: {  	s0 =	sand.u32 $0x3, s5  }
0x6b: {  	s19 =	simm.s32 $0x0;
	s0 =	smul.u32 $0x32, s0  }
0x6c: {  	s6 =	smul.u32 $0xFFFF3801, s19;
	_ =	sdelay $0x1  }
0x6d: {  	s6 =	sadd.s32 s6, s0  }
0x6e: {  	s21 =	sadd.s32 $0xC80, s6  }
0x6f: {  	s22 =	sadd.s32 $0x1900, s6;
	v2 =	vadd.s32 s21, v0  }
0x70: {  	[dreg:$0x11] =	wrdreg s7;
	s2 =	smul.u32 $0x19, s7;
	s23 =	sadd.s32 $0x2580, s6;
	v3 =	vadd.s32 s22, v0  }
0x71: {  	[dreg:$0xd] =	wrdreg s5;
	s4 =	simm.s32 $0x0;
	s24 =	sadd.s32 $0x3E80, s6;
	v4 =	vadd.s32 s23, v0  }
0x72: {  	[dreg:$0x3] =	wrdreg s2;
	s2 =	sand.u32 $0x8, s4;
	s25 =	sadd.s32 $0x4B00, s6;
	v5 =	vadd.s32 s24, v0  }
0x73: {  	s20 =	rddreg [dreg:$0x3];
	s4 =	smul.u32 $0xC80, s2;
	s26 =	sadd.s32 $0x5780, s6;
	v6 =	vadd.s32 s25, v0  }
0x74: {  	s5 =	sadd.s32 $0x0, s20;
	s6 =	sadd.s32 $0x3200, s6;
	v7 =	vadd.s32 s26, v0;
	v2 =	vld.idx.msk [tilespmem:v2+s10+$0x0], $0xffff  }
0x75: {  	s4 =	sadd.s32 s4, s5;
	v8 =	vadd.s32 s6, v0;
	v3 =	vld.idx.msk [tilespmem:v3+s10+$0x0], $0xffff  }
0x76: {  	v1 =	vadd.s32 s4, v0;
	v4 =	vld.idx.msk [tilespmem:v4+s10+$0x0], $0xffff  }
0x77: {  	v5 =	vld.idx.msk [tilespmem:v5+s10+$0x0], $0xffff  }
0x78: {  	v6 =	vld.idx.msk [tilespmem:v6+s10+$0x0], $0xffff  }
0x79: {  	v7 =	vld.idx.msk [tilespmem:v7+s10+$0x0], $0xffff  }
0x7a: {  	v8 =	vld.idx.msk [tilespmem:v8+s10+$0x0], $0xffff  }
0x7b: {  	v1 =	vld.idx.msk [tilespmem:v1+s10+$0x0], $0xffff;
	_ =	sdelay $0x1  }
0x7c: {  	vm14 =	vgt.s32 v2, $0x0;
	vm15 =	vgt.s32 v3, $0x0  }
0x7d: {  	vm1 =	vgt.s32 v4, $0x0;
	vm4 =	vgt.s32 v5, $0x0;
	vm5 =	vgt.s32 v6, $0x0  }
0x7e: {  	vm6 =	vgt.s32 v7, $0x0;
	vm7 =	vgt.s32 v8, $0x0;
	v3 =	vnsel vm15, $0x0, v3  }
0x7f: {  	vm0 =	vgt.s32 v1, $0x0;
	v4 =	vnsel vm1, $0x0, v4;
	v3 =	vmin.u32 v3, $0x800  }
0x80: {  	v2 =	vnsel vm14, $0x0, v2;
	v4 =	vmin.u32 v4, $0x800;
	v9 =	vshll.u32 v3, $0x2  }
0x81: {  	v8 =	vnsel vm7, $0x0, v8;
	v2 =	vmin.u32 v2, $0x800;
	v3 =	vshll.u32 v4, $0x2  }
0x82: {  	v1 =	vnsel vm0, $0x0, v1;
	v8 =	vmin.u32 v8, $0x800;
	v2 =	vshll.u32 v2, $0x2  }
0x83: {  	v1 =	vmin.u32 v1, $0x800;
	v4 =	vnsel vm4, $0x0, v5;
	v8 =	vshll.u32 v8, $0x2  }
0x84: {  	v5 =	vnsel vm5, $0x0, v6;
	v1 =	vshll.u32 v1, $0x2;
	v4 =	vmin.u32 v4, $0x800  }
0x85: {  	v6 =	vnsel vm6, $0x0, v7;
	v5 =	vmin.u32 v5, $0x800;
	v4 =	vshll.u32 v4, $0x2;
	v10 =	vld.idx.msk [tilespmem:v9+s3+$0x0], $0xffff  }
0x86: {  	v6 =	vmin.u32 v6, $0x800;
	v5 =	vshll.u32 v5, $0x2;
	v11 =	vld.idx.msk [tilespmem:v3+s3+$0x0], $0xffff  }
0x87: {  	s7 =	simm.s32 $0x0;
	s8 =	simm.s32 $0x80;
	v6 =	vshll.u32 v6, $0x2;
	v13 =	vld.idx.msk [tilespmem:v2+s3+$0x0], $0xffff  }
0x88: {  	s9 =	simm.s32 $0xC0;
	s14 =	simm.s32 $0x140;
	s4 =	sand.u32 $0x3FFFFC00, s7;
	v14 =	vor.u32 $0x1, v3;
	v20 =	vld.idx.msk [tilespmem:v8+s3+$0x0], $0xffff  }
0x89: {  	s13 =	sand.u32 $0xFFFFFE00, s9;
	s5 =	sand.u32 $0xFFFFFE00, s8;
	s8 =	sadd.s32 $0xE880, s4;
	v12 =	vor.u32 $0x1, v9;
	v7 =	vld.idx.msk [tilespmem:v1+s3+$0x0], $0xffff  }
0x8a: {  	s21 =	sadd.s32 s5, s8;
	s5 =	sand.u32 $0xFFFFFE00, s14;
	s14 =	simm.s32 $0x40;
	v19 =	vor.u32 $0x1, v1;
	v15 =	vld.idx.msk [tilespmem:v4+s3+$0x0], $0xffff  }
0x8b: {  	s2 =	sshll.u32 s2, $0x6;
	s6 =	sadd.s32 s13, s8;
	s23 =	sand.u32 $0xFFFFFE00, s14;
	v17 =	vor.u32 $0x1, v4;
	v16 =	vld.idx.msk [tilespmem:v5+s3+$0x0], $0xffff;
	[tilespmem:s21+$0x20] =	vst v10  }
0x8c: {  	s7 =	sor.u32 s2, s8;
	s2 =	sadd.s32 s23, s8;
	v18 =	vor.u32 $0x1, v5;
	v10 =	vld.idx.msk [tilespmem:v6+s3+$0x0], $0xffff;
	[tilespmem:s6+$0x30] =	vst v11  }
0x8d: {  	s15 =	simm.s32 $0x180;
	v11 =	vor.u32 $0x1, v6;
	[tilespmem:s2+$0x10] =	vst v13;
	v14 =	vld.idx.msk [tilespmem:v14+s3+$0x0], $0xffff  }
0x8e: {  	s18 =	simm.s32 $0x1C0;
	s4 =	sand.u32 $0xFFFFFE00, s15;
	s9 =	sadd.s32 s5, s8;
	v21 =	vor.u32 $0x2, v3;
	v12 =	vld.idx.msk [tilespmem:v12+s3+$0x0], $0xffff;
	[tilespmem:s7+$0x0] =	vst v7  }
0x8f: {  	s19 =	sand.u32 $0xFFFFFE00, s18;
	s4 =	sadd.s32 s4, s8;
	[tilespmem:s9+$0x50] =	vst v15;
	v15 =	vor.u32 $0x1, v8;
	v19 =	vld.idx.msk [tilespmem:v19+s3+$0x0], $0xffff  }
0x90: {  	s20 =	simm.s32 $0x100;
	s13 =	sadd.s32 s19, s8;
	[tilespmem:s4+$0x60] =	vst v16;
	v16 =	vor.u32 $0x1, v2;
	v17 =	vld.idx.msk [tilespmem:v17+s3+$0x0], $0xffff  }
0x91: {  	s22 =	sand.u32 $0xFFFFFE00, s20;
	v13 =	vor.u32 $0x2, v1;
	v18 =	vld.idx.msk [tilespmem:v18+s3+$0x0], $0xffff;
	[tilespmem:s13+$0x70] =	vst v10  }
0x92: {  	s24 =	simm.s32 $0x0;
	s5 =	sadd.s32 s22, s8;
	s22 =	simm.s32 $0x8;
	v7 =	vor.u32 $0x2, v4;
	v10 =	vld.idx.msk [tilespmem:v11+s3+$0x0], $0xffff;
	[tilespmem:s6+$0xB0] =	vst v14  }
0x93: {  	s14 =	smul.u32 $0xFFFF3801, s24;
	s8 =	sand.u32 $0x8, s22;
	[tilespmem:s5+$0x40] =	vst v20;
	v11 =	vor.u32 $0x2, v5;
	v14 =	vld.idx.msk [tilespmem:v21+s3+$0x0], $0xffff  }
0x94: {  	s15 =	rddreg [dreg:$0x3];
	s18 =	smul.u32 $0xC80, s8;
	v20 =	vor.u32 $0x2, v6;
	v15 =	vld.idx.msk [tilespmem:v15+s3+$0x0], $0xffff  }
0x95: {  	s0 =	sadd.s32 $0x6400, s0;
	s15 =	sadd.s32 $0x0, s15;
	v3 =	vor.u32 $0x3, v3;
	v16 =	vld.idx.msk [tilespmem:v16+s3+$0x0], $0xffff;
	[tilespmem:s7+$0x80] =	vst v19  }
0x96: {  	s14 =	sadd.s32 s14, s0;
	s15 =	sadd.s32 s18, s15;
	[tilespmem:s9+$0xD0] =	vst v17;
	v17 =	vor.u32 $0x2, v8;
	v13 =	vld.idx.msk [tilespmem:v13+s3+$0x0], $0xffff  }
0x97: {  	s23 =	sadd.s32 $0x4B00, s14;
	[tilespmem:s4+$0xE0] =	vst v18;
	v18 =	vadd.s32 s15, v0;
	v7 =	vld.idx.msk [tilespmem:v7+s3+$0x0], $0xffff  }
0x98: {  	v22 =	vadd.s32 s23, v0;
	v11 =	vld.idx.msk [tilespmem:v11+s3+$0x0], $0xffff;
	[tilespmem:s13+$0xF0] =	vst v10  }
0x99: {  	s25 =	sadd.s32 $0xC80, s14;
	v4 =	vor.u32 $0x3, v4;
	v19 =	vld.idx.msk [tilespmem:v20+s3+$0x0], $0xffff;
	[tilespmem:s6+$0x130] =	vst v14  }
0x9a: {  	s18 =	sadd.s32 $0x2580, s14;
	v10 =	vadd.s32 s25, v0;
	[tilespmem:s5+$0xC0] =	vst v15;
	v21 =	vld.idx.msk [tilespmem:v3+s3+$0x0], $0xffff  }
0x9b: {  	s19 =	sadd.s32 $0x3200, s14;
	v14 =	vadd.s32 s18, v0;
	v15 =	vld.idx.msk [tilespmem:v17+s3+$0x0], $0xffff  }
0x9c: {  	s26 =	sadd.s32 $0x1900, s14;
	v3 =	vadd.s32 s19, v0;
	v17 =	vld.idx.msk [tilespmem:v18+s10+$0x0], $0xffff  }
0x9d: {  	s20 =	sadd.s32 $0x3E80, s14;
	s14 =	sadd.s32 $0x5780, s14;
	v20 =	vadd.s32 s26, v0;
	[tilespmem:s9+$0x150] =	vst v7;
	v7 =	vld.idx.msk [tilespmem:v22+s10+$0x0], $0xffff  }
0x9e: {  	v23 =	vadd.s32 s14, v0;
	v4 =	vld.idx.msk [tilespmem:v4+s3+$0x0], $0xffff  }
0x9f: {  	v18 =	vadd.s32 s20, v0;
	v10 =	vld.idx.msk [tilespmem:v10+s10+$0x0], $0xffff  }
0xa0: {  	v25 =	vor.u32 $0x3, v1;
	v14 =	vld.idx.msk [tilespmem:v14+s10+$0x0], $0xffff  }
0xa1: {  	v24 =	vld.idx.msk [tilespmem:v3+s10+$0x0], $0xffff;
	v3 =	vor.u32 $0x3, v6  }
0xa2: {  	v5 =	vor.u32 $0x3, v5;
	[tilespmem:s21+$0xA0] =	vst v12;
	v20 =	vld.idx.msk [tilespmem:v20+s10+$0x0], $0xffff  }
0xa3: {  	v23 =	vld.idx.msk [tilespmem:v23+s10+$0x0], $0xffff;
	v22 =	vor.u32 $0x2, v2;
	[tilespmem:s13+$0x170] =	vst v19;
	v19 =	vor.u32 $0x3, v8;
	vm8 =	vgt.s32 v17, $0x0  }
0xa4: {  	[tilespmem:s7+$0x100] =	vst v13;
	v6 =	vld.idx.msk [tilespmem:v18+s10+$0x0], $0xffff;
	v18 =	vor.u32 $0x3, v2;
	v2 =	vnsel vm8, $0x0, v17;
	vm13 =	vgt.s32 v7, $0x0  }
0xa5: {  	[tilespmem:s2+$0x90] =	vst v16;
	v13 =	vld.idx.msk [tilespmem:v25+s3+$0x0], $0xffff;
	v17 =	vor.u32 $0x2, v9;
	v1 =	vmin.u32 v2, $0x800;
	v12 =	vnsel vm13, $0x0, v7  }
0xa6: {  	[tilespmem:s4+$0x160] =	vst v11;
	v2 =	vshll.u32 v1, $0x2;
	vm11 =	vgt.s32 v10, $0x0;
	vm10 =	vgt.s32 v14, $0x0;
	v11 =	vld.idx.msk [tilespmem:v3+s3+$0x0], $0xffff  }
0xa7: {  	[tilespmem:s9+$0x1D0] =	vst v4;
	v4 =	vmin.u32 v12, $0x800;
	vm9 =	vgt.s32 v20, $0x0;
	v3 =	vnsel vm10, $0x0, v14;
	v14 =	vld.idx.msk [tilespmem:v5+s3+$0x0], $0xffff  }
0xa8: {  	v4 =	vshll.u32 v4, $0x2;
	v1 =	vnsel vm9, $0x0, v20;
	v5 =	vnsel vm11, $0x0, v10;
	v10 =	vld.idx.msk [tilespmem:v22+s3+$0x0], $0xffff  }
0xa9: {  	vm12 =	vgt.s32 v6, $0x0;
	v1 =	vmin.u32 v1, $0x800  }
0xaa: {  	[tilespmem:s5+$0x140] =	vst v15;
	v3 =	vmin.u32 v3, $0x800;
	v5 =	vmin.u32 v5, $0x800;
	v12 =	vld.idx.msk [tilespmem:v17+s3+$0x0], $0xffff;
	v1 =	vshll.u32 v1, $0x2  }
0xab: {  	[tilespmem:s6+$0x1B0] =	vst v21;
	v8 =	vshll.u32 v3, $0x2;
	v3 =	vshll.u32 v5, $0x2;
	v5 =	vnsel vm12, $0x0, v6;
	v6 =	vld.idx.msk [tilespmem:v19+s3+$0x0], $0xffff  }
0xac: {  	vm14 =	vgt.s32 v23, $0x0;
	[tilespmem:s7+$0x180] =	vst v13;
	v15 =	vld.idx.msk [tilespmem:v2+s3+$0x0], $0xffff;
	v5 =	vmin.u32 v5, $0x800  }
0xad: {  	vm15 =	vgt.s32 v24, $0x0;
	v7 =	vshll.u32 v5, $0x2;
	v5 =	vnsel vm14, $0x0, v23;
	v20 =	vld.idx.msk [tilespmem:v4+s3+$0x0], $0xffff;
	[tilespmem:s2+$0x110] =	vst v10  }
0xae: {  	[tilespmem:s13+$0x1F0] =	vst v11;
	v5 =	vmin.u32 v5, $0x800;
	v10 =	vnsel vm15, $0x0, v24;
	v17 =	vld.idx.msk [tilespmem:v18+s3+$0x0], $0xffff  }
0xaf: {  	s24 =	simm.s32 $0x200;
	[tilespmem:s4+$0x1E0] =	vst v14;
	v5 =	vshll.u32 v5, $0x2;
	v10 =	vmin.u32 v10, $0x800;
	v11 =	vld.idx.msk [tilespmem:v1+s3+$0x0], $0xffff  }
0xb0: {  	s15 =	simm.s32 $0x380;
	s6 =	sand.u32 $0x3FFFFC00, s24;
	v16 =	vld.idx.msk [tilespmem:v8+s3+$0x0], $0xffff;
	[tilespmem:s5+$0x1C0] =	vst v6;
	v6 =	vshll.u32 v10, $0x2  }
0xb1: {  	s25 =	simm.s32 $0x280;
	s19 =	sand.u32 $0xFFFFFE00, s15;
	v14 =	vor.u32 $0x1, v1;
	[tilespmem:s21+$0x120] =	vst v12;
	v13 =	vld.idx.msk [tilespmem:v3+s3+$0x0], $0xffff;
	s5 =	sadd.s32 $0xE880, s6  }
0xb2: {  	s4 =	sand.u32 $0xFFFFFE00, s25;
	v18 =	vor.u32 $0x1, v8;
	s25 =	sadd.s32 s19, s5;
	v10 =	vld.idx.msk [tilespmem:v7+s3+$0x0], $0xffff;
	[dreg:$0xb] =	wrdreg s16  }
0xb3: {  	s26 =	simm.s32 $0x2C0;
	v19 =	vor.u32 $0x3, v9;
	[tilespmem:s25+$0x60] =	vst v20  }
0xb4: {  	s7 =	sand.u32 $0xFFFFFE00, s26;
	s13 =	simm.s32 $0x240;
	v21 =	vor.u32 $0x1, v7;
	s28 =	sadd.s32 s4, s5;
	v22 =	vld.idx.msk [tilespmem:v5+s3+$0x0], $0xffff;
	[tilespmem:s2+$0x190] =	vst v17  }
0xb5: {  	s14 =	simm.s32 $0x340;
	s4 =	sadd.s32 s7, s5;
	s7 =	sand.u32 $0xFFFFFE00, s13;
	[tilespmem:s28+$0x20] =	vst v11;
	v11 =	vld.idx.msk [tilespmem:v6+s3+$0x0], $0xffff  }
0xb6: {  	s9 =	sshrl.u32 s16, $0x3;
	v23 =	vor.u32 $0x1, v4;
	s23 =	sadd.s32 s7, s5;
	s16 =	sand.u32 $0xFFFFFE00, s14;
	[tilespmem:s4+$0x30] =	vst v16;
	v9 =	vld.idx.msk [tilespmem:v14+s3+$0x0], $0xffff  }
0xb7: {  	s6 =	smul.u32 $0xC8, s9;
	v63 =	vor.u32 $0x1, v5;
	s2 =	sadd.s32 s16, s5;
	[tilespmem:s23+$0x10] =	vst v13;
	v12 =	vld.idx.msk [tilespmem:v18+s3+$0x0], $0xffff  }
0xb8: {  	s8 =	sshll.u32 s8, $0x6;
	s18 =	simm.s32 $0x3C0;
	s20 =	simm.s32 $0x300;
	v14 =	vld.idx.msk [tilespmem:v19+s3+$0x0], $0xffff;
	[tilespmem:s2+$0x50] =	vst v10  }
0xb9: {  	s24 =	sand.u32 $0xFFFFFE00, s18;
	s6 =	ssub.s32 s17, s6;
	v16 =	vld.idx.msk [tilespmem:v21+s3+$0x0], $0xffff;
	[dreg:$0xc] =	wrdreg s17  }
0xba: {  	s26 =	sand.u32 $0xFFFFFE00, s20;
	s30 =	sadd.s32 s24, s5;
	[dreg:$0x13] =	wrdreg s6  }
0xbb: {  	s24 =	sadd.s32 s26, s5;
	s26 =	sor.u32 s8, s5;
	v20 =	vor.u32 $0x2, v8;
	v17 =	vor.u32 $0x1, v3;
	v18 =	vor.u32 $0x1, v2;
	v13 =	vld.idx.msk [tilespmem:v23+s3+$0x0], $0xffff;
	[tilespmem:s30+$0x70] =	vst v22  }
0xbc: {  	s29 =	simm.s32 $0x10;
	s31 =	simm.s32 $0x400;
	s0 =	sadd.s32 $0x6400, s0;
	v19 =	vor.u32 $0x1, v6;
	v10 =	vor.u32 $0x2, v4;
	v21 =	vor.u32 $0x2, v7;
	[tilespmem:s26+$0x0] =	vst v15;
	v15 =	vld.idx.msk [tilespmem:v63+s3+$0x0], $0xffff  }
.LBB2_5:
0xbd: {  	_ = 	snop  }
0xbe: {  	s5 =	sshrl.u32 s29, $0x4;
	s22 =	sadd.s32 $0x8, s22  }
0xbf: {  	s7 =	smul.u32 $0xFFFF3801, s5;
	s8 =	sand.u32 $0x8, s22;
	[tilespmem:s4+$0xB0] =	vst v12  }
0xc0: {  	s6 =	rddreg [dreg:$0x3];
	v18 =	vld.idx.msk [tilespmem:v18+s3+$0x0], $0xffff;
	s13 =	sshrl.u32 s22, $0x4;
	s14 =	smul.u32 $0xC80, s8;
	[tilespmem:s24+$0x40] =	vst v11  }
0xc1: {  	s6 =	sadd.s32 s6, s13;
	v11 =	vor.u32 $0x2, v5;
	[tilespmem:s21+$0x1A0] =	vst v14;
	v14 =	vld.idx.msk [tilespmem:v17+s3+$0x0], $0xffff  }
0xc2: {  	s15 =	sadd.s32 s7, s0;
	[tilespmem:s2+$0xD0] =	vst v16;
	s14 =	sadd.s32 s14, s6;
	v12 =	vld.idx.msk [tilespmem:v20+s3+$0x0], $0xffff;
	v20 =	vor.u32 $0x2, v2  }
0xc3: {  	s16 =	sadd.s32 $0xC80, s15;
	[tilespmem:s25+$0xE0] =	vst v13;
	v19 =	vld.idx.msk [tilespmem:v19+s3+$0x0], $0xffff;
	v13 =	vadd.s32 s14, v0  }
0xc4: {  	s18 =	sadd.s32 $0x1900, s15;
	[tilespmem:s30+$0xF0] =	vst v15;
	v17 =	vld.idx.msk [tilespmem:v21+s3+$0x0], $0xffff;
	v15 =	vadd.s32 s16, v0  }
0xc5: {  	v10 =	vld.idx.msk [tilespmem:v10+s3+$0x0], $0xffff;
	[tilespmem:s26+$0x80] =	vst v18;
	v18 =	vadd.s32 s18, v0  }
0xc6: {  	v16 =	vor.u32 $0x2, v6;
	v11 =	vld.idx.msk [tilespmem:v11+s3+$0x0], $0xffff  }
0xc7: {  	v8 =	vor.u32 $0x3, v8;
	[tilespmem:s23+$0x90] =	vst v14;
	v20 =	vld.idx.msk [tilespmem:v20+s3+$0x0], $0xffff  }
0xc8: {  	v7 =	vor.u32 $0x3, v7;
	s18 =	sadd.s32 $0x2580, s15;
	[tilespmem:s4+$0x130] =	vst v12;
	v13 =	vld.idx.msk [tilespmem:v13+s10+$0x0], $0xffff  }
0xc9: {  	s20 =	sadd.s32 $0x3200, s15;
	v12 =	vadd.s32 s18, v0;
	[tilespmem:s24+$0xC0] =	vst v19;
	v15 =	vld.idx.msk [tilespmem:v15+s10+$0x0], $0xffff  }
0xca: {  	s19 =	sadd.s32 $0x3E80, s15;
	v19 =	vadd.s32 s20, v0;
	[tilespmem:s25+$0x160] =	vst v10;
	v10 =	vld.idx.msk [tilespmem:v18+s10+$0x0], $0xffff  }
0xcb: {  	s5 =	sshll.u32 s5, $0xA;
	s17 =	sadd.s32 $0x4B00, s15;
	v14 =	vld.idx.msk [tilespmem:v16+s3+$0x0], $0xffff;
	v16 =	vadd.s32 s19, v0  }
0xcc: {  	s21 =	ssub.s32 s31, s5;
	[tilespmem:s2+$0x150] =	vst v17;
	v17 =	vadd.s32 s17, v0;
	v8 =	vld.idx.msk [tilespmem:v8+s3+$0x0], $0xffff  }
0xcd: {  	v5 =	vor.u32 $0x3, v5;
	s14 =	sadd.s32 $0x80, s21;
	s13 =	sadd.s32 $0xC0, s21;
	s16 =	sadd.s32 $0x5780, s15;
	v7 =	vld.idx.msk [tilespmem:v7+s3+$0x0], $0xffff  }
0xce: {  	v4 =	vor.u32 $0x3, v4;
	s7 =	sadd.s32 $0x40, s21;
	s5 =	sadd.s32 $0x100, s21;
	s6 =	sadd.s32 $0x180, s21;
	[tilespmem:s30+$0x170] =	vst v11;
	v11 =	vld.idx.msk [tilespmem:v12+s10+$0x0], $0xffff  }
0xcf: {  	v6 =	vor.u32 $0x3, v6;
	s18 =	sadd.s32 $0x140, s21;
	s20 =	sadd.s32 $0x1C0, s21;
	s21 =	smov.u32 s28;
	v12 =	vadd.s32 s16, v0;
	v18 =	vld.idx.msk [tilespmem:v19+s10+$0x0], $0xffff  }
0xd0: {  	[tilespmem:s21+$0xA0] =	vst v9;
	vm0 =	vgt.s32 v13, $0x0;
	vm10 =	vgt.s32 v10, $0x0;
	v9 =	vld.idx.msk [tilespmem:v16+s10+$0x0], $0xffff;
	v16 =	vor.u32 $0x3, v3  }
0xd1: {  	[tilespmem:s24+$0x140] =	vst v14;
	v14 =	vld.idx.msk [tilespmem:v17+s10+$0x0], $0xffff;
	v17 =	vor.u32 $0x3, v2;
	v3 =	vor.u32 $0x2, v3;
	v2 =	vnsel vm0, $0x0, v13  }
0xd2: {  	vm9 =	vgt.s32 v15, $0x0;
	v5 =	vld.idx.msk [tilespmem:v5+s3+$0x0], $0xffff;
	v10 =	vnsel vm10, $0x0, v10;
	v2 =	vmin.u32 v2, $0x800  }
0xd3: {  	v13 =	vld.idx.msk [tilespmem:v4+s3+$0x0], $0xffff;
	v10 =	vmin.u32 v10, $0x800;
	v2 =	vshll.u32 v2, $0x2;
	vm11 =	vgt.s32 v11, $0x0  }
0xd4: {  	[tilespmem:s4+$0x1B0] =	vst v8;
	v8 =	vnsel vm9, $0x0, v15;
	v15 =	vshll.u32 v10, $0x2;
	v12 =	vld.idx.msk [tilespmem:v12+s10+$0x0], $0xffff;
	v11 =	vnsel vm11, $0x0, v11  }
0xd5: {  	v19 =	vor.u32 $0x2, v1;
	v4 =	vmin.u32 v8, $0x800;
	v6 =	vld.idx.msk [tilespmem:v6+s3+$0x0], $0xffff;
	v8 =	vmin.u32 v11, $0x800  }
0xd6: {  	[tilespmem:s26+$0x100] =	vst v20;
	vm13 =	vgt.s32 v9, $0x0;
	v11 =	vld.idx.msk [tilespmem:v3+s3+$0x0], $0xffff;
	v8 =	vshll.u32 v8, $0x2  }
0xd7: {  	v17 =	vld.idx.msk [tilespmem:v17+s3+$0x0], $0xffff;
	vm14 =	vgt.s32 v14, $0x0;
	v3 =	vshll.u32 v4, $0x2;
	v4 =	vnsel vm13, $0x0, v9  }
0xd8: {  	[tilespmem:s2+$0x1D0] =	vst v7;
	v9 =	vnsel vm14, $0x0, v14;
	v21 =	vld.idx.msk [tilespmem:v2+s3+$0x0], $0xffff;
	v4 =	vmin.u32 v4, $0x800  }
0xd9: {  	[tilespmem:s30+$0x1F0] =	vst v5;
	v14 =	vld.idx.msk [tilespmem:v15+s3+$0x0], $0xffff;
	v7 =	vshll.u32 v4, $0x2;
	v4 =	vmin.u32 v9, $0x800;
	vm15 =	vgt.s32 v12, $0x0  }
0xda: {  	s9 =	sshll.u32 s22, $0x6;
	[tilespmem:s25+$0x1E0] =	vst v13;
	v4 =	vshll.u32 v4, $0x2;
	v9 =	vnsel vm15, $0x0, v12;
	v12 =	vld.idx.msk [tilespmem:v19+s3+$0x0], $0xffff  }
0xdb: {  	s9 =	sand.u32 $0x3FFFFC00, s9;
	vm12 =	vgt.s32 v18, $0x0;
	v5 =	vmin.u32 v9, $0x800;
	[tilespmem:s23+$0x110] =	vst v11;
	v9 =	vor.u32 $0x1, v15;
	v13 =	vld.idx.msk [tilespmem:v8+s3+$0x0], $0xffff  }
0xdc: {  	s9 =	sadd.s32 $0xE880, s9;
	s14 =	sand.u32 $0xFFFFFE00, s14;
	v10 =	vnsel vm12, $0x0, v18;
	[tilespmem:s24+$0x1C0] =	vst v6;
	v5 =	vshll.u32 v5, $0x2;
	v11 =	vld.idx.msk [tilespmem:v16+s3+$0x0], $0xffff  }
0xdd: {  	v22 =	vor.u32 $0x3, v1;
	s28 =	sadd.s32 s14, s9;
	v18 =	vmin.u32 v10, $0x800;
	[tilespmem:s26+$0x180] =	vst v17;
	v16 =	vld.idx.msk [tilespmem:v3+s3+$0x0], $0xffff  }
0xde: {  	v6 =	vshll.u32 v18, $0x2;
	[tilespmem:s28+$0x20] =	vst v14;
	v19 =	vld.idx.msk [tilespmem:v7+s3+$0x0], $0xffff  }
0xdf: {  	s16 =	sand.u32 $0xFFFFFE00, s13;
	v1 =	vmov v15;
	v17 =	vor.u32 $0x1, v8;
	v15 =	vld.idx.msk [tilespmem:v4+s3+$0x0], $0xffff;
	[tilespmem:s21+$0x120] =	vst v12  }
0xe0: {  	s4 =	sadd.s32 s16, s9;
	v23 =	vor.u32 $0x1, v7;
	v9 =	vld.idx.msk [tilespmem:v9+s3+$0x0], $0xffff  }
0xe1: {  	p1 =	slt.u32 s22, $0x188;
	s17 =	sand.u32 $0xFFFFFE00, s7;
	v24 =	vld.idx.msk [tilespmem:v5+s3+$0x0], $0xffff;
	[tilespmem:s4+$0x30] =	vst v13;
	v13 =	vor.u32 $0x1, v4  }
0xe2: {  	s15 =	sand.u32 $0xFFFFFE00, s5;
	s19 =	sand.u32 $0xFFFFFE00, s18;
	v25 =	vor.u32 $0x1, v5;
	v14 =	vld.idx.msk [tilespmem:v22+s3+$0x0], $0xffff;
	[tilespmem:s23+$0x190] =	vst v11;
	s23 =	sadd.s32 s17, s9  }
.Ltmp1:
0xe3: {  	s5 =	sand.u32 $0xFFFFFE00, s6;
	s2 =	sadd.s32 s19, s9;
	v11 =	vld.idx.msk [tilespmem:v6+s3+$0x0], $0xffff;
	[tilespmem:s23+$0x10] =	vst v16;
	(pc) =	sbr.rel @p1 .LBB2_5-.Ltmp1, $4  }
0xe4: {  	s20 =	sand.u32 $0xFFFFFE00, s20;
	s25 =	sadd.s32 s5, s9;
	v12 =	vld.idx.msk [tilespmem:v17+s3+$0x0], $0xffff;
	[tilespmem:s2+$0x50] =	vst v19  }
0xe5: {  	s30 =	sadd.s32 s20, s9;
	s26 =	sshll.u32 s8, $0x6;
	v16 =	vld.idx.msk [tilespmem:v23+s3+$0x0], $0xffff;
	[tilespmem:s25+$0x60] =	vst v15  }
0xe6: {  	s29 =	sadd.s32 $0x8, s29;
	v18 =	vor.u32 $0x1, v2;
	v20 =	vor.u32 $0x2, v8;
	v10 =	vor.u32 $0x2, v4;
	s26 =	sor.u32 s26, s9;
	v13 =	vld.idx.msk [tilespmem:v13+s3+$0x0], $0xffff;
	[tilespmem:s30+$0x70] =	vst v24  }
0xe7: {  	s0 =	sadd.s32 $0x6400, s0;
	s31 =	sadd.s32 $0x200, s31;
	s24 =	sadd.s32 s15, s9;
	[tilespmem:s26+$0x0] =	vst v21;
	v21 =	vor.u32 $0x2, v7;
	v19 =	vor.u32 $0x1, v6;
	v17 =	vor.u32 $0x1, v3;
	v15 =	vld.idx.msk [tilespmem:v25+s3+$0x0], $0xffff  }
0xe8: {  	_ =	sdelay $0x2  }
0xe9: {  	[tilespmem:s4+$0xB0] =	vst v12  }
0xea: {  	[tilespmem:s21+$0x1A0] =	vst v14;
	v12 =	vld.idx.msk [tilespmem:v20+s3+$0x0], $0xffff  }
0xeb: {  	v8 =	vor.u32 $0x3, v8;
	[tilespmem:s24+$0x40] =	vst v11  }
0xec: {  	v53 =	vld.idx.msk [tilespmem:v18+s3+$0x0], $0xffff;
	[tilespmem:s28+$0xA0] =	vst v9  }
0xed: {  	v52 =	vor.u32 $0x2, v5;
	v55 =	vld.idx.msk [tilespmem:v17+s3+$0x0], $0xffff;
	[tilespmem:s2+$0xD0] =	vst v16  }
0xee: {  	v58 =	vor.u32 $0x2, v1;
	v11 =	vld.idx.msk [tilespmem:v19+s3+$0x0], $0xffff;
	[tilespmem:s25+$0xE0] =	vst v13  }
0xef: {  	v56 =	vor.u32 $0x2, v6;
	v16 =	vld.idx.msk [tilespmem:v21+s3+$0x0], $0xffff;
	[tilespmem:s4+$0x130] =	vst v12  }
0xf0: {  	v54 =	vor.u32 $0x2, v2;
	[tilespmem:s30+$0xF0] =	vst v15;
	v8 =	vld.idx.msk [tilespmem:v8+s3+$0x0], $0xffff  }
0xf1: {  	v57 =	vor.u32 $0x2, v3;
	v10 =	vld.idx.msk [tilespmem:v10+s3+$0x0], $0xffff;
	[tilespmem:s26+$0x80] =	vst v53  }
0xf2: {  	v7 =	vor.u32 $0x3, v7;
	[tilespmem:s23+$0x90] =	vst v55;
	v12 =	vld.idx.msk [tilespmem:v52+s3+$0x0], $0xffff  }
0xf3: {  	v59 =	vor.u32 $0x3, v5;
	v63 =	vld.idx.msk [tilespmem:v58+s3+$0x0], $0xffff;
	[tilespmem:s24+$0xC0] =	vst v11  }
0xf4: {  	v4 =	vor.u32 $0x3, v4;
	v60 =	vld.idx.msk [tilespmem:v56+s3+$0x0], $0xffff;
	[tilespmem:s2+$0x150] =	vst v16  }
0xf5: {  	v61 =	vor.u32 $0x3, v6;
	[tilespmem:s4+$0x1B0] =	vst v8;
	v8 =	vld.idx.msk [tilespmem:v54+s3+$0x0], $0xffff  }
0xf6: {  	v2 =	vor.u32 $0x3, v2;
	v62 =	vld.idx.msk [tilespmem:v57+s3+$0x0], $0xffff;
	[tilespmem:s25+$0x160] =	vst v10  }
0xf7: {  	v7 =	vld.idx.msk [tilespmem:v7+s3+$0x0], $0xffff;
	[tilespmem:s30+$0x170] =	vst v12  }
0xf8: {  	[tilespmem:s28+$0x120] =	vst v63;
	v5 =	vld.idx.msk [tilespmem:v59+s3+$0x0], $0xffff  }
0xf9: {  	v3 =	vor.u32 $0x3, v3;
	v4 =	vld.idx.msk [tilespmem:v4+s3+$0x0], $0xffff;
	[tilespmem:s24+$0x140] =	vst v60  }
0xfa: {  	v1 =	vor.u32 $0x3, v1;
	v6 =	vld.idx.msk [tilespmem:v61+s3+$0x0], $0xffff;
	[tilespmem:s26+$0x100] =	vst v8  }
0xfb: {  	[tilespmem:s23+$0x110] =	vst v62;
	v2 =	vld.idx.msk [tilespmem:v2+s3+$0x0], $0xffff  }
0xfc: {  	[tilespmem:s2+$0x1D0] =	vst v7  }
0xfd: {  	[tilespmem:s30+$0x1F0] =	vst v5  }
0xfe: {  	v3 =	vld.idx.msk [tilespmem:v3+s3+$0x0], $0xffff;
	s0 =	rddreg [dreg:$0x11];
	[tilespmem:s25+$0x1E0] =	vst v4  }
0xff: {  	v1 =	vld.idx.msk [tilespmem:v1+s3+$0x0], $0xffff;
	s0 =	smul.u32 $0x190000, s0;
	s2 =	rddreg [dreg:$0x10];
	[tilespmem:s24+$0x1C0] =	vst v6  }
0x100: {  	s2 =	sshll.u32 s2, $0xA;
	[tilespmem:s26+$0x180] =	vst v2  }
0x101: {  	s0 =	sadd.s32 s2, s0;
	s30 =	rddreg [dreg:$0x8]  }
0x102: {  	s0 =	sadd.s32 s30, s0  }
0x103: {  	[tilespmem:s23+$0x190] =	vst v3;
	s0 =	sshrl.u32 s0, $0x3  }
0x104: {  	s31 =	simm.s32 $0xE880;
	[tilespmem:s28+$0x1A0] =	vst v1;
	s2 =	sadd.s32 s1, s0;
	s0 =	sor.u32 $0x2000, s0  }
0x105: {  	[hbm4b:s2+s3] =	stream.linear.scatter [tilespmem:s31], [sflag:$0x1], $0x400, $0x38;
	[tilespmem:$0x1B080] =	vst v63  }
0x106: {  	s5 =	simm.s32 $0xEC80;
	s0 =	sadd.s32 s1, s0  }
0x107: {  	[hbm4b:s0+s3] =	stream.linear.scatter [tilespmem:s5], [sflag:$0x1], $0x400, $0x38;
	[tilespmem:$0x1B080] =	vst v63  }
0x108: {  	s7 =	simm.s32 $0xF080;
	s6 =	sadd.s32 $0x4000, s2  }
0x109: {  	[hbm4b:s6+s3] =	stream.linear.scatter [tilespmem:s7], [sflag:$0x1], $0x400, $0x38;
	[tilespmem:$0x1B080] =	vst v63  }
0x10a: {  	s9 =	simm.s32 $0xF480;
	s8 =	sadd.s32 $0x6000, s2  }
0x10b: {  	[hbm4b:s8+s3] =	stream.linear.scatter [tilespmem:s9], [sflag:$0x1], $0x400, $0x38;
	[tilespmem:$0x1B080] =	vst v63  }
0x10c: {  	s14 =	simm.s32 $0xF880;
	s13 =	sadd.s32 $0x8000, s2  }
0x10d: {  	[hbm4b:s13+s3] =	stream.linear.scatter [tilespmem:s14], [sflag:$0x1], $0x400, $0x38;
	[tilespmem:$0x1B080] =	vst v63  }
0x10e: {  	s16 =	simm.s32 $0xFC80;
	s15 =	sadd.s32 $0xA000, s2  }
0x10f: {  	[hbm4b:s15+s3] =	stream.linear.scatter [tilespmem:s16], [sflag:$0x1], $0x400, $0x38;
	[tilespmem:$0x1B080] =	vst v63  }
0x110: {  	s18 =	simm.s32 $0x10080;
	s17 =	sadd.s32 $0xC000, s2  }
0x111: {  	[hbm4b:s17+s3] =	stream.linear.scatter [tilespmem:s18], [sflag:$0x1], $0x400, $0x38;
	[tilespmem:$0x1B080] =	vst v63  }
0x112: {  	s20 =	simm.s32 $0x10480;
	s19 =	sadd.s32 $0xE000, s2  }
0x113: {  	[hbm4b:s19+s3] =	stream.linear.scatter [tilespmem:s20], [sflag:$0x1], $0x400, $0x38;
	[tilespmem:$0x1B080] =	vst v63  }
0x114: {  	s22 =	simm.s32 $0x10880;
	s21 =	sadd.s32 $0x10000, s2  }
0x115: {  	[hbm4b:s21+s3] =	stream.linear.scatter [tilespmem:s22], [sflag:$0x1], $0x400, $0x38;
	[tilespmem:$0x1B080] =	vst v63  }
0x116: {  	s24 =	simm.s32 $0x10C80;
	s23 =	sadd.s32 $0x12000, s2  }
0x117: {  	[hbm4b:s23+s3] =	stream.linear.scatter [tilespmem:s24], [sflag:$0x1], $0x400, $0x38;
	[tilespmem:$0x1B080] =	vst v63  }
0x118: {  	s26 =	simm.s32 $0x11080;
	s25 =	sadd.s32 $0x14000, s2  }
0x119: {  	[hbm4b:s25+s3] =	stream.linear.scatter [tilespmem:s26], [sflag:$0x1], $0x400, $0x38;
	[tilespmem:$0x1B080] =	vst v63  }
0x11a: {  	s29 =	simm.s32 $0x11480;
	s28 =	sadd.s32 $0x16000, s2  }
0x11b: {  	[hbm4b:s28+s3] =	stream.linear.scatter [tilespmem:s29], [sflag:$0x1], $0x400, $0x38;
	[tilespmem:$0x1B080] =	vst v63  }
0x11c: {  	s30 =	sadd.s32 $0x18000, s2;
	s31 =	simm.s32 $0x11880  }
0x11d: {  	[hbm4b:s30+s3] =	stream.linear.scatter [tilespmem:s31], [sflag:$0x1], $0x400, $0x38;
	[tilespmem:$0x1B080] =	vst v63  }
0x11e: {  	s4 =	sadd.s32 $0x1A000, s2;
	s5 =	simm.s32 $0x11C80  }
0x11f: {  	[hbm4b:s4+s3] =	stream.linear.scatter [tilespmem:s5], [sflag:$0x1], $0x400, $0x38;
	[tilespmem:$0x1B080] =	vst v63  }
0x120: {  	s6 =	sadd.s32 $0x1C000, s2;
	s7 =	simm.s32 $0x12080  }
0x121: {  	[hbm4b:s6+s3] =	stream.linear.scatter [tilespmem:s7], [sflag:$0x1], $0x400, $0x38;
	[tilespmem:$0x1B080] =	vst v63  }
0x122: {  	s8 =	sadd.s32 $0x1E000, s2;
	s9 =	simm.s32 $0x12480  }
0x123: {  	[hbm4b:s8+s3] =	stream.linear.scatter [tilespmem:s9], [sflag:$0x1], $0x400, $0x38;
	[tilespmem:$0x1B080] =	vst v63  }
0x124: {  	s13 =	sadd.s32 $0x20000, s2;
	s14 =	simm.s32 $0x12880  }
0x125: {  	[hbm4b:s13+s3] =	stream.linear.scatter [tilespmem:s14], [sflag:$0x1], $0x400, $0x38;
	[tilespmem:$0x1B080] =	vst v63  }
0x126: {  	s15 =	sadd.s32 $0x22000, s2;
	s16 =	simm.s32 $0x12C80  }
0x127: {  	[hbm4b:s15+s3] =	stream.linear.scatter [tilespmem:s16], [sflag:$0x1], $0x400, $0x38;
	[tilespmem:$0x1B080] =	vst v63  }
0x128: {  	s17 =	sadd.s32 $0x24000, s2;
	s18 =	simm.s32 $0x13080  }
0x129: {  	[hbm4b:s17+s3] =	stream.linear.scatter [tilespmem:s18], [sflag:$0x1], $0x400, $0x38;
	[tilespmem:$0x1B080] =	vst v63  }
0x12a: {  	s19 =	sadd.s32 $0x26000, s2;
	s20 =	simm.s32 $0x13480  }
0x12b: {  	[hbm4b:s19+s3] =	stream.linear.scatter [tilespmem:s20], [sflag:$0x1], $0x400, $0x38;
	[tilespmem:$0x1B080] =	vst v63  }
0x12c: {  	s21 =	sadd.s32 $0x28000, s2;
	s22 =	simm.s32 $0x13880  }
0x12d: {  	[hbm4b:s21+s3] =	stream.linear.scatter [tilespmem:s22], [sflag:$0x1], $0x400, $0x38;
	[tilespmem:$0x1B080] =	vst v63  }
0x12e: {  	s23 =	sadd.s32 $0x2A000, s2;
	s24 =	simm.s32 $0x13C80  }
0x12f: {  	[hbm4b:s23+s3] =	stream.linear.scatter [tilespmem:s24], [sflag:$0x1], $0x400, $0x38;
	[tilespmem:$0x1B080] =	vst v63  }
0x130: {  	s25 =	sadd.s32 $0x2C000, s2;
	s26 =	simm.s32 $0x14080  }
0x131: {  	[hbm4b:s25+s3] =	stream.linear.scatter [tilespmem:s26], [sflag:$0x1], $0x400, $0x38;
	[tilespmem:$0x1B080] =	vst v63  }
.Ltmp2:
0x132: {  	_ = 	snop;
	(pc) =	sbr.rel @p0 .LBB2_8-.Ltmp2, $4  }
0x133: {  	s28 =	sadd.s32 $0x2E000, s2;
	s29 =	simm.s32 $0x14480  }
0x134: {  	[hbm4b:s28+s3] =	stream.linear.scatter [tilespmem:s29], [sflag:$0x1], $0x400, $0x38;
	[tilespmem:$0x1B080] =	vst v63  }
0x135: {  	s30 =	sadd.s32 $0x30000, s2;
	s31 =	simm.s32 $0x14880  }
0x136: {  	[hbm4b:s30+s3] =	stream.linear.scatter [tilespmem:s31], [sflag:$0x1], $0x400, $0x38;
	[tilespmem:$0x1B080] =	vst v63  }
0x137: {  	_ =	swait.ge [sflag:s12], $0x400  }
0x138: {  	[sflag:s12] =	ssyncset.done $0x0  }
0x139: {  	[sflag:s12] =	ssyncadd.s32 $0xFFFFFC00  }
0x13a: {  	_ =	swait.ge [sflag:s12], $0x400  }
0x13b: {  	[sflag:s12] =	ssyncset.done $0x0  }
0x13c: {  	[sflag:s12] =	ssyncadd.s32 $0xFFFFFC00  }
0x13d: {  	_ =	swait.ge [sflag:s12], $0x400  }
0x13e: {  	[sflag:s12] =	ssyncset.done $0x0  }
0x13f: {  	[sflag:s12] =	ssyncadd.s32 $0xFFFFFC00  }
0x140: {  	_ =	swait.ge [sflag:s12], $0x400  }
0x141: {  	[sflag:s12] =	ssyncset.done $0x0  }
0x142: {  	[sflag:s12] =	ssyncadd.s32 $0xFFFFFC00  }
0x143: {  	_ =	swait.ge [sflag:s12], $0x400  }
0x144: {  	[sflag:s12] =	ssyncset.done $0x0  }
0x145: {  	[sflag:s12] =	ssyncadd.s32 $0xFFFFFC00  }
0x146: {  	_ =	swait.ge [sflag:s12], $0x400  }
0x147: {  	[sflag:s12] =	ssyncset.done $0x0  }
0x148: {  	[sflag:s12] =	ssyncadd.s32 $0xFFFFFC00  }
0x149: {  	_ =	swait.ge [sflag:s12], $0x400  }
0x14a: {  	[sflag:s12] =	ssyncset.done $0x0  }
0x14b: {  	[sflag:s12] =	ssyncadd.s32 $0xFFFFFC00  }
0x14c: {  	_ =	swait.ge [sflag:s12], $0x400  }
0x14d: {  	[sflag:s12] =	ssyncset.done $0x0  }
0x14e: {  	[sflag:s12] =	ssyncadd.s32 $0xFFFFFC00  }
0x14f: {  	_ =	swait.ge [sflag:s12], $0x400  }
0x150: {  	[sflag:s12] =	ssyncset.done $0x0  }
0x151: {  	[sflag:s12] =	ssyncadd.s32 $0xFFFFFC00  }
0x152: {  	_ =	swait.ge [sflag:s12], $0x400  }
0x153: {  	[sflag:s12] =	ssyncset.done $0x0  }
0x154: {  	[sflag:s12] =	ssyncadd.s32 $0xFFFFFC00  }
0x155: {  	_ =	swait.ge [sflag:s12], $0x400  }
0x156: {  	[sflag:s12] =	ssyncset.done $0x0  }
0x157: {  	[sflag:s12] =	ssyncadd.s32 $0xFFFFFC00  }
0x158: {  	_ =	swait.ge [sflag:s12], $0x400  }
0x159: {  	[sflag:s12] =	ssyncset.done $0x0  }
0x15a: {  	[sflag:s12] =	ssyncadd.s32 $0xFFFFFC00  }
0x15b: {  	_ =	swait.ge [sflag:s12], $0x400  }
0x15c: {  	[sflag:s12] =	ssyncset.done $0x0  }
0x15d: {  	[sflag:s12] =	ssyncadd.s32 $0xFFFFFC00  }
0x15e: {  	_ =	swait.ge [sflag:s12], $0x400  }
0x15f: {  	[sflag:s12] =	ssyncset.done $0x0  }
0x160: {  	[sflag:s12] =	ssyncadd.s32 $0xFFFFFC00  }
0x161: {  	_ =	swait.ge [sflag:s12], $0x400  }
0x162: {  	[sflag:s12] =	ssyncset.done $0x0  }
0x163: {  	[sflag:s12] =	ssyncadd.s32 $0xFFFFFC00  }
0x164: {  	_ =	swait.ge [sflag:s12], $0x400  }
0x165: {  	[sflag:s12] =	ssyncset.done $0x0  }
0x166: {  	[sflag:s12] =	ssyncadd.s32 $0xFFFFFC00  }
0x167: {  	_ =	swait.ge [sflag:s12], $0x400  }
0x168: {  	[sflag:s12] =	ssyncset.done $0x0  }
0x169: {  	[sflag:s12] =	ssyncadd.s32 $0xFFFFFC00  }
0x16a: {  	_ =	swait.ge [sflag:s12], $0x400  }
0x16b: {  	[sflag:s12] =	ssyncset.done $0x0  }
0x16c: {  	[sflag:s12] =	ssyncadd.s32 $0xFFFFFC00  }
0x16d: {  	_ =	swait.ge [sflag:s12], $0x400  }
0x16e: {  	[sflag:s12] =	ssyncset.done $0x0  }
0x16f: {  	[sflag:s12] =	ssyncadd.s32 $0xFFFFFC00  }
0x170: {  	_ =	swait.ge [sflag:s12], $0x400  }
0x171: {  	[sflag:s12] =	ssyncset.done $0x0  }
0x172: {  	[sflag:s12] =	ssyncadd.s32 $0xFFFFFC00  }
0x173: {  	_ =	swait.ge [sflag:s12], $0x400  }
0x174: {  	[sflag:s12] =	ssyncset.done $0x0  }
0x175: {  	[sflag:s12] =	ssyncadd.s32 $0xFFFFFC00  }
0x176: {  	_ =	swait.ge [sflag:s12], $0x400  }
0x177: {  	[sflag:s12] =	ssyncset.done $0x0  }
0x178: {  	[sflag:s12] =	ssyncadd.s32 $0xFFFFFC00  }
0x179: {  	_ =	swait.ge [sflag:s12], $0x400  }
0x17a: {  	[sflag:s12] =	ssyncset.done $0x0  }
0x17b: {  	[sflag:s12] =	ssyncadd.s32 $0xFFFFFC00  }
0x17c: {  	_ =	swait.ge [sflag:s12], $0x400  }
0x17d: {  	[sflag:s12] =	ssyncset.done $0x0  }
0x17e: {  	[sflag:s12] =	ssyncadd.s32 $0xFFFFFC00  }
0x17f: {  	_ =	swait.ge [sflag:s12], $0x400  }
0x180: {  	[sflag:s12] =	ssyncset.done $0x0  }
0x181: {  	[sflag:s12] =	ssyncadd.s32 $0xFFFFFC00  }
.LBB2_8:
0x182: {  	s21 =	simm.s32 $0x0  }
0x183: {  	s5 =	smul.u32 $0xFFFF3801, s21  }
0x184: {  	s17 =	rddreg [dreg:$0x13]  }
0x185: {  	s5 =	sadd.s32 s5, s17  }
0x186: {  	s2 =	rddreg [dreg:$0xf];
	s24 =	sadd.s32 $0xC99, s5  }
0x187: {  	s0 =	sor.u32 $0x1, s2;
	s2 =	sand.u32 $0x8, s2;
	s25 =	sadd.s32 $0x1919, s5;
	v2 =	vadd.s32 s24, v0  }
0x188: {  	s0 =	ssub.s32 s0, s2;
	s26 =	sadd.s32 $0x2599, s5;
	v3 =	vadd.s32 s25, v0  }
0x189: {  	[dreg:$0x12] =	wrdreg s0;
	s0 =	smul.u32 $0x19, s0;
	s29 =	sadd.s32 $0x3E99, s5;
	v4 =	vadd.s32 s26, v0  }
0x18a: {  	s30 =	sadd.s32 $0x4B19, s5;
	v5 =	vadd.s32 s29, v0  }
0x18b: {  	s31 =	sadd.s32 $0x5799, s5;
	[dreg:$0x4] =	wrdreg s0;
	v6 =	vadd.s32 s30, v0  }
0x18c: {  	s5 =	sadd.s32 $0x3219, s5;
	v7 =	vadd.s32 s31, v0;
	v2 =	vld.idx.msk [tilespmem:v2+s10+$0x0], $0xffff  }
0x18d: {  	s22 =	simm.s32 $0x0;
	v8 =	vadd.s32 s5, v0;
	v3 =	vld.idx.msk [tilespmem:v3+s10+$0x0], $0xffff  }
0x18e: {  	s23 =	sand.u32 $0x8, s22;
	v4 =	vld.idx.msk [tilespmem:v4+s10+$0x0], $0xffff  }
0x18f: {  	s2 =	smul.u32 $0xC80, s23;
	s4 =	rddreg [dreg:$0x4];
	v5 =	vld.idx.msk [tilespmem:v5+s10+$0x0], $0xffff  }
0x190: {  	s4 =	sadd.s32 $0x0, s4;
	v6 =	vld.idx.msk [tilespmem:v6+s10+$0x0], $0xffff  }
0x191: {  	s2 =	sadd.s32 s2, s4;
	v7 =	vld.idx.msk [tilespmem:v7+s10+$0x0], $0xffff  }
0x192: {  	v1 =	vadd.s32 s2, v0;
	v8 =	vld.idx.msk [tilespmem:v8+s10+$0x0], $0xffff;
	_ =	sdelay $0x2  }
0x193: {  	vm14 =	vgt.s32 v2, $0x0;
	vm15 =	vgt.s32 v3, $0x0  }
0x194: {  	vm1 =	vgt.s32 v4, $0x0;
	vm4 =	vgt.s32 v5, $0x0;
	vm5 =	vgt.s32 v6, $0x0  }
0x195: {  	v1 =	vld.idx.msk [tilespmem:v1+s10+$0x0], $0xffff;
	vm6 =	vgt.s32 v7, $0x0;
	vm7 =	vgt.s32 v8, $0x0;
	v3 =	vnsel vm15, $0x0, v3  }
0x196: {  	v2 =	vnsel vm14, $0x0, v2;
	v4 =	vnsel vm1, $0x0, v4;
	v3 =	vmin.u32 v3, $0x800  }
0x197: {  	v8 =	vnsel vm7, $0x0, v8;
	v4 =	vmin.u32 v4, $0x800;
	v9 =	vshll.u32 v3, $0x2  }
0x198: {  	v2 =	vmin.u32 v2, $0x800;
	v8 =	vmin.u32 v8, $0x800;
	v3 =	vshll.u32 v4, $0x2  }
0x199: {  	v2 =	vshll.u32 v2, $0x2;
	v4 =	vnsel vm4, $0x0, v5;
	v5 =	vnsel vm5, $0x0, v6  }
0x19a: {  	v8 =	vshll.u32 v8, $0x2;
	vm0 =	vgt.s32 v1, $0x0;
	v4 =	vmin.u32 v4, $0x800  }
0x19b: {  	v5 =	vmin.u32 v5, $0x800;
	v1 =	vnsel vm0, $0x0, v1;
	v4 =	vshll.u32 v4, $0x2  }
0x19c: {  	v6 =	vnsel vm6, $0x0, v7;
	v5 =	vshll.u32 v5, $0x2;
	v1 =	vmin.u32 v1, $0x800;
	v10 =	vld.idx.msk [tilespmem:v9+s3+$0x0], $0xffff  }
0x19d: {  	v6 =	vmin.u32 v6, $0x800;
	v1 =	vshll.u32 v1, $0x2;
	v11 =	vld.idx.msk [tilespmem:v3+s3+$0x0], $0xffff  }
0x19e: {  	s6 =	simm.s32 $0x0;
	v6 =	vshll.u32 v6, $0x2;
	v13 =	vld.idx.msk [tilespmem:v2+s3+$0x0], $0xffff  }
0x19f: {  	s7 =	simm.s32 $0x80;
	s8 =	simm.s32 $0xC0;
	s2 =	sand.u32 $0x3FFFFC00, s6;
	v14 =	vor.u32 $0x1, v3;
	v20 =	vld.idx.msk [tilespmem:v8+s3+$0x0], $0xffff  }
0x1a0: {  	s13 =	simm.s32 $0x140;
	s4 =	sand.u32 $0xFFFFFE00, s7;
	s2 =	sadd.s32 $0x14C80, s2;
	v12 =	vor.u32 $0x1, v9;
	v15 =	vld.idx.msk [tilespmem:v4+s3+$0x0], $0xffff  }
0x1a1: {  	s16 =	simm.s32 $0x100;
	s9 =	sand.u32 $0xFFFFFE00, s8;
	s18 =	sadd.s32 s4, s2;
	v17 =	vor.u32 $0x1, v4;
	v16 =	vld.idx.msk [tilespmem:v5+s3+$0x0], $0xffff  }
0x1a2: {  	s19 =	sand.u32 $0xFFFFFE00, s16;
	s5 =	sand.u32 $0xFFFFFE00, s13;
	s6 =	sadd.s32 s9, s2;
	v18 =	vor.u32 $0x1, v5;
	v7 =	vld.idx.msk [tilespmem:v1+s3+$0x0], $0xffff;
	[tilespmem:s18+$0x20] =	vst v10  }
0x1a3: {  	s14 =	simm.s32 $0x180;
	s9 =	sadd.s32 s5, s2;
	s5 =	sadd.s32 s19, s2;
	v19 =	vor.u32 $0x1, v1;
	v10 =	vld.idx.msk [tilespmem:v6+s3+$0x0], $0xffff;
	[tilespmem:s6+$0x30] =	vst v11  }
0x1a4: {  	s4 =	sand.u32 $0xFFFFFE00, s14;
	v11 =	vor.u32 $0x1, v6;
	[tilespmem:s5+$0x40] =	vst v20;
	v14 =	vld.idx.msk [tilespmem:v14+s3+$0x0], $0xffff  }
0x1a5: {  	s0 =	sshll.u32 s23, $0x6;
	s7 =	simm.s32 $0x1C0;
	s4 =	sadd.s32 s4, s2;
	v21 =	vor.u32 $0x2, v3;
	v12 =	vld.idx.msk [tilespmem:v12+s3+$0x0], $0xffff;
	[tilespmem:s9+$0x50] =	vst v15  }
0x1a6: {  	s15 =	sand.u32 $0xFFFFFE00, s7;
	s20 =	sor.u32 s0, s2;
	v15 =	vor.u32 $0x1, v8;
	[tilespmem:s4+$0x60] =	vst v16;
	v17 =	vld.idx.msk [tilespmem:v17+s3+$0x0], $0xffff  }
0x1a7: {  	s8 =	simm.s32 $0x40;
	s13 =	sadd.s32 s15, s2;
	v16 =	vor.u32 $0x1, v2;
	v18 =	vld.idx.msk [tilespmem:v18+s3+$0x0], $0xffff;
	[tilespmem:s20+$0x0] =	vst v7  }
0x1a8: {  	s22 =	simm.s32 $0x0;
	s21 =	sand.u32 $0xFFFFFE00, s8;
	s19 =	simm.s32 $0x8;
	v7 =	vor.u32 $0x2, v4;
	[tilespmem:s13+$0x70] =	vst v10;
	v19 =	vld.idx.msk [tilespmem:v19+s3+$0x0], $0xffff  }
0x1a9: {  	s15 =	smul.u32 $0xFFFF3801, s22;
	s2 =	sadd.s32 s21, s2;
	s8 =	sand.u32 $0x8, s19;
	v10 =	vld.idx.msk [tilespmem:v11+s3+$0x0], $0xffff;
	v11 =	vor.u32 $0x2, v5;
	[tilespmem:s6+$0xB0] =	vst v14  }
0x1aa: {  	s14 =	rddreg [dreg:$0x4];
	s16 =	smul.u32 $0xC80, s8;
	v20 =	vor.u32 $0x2, v6;
	[tilespmem:s2+$0x10] =	vst v13;
	v14 =	vld.idx.msk [tilespmem:v21+s3+$0x0], $0xffff  }
0x1ab: {  	s0 =	sadd.s32 $0x6400, s17;
	s14 =	sadd.s32 $0x0, s14;
	v3 =	vor.u32 $0x3, v3;
	v15 =	vld.idx.msk [tilespmem:v15+s3+$0x0], $0xffff;
	[tilespmem:s9+$0xD0] =	vst v17  }
0x1ac: {  	s15 =	sadd.s32 s15, s0;
	s14 =	sadd.s32 s16, s14;
	v16 =	vld.idx.msk [tilespmem:v16+s3+$0x0], $0xffff;
	v17 =	vor.u32 $0x2, v8;
	[tilespmem:s4+$0xE0] =	vst v18  }
0x1ad: {  	s30 =	sadd.s32 $0x4B19, s15;
	v18 =	vadd.s32 s14, v0;
	v7 =	vld.idx.msk [tilespmem:v7+s3+$0x0], $0xffff;
	[tilespmem:s20+$0x80] =	vst v19  }
0x1ae: {  	v22 =	vadd.s32 s30, v0;
	v11 =	vld.idx.msk [tilespmem:v11+s3+$0x0], $0xffff;
	[tilespmem:s13+$0xF0] =	vst v10  }
0x1af: {  	s23 =	sadd.s32 $0xC99, s15;
	v4 =	vor.u32 $0x3, v4;
	v19 =	vld.idx.msk [tilespmem:v20+s3+$0x0], $0xffff;
	[tilespmem:s6+$0x130] =	vst v14  }
0x1b0: {  	s24 =	sadd.s32 $0x1919, s15;
	v10 =	vadd.s32 s23, v0;
	[tilespmem:s5+$0xC0] =	vst v15;
	v21 =	vld.idx.msk [tilespmem:v3+s3+$0x0], $0xffff  }
0x1b1: {  	s25 =	sadd.s32 $0x2599, s15;
	v20 =	vadd.s32 s24, v0;
	v15 =	vld.idx.msk [tilespmem:v17+s3+$0x0], $0xffff  }
0x1b2: {  	s26 =	sadd.s32 $0x3219, s15;
	v14 =	vadd.s32 s25, v0;
	v17 =	vld.idx.msk [tilespmem:v18+s10+$0x0], $0xffff  }
0x1b3: {  	v3 =	vadd.s32 s26, v0;
	[tilespmem:s9+$0x150] =	vst v7;
	v7 =	vld.idx.msk [tilespmem:v22+s10+$0x0], $0xffff  }
0x1b4: {  	s29 =	sadd.s32 $0x3E99, s15;
	v13 =	vor.u32 $0x2, v1;
	v4 =	vld.idx.msk [tilespmem:v4+s3+$0x0], $0xffff  }
0x1b5: {  	v18 =	vadd.s32 s29, v0;
	v10 =	vld.idx.msk [tilespmem:v10+s10+$0x0], $0xffff  }
0x1b6: {  	s31 =	sadd.s32 $0x5799, s15;
	v20 =	vld.idx.msk [tilespmem:v20+s10+$0x0], $0xffff  }
0x1b7: {  	v23 =	vadd.s32 s31, v0;
	v14 =	vld.idx.msk [tilespmem:v14+s10+$0x0], $0xffff  }
0x1b8: {  	v25 =	vor.u32 $0x3, v1;
	v24 =	vld.idx.msk [tilespmem:v3+s10+$0x0], $0xffff;
	v3 =	vor.u32 $0x3, v6  }
0x1b9: {  	v5 =	vor.u32 $0x3, v5;
	v13 =	vld.idx.msk [tilespmem:v13+s3+$0x0], $0xffff;
	v22 =	vor.u32 $0x2, v2;
	vm8 =	vgt.s32 v17, $0x0  }
0x1ba: {  	[tilespmem:s13+$0x170] =	vst v19;
	v19 =	vor.u32 $0x3, v8;
	v6 =	vld.idx.msk [tilespmem:v18+s10+$0x0], $0xffff;
	v18 =	vor.u32 $0x3, v2;
	v2 =	vnsel vm8, $0x0, v17  }
0x1bb: {  	[tilespmem:s18+$0xA0] =	vst v12;
	v17 =	vor.u32 $0x2, v9;
	vm13 =	vgt.s32 v7, $0x0;
	v1 =	vmin.u32 v2, $0x800  }
0x1bc: {  	v23 =	vld.idx.msk [tilespmem:v23+s10+$0x0], $0xffff;
	[tilespmem:s4+$0x160] =	vst v11;
	v12 =	vnsel vm13, $0x0, v7;
	v2 =	vshll.u32 v1, $0x2;
	vm11 =	vgt.s32 v10, $0x0  }
0x1bd: {  	[tilespmem:s9+$0x1D0] =	vst v4;
	v4 =	vmin.u32 v12, $0x800;
	vm9 =	vgt.s32 v20, $0x0;
	vm10 =	vgt.s32 v14, $0x0;
	v11 =	vld.idx.msk [tilespmem:v3+s3+$0x0], $0xffff  }
0x1be: {  	[tilespmem:s2+$0x90] =	vst v16;
	v4 =	vshll.u32 v4, $0x2;
	v1 =	vnsel vm9, $0x0, v20;
	v3 =	vnsel vm10, $0x0, v14;
	v14 =	vld.idx.msk [tilespmem:v5+s3+$0x0], $0xffff  }
0x1bf: {  	[tilespmem:s20+$0x100] =	vst v13;
	v5 =	vnsel vm11, $0x0, v10;
	v10 =	vld.idx.msk [tilespmem:v22+s3+$0x0], $0xffff;
	vm12 =	vgt.s32 v6, $0x0;
	v1 =	vmin.u32 v1, $0x800  }
0x1c0: {  	v13 =	vld.idx.msk [tilespmem:v25+s3+$0x0], $0xffff;
	[tilespmem:s5+$0x140] =	vst v15;
	v3 =	vmin.u32 v3, $0x800;
	v5 =	vmin.u32 v5, $0x800;
	v1 =	vshll.u32 v1, $0x2  }
0x1c1: {  	v8 =	vshll.u32 v3, $0x2;
	v3 =	vshll.u32 v5, $0x2;
	v5 =	vnsel vm12, $0x0, v6;
	v6 =	vld.idx.msk [tilespmem:v19+s3+$0x0], $0xffff  }
0x1c2: {  	vm14 =	vgt.s32 v23, $0x0;
	v12 =	vld.idx.msk [tilespmem:v17+s3+$0x0], $0xffff;
	v5 =	vmin.u32 v5, $0x800  }
0x1c3: {  	[tilespmem:s6+$0x1B0] =	vst v21;
	vm15 =	vgt.s32 v24, $0x0;
	v15 =	vld.idx.msk [tilespmem:v2+s3+$0x0], $0xffff;
	v7 =	vshll.u32 v5, $0x2;
	v5 =	vnsel vm14, $0x0, v23  }
0x1c4: {  	v20 =	vld.idx.msk [tilespmem:v4+s3+$0x0], $0xffff;
	v5 =	vmin.u32 v5, $0x800;
	[tilespmem:s2+$0x110] =	vst v10;
	v10 =	vnsel vm15, $0x0, v24  }
0x1c5: {  	[tilespmem:s13+$0x1F0] =	vst v11;
	v5 =	vshll.u32 v5, $0x2;
	v17 =	vld.idx.msk [tilespmem:v18+s3+$0x0], $0xffff;
	v10 =	vmin.u32 v10, $0x800  }
0x1c6: {  	s13 =	simm.s32 $0x200;
	v11 =	vld.idx.msk [tilespmem:v1+s3+$0x0], $0xffff;
	[tilespmem:s5+$0x1C0] =	vst v6;
	v6 =	vshll.u32 v10, $0x2  }
0x1c7: {  	s22 =	simm.s32 $0x380;
	[tilespmem:s20+$0x180] =	vst v13;
	v23 =	vor.u32 $0x1, v4;
	s6 =	sand.u32 $0x3FFFFC00, s13;
	v13 =	vld.idx.msk [tilespmem:v3+s3+$0x0], $0xffff  }
0x1c8: {  	s14 =	simm.s32 $0x280;
	s26 =	sand.u32 $0xFFFFFE00, s22;
	[tilespmem:s4+$0x1E0] =	vst v14;
	v14 =	vor.u32 $0x1, v1;
	v16 =	vld.idx.msk [tilespmem:v8+s3+$0x0], $0xffff;
	s16 =	sadd.s32 $0x14C80, s6  }
0x1c9: {  	s20 =	simm.s32 $0x240;
	s4 =	sand.u32 $0xFFFFFE00, s14;
	v18 =	vor.u32 $0x1, v8;
	[tilespmem:s18+$0x120] =	vst v12;
	s22 =	sadd.s32 s26, s16;
	v10 =	vld.idx.msk [tilespmem:v7+s3+$0x0], $0xffff  }
0x1ca: {  	s15 =	simm.s32 $0x2C0;
	v19 =	vor.u32 $0x3, v9;
	s6 =	sand.u32 $0xFFFFFE00, s20;
	s24 =	sadd.s32 s4, s16;
	[tilespmem:s22+$0x60] =	vst v20;
	v22 =	vld.idx.msk [tilespmem:v5+s3+$0x0], $0xffff  }
0x1cb: {  	s17 =	sand.u32 $0xFFFFFE00, s15;
	v21 =	vor.u32 $0x1, v7;
	s20 =	sadd.s32 s6, s16;
	[tilespmem:s24+$0x20] =	vst v11;
	v11 =	vld.idx.msk [tilespmem:v6+s3+$0x0], $0xffff  }
0x1cc: {  	s21 =	simm.s32 $0x340;
	v63 =	vor.u32 $0x1, v5;
	s4 =	sadd.s32 s17, s16;
	[tilespmem:s20+$0x10] =	vst v13;
	v13 =	vld.idx.msk [tilespmem:v23+s3+$0x0], $0xffff  }
0x1cd: {  	s23 =	sand.u32 $0xFFFFFE00, s21;
	s25 =	simm.s32 $0x3C0;
	[tilespmem:s4+$0x30] =	vst v16;
	v9 =	vld.idx.msk [tilespmem:v14+s3+$0x0], $0xffff  }
0x1ce: {  	s30 =	sand.u32 $0xFFFFFE00, s25;
	[tilespmem:s2+$0x190] =	vst v17;
	s2 =	sadd.s32 s23, s16;
	v12 =	vld.idx.msk [tilespmem:v18+s3+$0x0], $0xffff  }
0x1cf: {  	s8 =	sshll.u32 s8, $0x6;
	s29 =	simm.s32 $0x300;
	s28 =	sadd.s32 s30, s16;
	v14 =	vld.idx.msk [tilespmem:v19+s3+$0x0], $0xffff;
	[tilespmem:s2+$0x50] =	vst v10  }
0x1d0: {  	s0 =	sadd.s32 $0x6400, s0;
	s31 =	sand.u32 $0xFFFFFE00, s29;
	v20 =	vor.u32 $0x2, v8;
	s23 =	sor.u32 s8, s16;
	v17 =	vor.u32 $0x1, v3;
	v18 =	vor.u32 $0x1, v2;
	v16 =	vld.idx.msk [tilespmem:v21+s3+$0x0], $0xffff;
	[tilespmem:s28+$0x70] =	vst v22  }
0x1d1: {  	s25 =	simm.s32 $0x10;
	s21 =	sadd.s32 s31, s16;
	s26 =	simm.s32 $0x400;
	[tilespmem:s23+$0x0] =	vst v15;
	v19 =	vor.u32 $0x1, v6;
	v10 =	vor.u32 $0x2, v4;
	v21 =	vor.u32 $0x2, v7;
	v15 =	vld.idx.msk [tilespmem:v63+s3+$0x0], $0xffff  }
.LBB2_9:
0x1d2: {  	_ = 	snop  }
0x1d3: {  	s5 =	sshrl.u32 s25, $0x4;
	s19 =	sadd.s32 $0x8, s19  }
0x1d4: {  	s7 =	smul.u32 $0xFFFF3801, s5;
	s8 =	sand.u32 $0x8, s19;
	[tilespmem:s4+$0xB0] =	vst v12  }
0x1d5: {  	s6 =	rddreg [dreg:$0x4];
	v18 =	vld.idx.msk [tilespmem:v18+s3+$0x0], $0xffff;
	s13 =	sshrl.u32 s19, $0x4;
	s14 =	smul.u32 $0xC80, s8;
	[tilespmem:s21+$0x40] =	vst v11  }
0x1d6: {  	s6 =	sadd.s32 s6, s13;
	v11 =	vor.u32 $0x2, v5;
	[tilespmem:s18+$0x1A0] =	vst v14;
	v14 =	vld.idx.msk [tilespmem:v17+s3+$0x0], $0xffff  }
0x1d7: {  	s15 =	sadd.s32 s7, s0;
	[tilespmem:s2+$0xD0] =	vst v16;
	s14 =	sadd.s32 s14, s6;
	v12 =	vld.idx.msk [tilespmem:v20+s3+$0x0], $0xffff;
	v20 =	vor.u32 $0x2, v2  }
0x1d8: {  	s17 =	sadd.s32 $0xC99, s15;
	[tilespmem:s22+$0xE0] =	vst v13;
	v19 =	vld.idx.msk [tilespmem:v19+s3+$0x0], $0xffff;
	v13 =	vadd.s32 s14, v0  }
0x1d9: {  	s29 =	sadd.s32 $0x1919, s15;
	[tilespmem:s28+$0xF0] =	vst v15;
	v17 =	vld.idx.msk [tilespmem:v21+s3+$0x0], $0xffff;
	v15 =	vadd.s32 s17, v0  }
0x1da: {  	v10 =	vld.idx.msk [tilespmem:v10+s3+$0x0], $0xffff;
	[tilespmem:s23+$0x80] =	vst v18;
	v18 =	vadd.s32 s29, v0  }
0x1db: {  	v16 =	vor.u32 $0x2, v6;
	v11 =	vld.idx.msk [tilespmem:v11+s3+$0x0], $0xffff  }
0x1dc: {  	v8 =	vor.u32 $0x3, v8;
	[tilespmem:s20+$0x90] =	vst v14;
	v20 =	vld.idx.msk [tilespmem:v20+s3+$0x0], $0xffff  }
0x1dd: {  	v7 =	vor.u32 $0x3, v7;
	s29 =	sadd.s32 $0x2599, s15;
	[tilespmem:s4+$0x130] =	vst v12;
	v13 =	vld.idx.msk [tilespmem:v13+s10+$0x0], $0xffff  }
0x1de: {  	s18 =	sadd.s32 $0x3219, s15;
	v12 =	vadd.s32 s29, v0;
	[tilespmem:s21+$0xC0] =	vst v19;
	v15 =	vld.idx.msk [tilespmem:v15+s10+$0x0], $0xffff  }
0x1df: {  	s31 =	sadd.s32 $0x3E99, s15;
	v19 =	vadd.s32 s18, v0;
	[tilespmem:s22+$0x160] =	vst v10;
	v10 =	vld.idx.msk [tilespmem:v18+s10+$0x0], $0xffff  }
0x1e0: {  	s30 =	sadd.s32 $0x4B19, s15;
	v14 =	vld.idx.msk [tilespmem:v16+s3+$0x0], $0xffff;
	v16 =	vadd.s32 s31, v0  }
0x1e1: {  	[tilespmem:s2+$0x150] =	vst v17;
	v17 =	vadd.s32 s30, v0;
	v8 =	vld.idx.msk [tilespmem:v8+s3+$0x0], $0xffff  }
0x1e2: {  	v5 =	vor.u32 $0x3, v5;
	v7 =	vld.idx.msk [tilespmem:v7+s3+$0x0], $0xffff  }
0x1e3: {  	v4 =	vor.u32 $0x3, v4;
	s17 =	sadd.s32 $0x5799, s15;
	[tilespmem:s28+$0x170] =	vst v11;
	v11 =	vld.idx.msk [tilespmem:v12+s10+$0x0], $0xffff  }
0x1e4: {  	v6 =	vor.u32 $0x3, v6;
	s18 =	smov.u32 s24;
	v12 =	vadd.s32 s17, v0;
	v18 =	vld.idx.msk [tilespmem:v19+s10+$0x0], $0xffff  }
0x1e5: {  	[tilespmem:s18+$0xA0] =	vst v9;
	vm0 =	vgt.s32 v13, $0x0;
	vm10 =	vgt.s32 v10, $0x0;
	v9 =	vld.idx.msk [tilespmem:v16+s10+$0x0], $0xffff;
	v16 =	vor.u32 $0x3, v3  }
0x1e6: {  	[tilespmem:s21+$0x140] =	vst v14;
	v14 =	vld.idx.msk [tilespmem:v17+s10+$0x0], $0xffff;
	v17 =	vor.u32 $0x3, v2;
	v3 =	vor.u32 $0x2, v3;
	v2 =	vnsel vm0, $0x0, v13  }
0x1e7: {  	vm9 =	vgt.s32 v15, $0x0;
	v5 =	vld.idx.msk [tilespmem:v5+s3+$0x0], $0xffff;
	v10 =	vnsel vm10, $0x0, v10;
	v2 =	vmin.u32 v2, $0x800  }
0x1e8: {  	v13 =	vld.idx.msk [tilespmem:v4+s3+$0x0], $0xffff;
	v10 =	vmin.u32 v10, $0x800;
	v2 =	vshll.u32 v2, $0x2;
	vm11 =	vgt.s32 v11, $0x0  }
0x1e9: {  	[tilespmem:s4+$0x1B0] =	vst v8;
	v8 =	vnsel vm9, $0x0, v15;
	v15 =	vshll.u32 v10, $0x2;
	v12 =	vld.idx.msk [tilespmem:v12+s10+$0x0], $0xffff;
	v11 =	vnsel vm11, $0x0, v11  }
0x1ea: {  	v19 =	vor.u32 $0x2, v1;
	v4 =	vmin.u32 v8, $0x800;
	v6 =	vld.idx.msk [tilespmem:v6+s3+$0x0], $0xffff;
	v8 =	vmin.u32 v11, $0x800  }
0x1eb: {  	[tilespmem:s23+$0x100] =	vst v20;
	vm13 =	vgt.s32 v9, $0x0;
	v11 =	vld.idx.msk [tilespmem:v3+s3+$0x0], $0xffff;
	v8 =	vshll.u32 v8, $0x2  }
0x1ec: {  	v17 =	vld.idx.msk [tilespmem:v17+s3+$0x0], $0xffff;
	vm14 =	vgt.s32 v14, $0x0;
	v3 =	vshll.u32 v4, $0x2;
	v4 =	vnsel vm13, $0x0, v9  }
0x1ed: {  	[tilespmem:s2+$0x1D0] =	vst v7;
	v9 =	vnsel vm14, $0x0, v14;
	v21 =	vld.idx.msk [tilespmem:v2+s3+$0x0], $0xffff;
	v4 =	vmin.u32 v4, $0x800  }
0x1ee: {  	s5 =	sshll.u32 s5, $0xA;
	[tilespmem:s28+$0x1F0] =	vst v5;
	v14 =	vld.idx.msk [tilespmem:v15+s3+$0x0], $0xffff;
	v7 =	vshll.u32 v4, $0x2;
	v4 =	vmin.u32 v9, $0x800;
	vm15 =	vgt.s32 v12, $0x0  }
0x1ef: {  	s9 =	sshll.u32 s19, $0x6;
	s16 =	ssub.s32 s26, s5;
	[tilespmem:s22+$0x1E0] =	vst v13;
	v4 =	vshll.u32 v4, $0x2;
	v9 =	vnsel vm15, $0x0, v12;
	v12 =	vld.idx.msk [tilespmem:v19+s3+$0x0], $0xffff  }
0x1f0: {  	s14 =	sadd.s32 $0x80, s16;
	s17 =	sand.u32 $0x3FFFFC00, s9;
	vm12 =	vgt.s32 v18, $0x0;
	v5 =	vmin.u32 v9, $0x800;
	[tilespmem:s20+$0x110] =	vst v11;
	v9 =	vor.u32 $0x1, v15;
	v13 =	vld.idx.msk [tilespmem:v8+s3+$0x0], $0xffff  }
0x1f1: {  	s14 =	sand.u32 $0xFFFFFE00, s14;
	s9 =	sadd.s32 $0x14C80, s17;
	v10 =	vnsel vm12, $0x0, v18;
	[tilespmem:s21+$0x1C0] =	vst v6;
	v5 =	vshll.u32 v5, $0x2;
	v11 =	vld.idx.msk [tilespmem:v16+s3+$0x0], $0xffff  }
0x1f2: {  	v22 =	vor.u32 $0x3, v1;
	s24 =	sadd.s32 s14, s9;
	v18 =	vmin.u32 v10, $0x800;
	[tilespmem:s23+$0x180] =	vst v17;
	v16 =	vld.idx.msk [tilespmem:v3+s3+$0x0], $0xffff  }
0x1f3: {  	s13 =	sadd.s32 $0xC0, s16;
	v6 =	vshll.u32 v18, $0x2;
	[tilespmem:s24+$0x20] =	vst v14;
	v19 =	vld.idx.msk [tilespmem:v7+s3+$0x0], $0xffff  }
0x1f4: {  	p0 =	slt.u32 s19, $0x188;
	s7 =	sadd.s32 $0x40, s16;
	v1 =	vmov v15;
	s22 =	sand.u32 $0xFFFFFE00, s13;
	v17 =	vor.u32 $0x1, v8;
	v15 =	vld.idx.msk [tilespmem:v4+s3+$0x0], $0xffff;
	[tilespmem:s18+$0x120] =	vst v12  }
0x1f5: {  	s5 =	sadd.s32 $0x100, s16;
	s29 =	sadd.s32 $0x140, s16;
	s4 =	sadd.s32 s22, s9;
	v23 =	vor.u32 $0x1, v7;
	v9 =	vld.idx.msk [tilespmem:v9+s3+$0x0], $0xffff  }
0x1f6: {  	s6 =	sadd.s32 $0x180, s16;
	s29 =	sand.u32 $0xFFFFFE00, s29;
	s23 =	sand.u32 $0xFFFFFE00, s7;
	v24 =	vld.idx.msk [tilespmem:v5+s3+$0x0], $0xffff;
	[tilespmem:s4+$0x30] =	vst v13;
	v13 =	vor.u32 $0x1, v4  }
0x1f7: {  	s16 =	sadd.s32 $0x1C0, s16;
	s2 =	sadd.s32 s29, s9;
	v25 =	vor.u32 $0x1, v5;
	v14 =	vld.idx.msk [tilespmem:v22+s3+$0x0], $0xffff;
	[tilespmem:s20+$0x190] =	vst v11;
	s20 =	sadd.s32 s23, s9  }
.Ltmp3:
0x1f8: {  	s21 =	sand.u32 $0xFFFFFE00, s5;
	s5 =	sand.u32 $0xFFFFFE00, s6;
	v11 =	vld.idx.msk [tilespmem:v6+s3+$0x0], $0xffff;
	[tilespmem:s20+$0x10] =	vst v16;
	(pc) =	sbr.rel @p0 .LBB2_9-.Ltmp3, $4  }
0x1f9: {  	s30 =	sand.u32 $0xFFFFFE00, s16;
	s22 =	sadd.s32 s5, s9;
	v12 =	vld.idx.msk [tilespmem:v17+s3+$0x0], $0xffff;
	[tilespmem:s2+$0x50] =	vst v19  }
0x1fa: {  	s31 =	sshll.u32 s8, $0x6;
	s28 =	sadd.s32 s30, s9;
	v16 =	vld.idx.msk [tilespmem:v23+s3+$0x0], $0xffff;
	[tilespmem:s22+$0x60] =	vst v15  }
0x1fb: {  	s25 =	sadd.s32 $0x8, s25;
	v18 =	vor.u32 $0x1, v2;
	v20 =	vor.u32 $0x2, v8;
	v10 =	vor.u32 $0x2, v4;
	s23 =	sor.u32 s31, s9;
	v13 =	vld.idx.msk [tilespmem:v13+s3+$0x0], $0xffff;
	[tilespmem:s28+$0x70] =	vst v24  }
0x1fc: {  	s26 =	sadd.s32 $0x200, s26;
	s0 =	sadd.s32 $0x6400, s0;
	s21 =	sadd.s32 s21, s9;
	v19 =	vor.u32 $0x1, v6;
	v17 =	vor.u32 $0x1, v3;
	[tilespmem:s23+$0x0] =	vst v21;
	v21 =	vor.u32 $0x2, v7;
	v15 =	vld.idx.msk [tilespmem:v25+s3+$0x0], $0xffff  }
0x1fd: {  	_ =	sdelay $0x1  }
0x1fe: {  	[tilespmem:s18+$0x1A0] =	vst v14  }
0x1ff: {  	[tilespmem:s4+$0xB0] =	vst v12  }
0x200: {  	[tilespmem:s21+$0x40] =	vst v11;
	v12 =	vld.idx.msk [tilespmem:v20+s3+$0x0], $0xffff  }
0x201: {  	v8 =	vor.u32 $0x3, v8;
	v53 =	vld.idx.msk [tilespmem:v18+s3+$0x0], $0xffff;
	[tilespmem:s24+$0xA0] =	vst v9  }
0x202: {  	v52 =	vor.u32 $0x2, v5;
	v55 =	vld.idx.msk [tilespmem:v17+s3+$0x0], $0xffff;
	[tilespmem:s2+$0xD0] =	vst v16  }
0x203: {  	v58 =	vor.u32 $0x2, v1;
	v11 =	vld.idx.msk [tilespmem:v19+s3+$0x0], $0xffff;
	[tilespmem:s22+$0xE0] =	vst v13  }
0x204: {  	v57 =	vor.u32 $0x2, v3;
	v16 =	vld.idx.msk [tilespmem:v21+s3+$0x0], $0xffff;
	[tilespmem:s28+$0xF0] =	vst v15  }
0x205: {  	v56 =	vor.u32 $0x2, v6;
	v10 =	vld.idx.msk [tilespmem:v10+s3+$0x0], $0xffff;
	[tilespmem:s4+$0x130] =	vst v12  }
0x206: {  	v54 =	vor.u32 $0x2, v2;
	[tilespmem:s23+$0x80] =	vst v53;
	v8 =	vld.idx.msk [tilespmem:v8+s3+$0x0], $0xffff  }
0x207: {  	v7 =	vor.u32 $0x3, v7;
	[tilespmem:s20+$0x90] =	vst v55;
	v12 =	vld.idx.msk [tilespmem:v52+s3+$0x0], $0xffff  }
0x208: {  	v59 =	vor.u32 $0x3, v5;
	v63 =	vld.idx.msk [tilespmem:v58+s3+$0x0], $0xffff;
	[tilespmem:s21+$0xC0] =	vst v11  }
0x209: {  	v62 =	vld.idx.msk [tilespmem:v57+s3+$0x0], $0xffff;
	[tilespmem:s2+$0x150] =	vst v16  }
0x20a: {  	v4 =	vor.u32 $0x3, v4;
	v60 =	vld.idx.msk [tilespmem:v56+s3+$0x0], $0xffff;
	[tilespmem:s22+$0x160] =	vst v10  }
0x20b: {  	v61 =	vor.u32 $0x3, v6;
	[tilespmem:s4+$0x1B0] =	vst v8;
	v8 =	vld.idx.msk [tilespmem:v54+s3+$0x0], $0xffff  }
0x20c: {  	v2 =	vor.u32 $0x3, v2;
	v7 =	vld.idx.msk [tilespmem:v7+s3+$0x0], $0xffff;
	[tilespmem:s28+$0x170] =	vst v12  }
0x20d: {  	[tilespmem:s24+$0x120] =	vst v63;
	v5 =	vld.idx.msk [tilespmem:v59+s3+$0x0], $0xffff  }
0x20e: {  	[tilespmem:s20+$0x110] =	vst v62  }
0x20f: {  	v3 =	vor.u32 $0x3, v3;
	v4 =	vld.idx.msk [tilespmem:v4+s3+$0x0], $0xffff;
	[tilespmem:s21+$0x140] =	vst v60  }
0x210: {  	v1 =	vor.u32 $0x3, v1;
	v6 =	vld.idx.msk [tilespmem:v61+s3+$0x0], $0xffff;
	[tilespmem:s23+$0x100] =	vst v8  }
0x211: {  	[tilespmem:s2+$0x1D0] =	vst v7;
	v2 =	vld.idx.msk [tilespmem:v2+s3+$0x0], $0xffff  }
0x212: {  	[tilespmem:s28+$0x1F0] =	vst v5  }
0x213: {  	s0 =	rddreg [dreg:$0x12]  }
0x214: {  	v3 =	vld.idx.msk [tilespmem:v3+s3+$0x0], $0xffff;
	s6 =	rddreg [dreg:$0xe];
	[tilespmem:s22+$0x1E0] =	vst v4  }
0x215: {  	v1 =	vld.idx.msk [tilespmem:v1+s3+$0x0], $0xffff;
	[tilespmem:s21+$0x1C0] =	vst v6;
	s0 =	smul.u32 $0x190000, s0;
	s26 =	sshll.u32 s6, $0x8  }
0x216: {  	s2 =	sand.u32 $0x400, s26;
	[tilespmem:s23+$0x180] =	vst v2  }
0x217: {  	s0 =	sor.u32 s2, s0;
	s28 =	rddreg [dreg:$0x8]  }
0x218: {  	s0 =	sor.u32 s28, s0  }
0x219: {  	[tilespmem:s20+$0x190] =	vst v3;
	s2 =	sshrl.u32 s0, $0x3  }
0x21a: {  	s29 =	simm.s32 $0x14C80;
	[tilespmem:s24+$0x1A0] =	vst v1;
	s30 =	sadd.s32 $0x10000, s0;
	s2 =	sadd.s32 s1, s2  }
0x21b: {  	[hbm4b:s2+s3] =	stream.linear.scatter [tilespmem:s29], [sflag:$0x2], $0x400, $0x38;
	[tilespmem:$0x1B080] =	vst v63  }
0x21c: {  	s2 =	sshrl.u32 s30, $0x3  }
0x21d: {  	s31 =	simm.s32 $0x15080;
	s5 =	sadd.s32 $0x20000, s0;
	s2 =	sadd.s32 s1, s2  }
0x21e: {  	[hbm4b:s2+s3] =	stream.linear.scatter [tilespmem:s31], [sflag:$0x2], $0x400, $0x38;
	[tilespmem:$0x1B080] =	vst v63  }
0x21f: {  	s2 =	sshrl.u32 s5, $0x3  }
0x220: {  	s7 =	simm.s32 $0x15480;
	s8 =	sadd.s32 $0x30000, s0;
	s2 =	sadd.s32 s1, s2  }
0x221: {  	[hbm4b:s2+s3] =	stream.linear.scatter [tilespmem:s7], [sflag:$0x2], $0x400, $0x38;
	[tilespmem:$0x1B080] =	vst v63  }
0x222: {  	s2 =	sshrl.u32 s8, $0x3  }
0x223: {  	s9 =	simm.s32 $0x15880;
	s13 =	sadd.s32 $0x40000, s0;
	s2 =	sadd.s32 s1, s2  }
0x224: {  	[hbm4b:s2+s3] =	stream.linear.scatter [tilespmem:s9], [sflag:$0x2], $0x400, $0x38;
	[tilespmem:$0x1B080] =	vst v63  }
0x225: {  	s2 =	sshrl.u32 s13, $0x3  }
0x226: {  	s14 =	simm.s32 $0x15C80;
	s15 =	sadd.s32 $0x50000, s0;
	s2 =	sadd.s32 s1, s2  }
0x227: {  	[hbm4b:s2+s3] =	stream.linear.scatter [tilespmem:s14], [sflag:$0x2], $0x400, $0x38;
	[tilespmem:$0x1B080] =	vst v63  }
0x228: {  	s2 =	sshrl.u32 s15, $0x3  }
0x229: {  	s16 =	simm.s32 $0x16080;
	s17 =	sadd.s32 $0x60000, s0;
	s2 =	sadd.s32 s1, s2  }
0x22a: {  	[hbm4b:s2+s3] =	stream.linear.scatter [tilespmem:s16], [sflag:$0x2], $0x400, $0x38;
	[tilespmem:$0x1B080] =	vst v63  }
0x22b: {  	s2 =	sshrl.u32 s17, $0x3  }
0x22c: {  	s18 =	simm.s32 $0x16480;
	s19 =	sadd.s32 $0x70000, s0;
	s2 =	sadd.s32 s1, s2  }
0x22d: {  	[hbm4b:s2+s3] =	stream.linear.scatter [tilespmem:s18], [sflag:$0x2], $0x400, $0x38;
	[tilespmem:$0x1B080] =	vst v63  }
0x22e: {  	s2 =	sshrl.u32 s19, $0x3  }
0x22f: {  	s20 =	simm.s32 $0x16880;
	s21 =	sadd.s32 $0x80000, s0;
	s2 =	sadd.s32 s1, s2  }
0x230: {  	[hbm4b:s2+s3] =	stream.linear.scatter [tilespmem:s20], [sflag:$0x2], $0x400, $0x38;
	[tilespmem:$0x1B080] =	vst v63  }
0x231: {  	s2 =	sshrl.u32 s21, $0x3  }
0x232: {  	s22 =	simm.s32 $0x16C80;
	s23 =	sadd.s32 $0x90000, s0;
	s2 =	sadd.s32 s1, s2  }
0x233: {  	[hbm4b:s2+s3] =	stream.linear.scatter [tilespmem:s22], [sflag:$0x2], $0x400, $0x38;
	[tilespmem:$0x1B080] =	vst v63  }
0x234: {  	s2 =	sshrl.u32 s23, $0x3  }
0x235: {  	s24 =	simm.s32 $0x17080;
	s25 =	sadd.s32 $0xA0000, s0;
	s2 =	sadd.s32 s1, s2  }
0x236: {  	[hbm4b:s2+s3] =	stream.linear.scatter [tilespmem:s24], [sflag:$0x2], $0x400, $0x38;
	[tilespmem:$0x1B080] =	vst v63  }
0x237: {  	s2 =	sshrl.u32 s25, $0x3  }
0x238: {  	s26 =	simm.s32 $0x17480;
	s28 =	sadd.s32 $0xB0000, s0;
	s2 =	sadd.s32 s1, s2  }
0x239: {  	[hbm4b:s2+s3] =	stream.linear.scatter [tilespmem:s26], [sflag:$0x2], $0x400, $0x38;
	[tilespmem:$0x1B080] =	vst v63  }
0x23a: {  	s2 =	sshrl.u32 s28, $0x3  }
0x23b: {  	s29 =	simm.s32 $0x17880;
	s30 =	sadd.s32 $0xC0000, s0;
	s2 =	sadd.s32 s1, s2  }
0x23c: {  	[hbm4b:s2+s3] =	stream.linear.scatter [tilespmem:s29], [sflag:$0x2], $0x400, $0x38;
	[tilespmem:$0x1B080] =	vst v63  }
0x23d: {  	s2 =	sshrl.u32 s30, $0x3  }
0x23e: {  	s4 =	sadd.s32 $0xD0000, s0;
	s31 =	simm.s32 $0x17C80;
	s2 =	sadd.s32 s1, s2  }
0x23f: {  	[hbm4b:s2+s3] =	stream.linear.scatter [tilespmem:s31], [sflag:$0x2], $0x400, $0x38;
	[tilespmem:$0x1B080] =	vst v63  }
0x240: {  	s2 =	sshrl.u32 s4, $0x3  }
0x241: {  	s5 =	simm.s32 $0x18080;
	s7 =	sadd.s32 $0xE0000, s0;
	s2 =	sadd.s32 s1, s2  }
0x242: {  	[hbm4b:s2+s3] =	stream.linear.scatter [tilespmem:s5], [sflag:$0x2], $0x400, $0x38;
	[tilespmem:$0x1B080] =	vst v63  }
0x243: {  	s2 =	sshrl.u32 s7, $0x3  }
0x244: {  	s8 =	simm.s32 $0x18480;
	s9 =	sadd.s32 $0xF0000, s0;
	s2 =	sadd.s32 s1, s2  }
0x245: {  	[hbm4b:s2+s3] =	stream.linear.scatter [tilespmem:s8], [sflag:$0x2], $0x400, $0x38;
	[tilespmem:$0x1B080] =	vst v63  }
0x246: {  	s2 =	sshrl.u32 s9, $0x3  }
0x247: {  	s13 =	simm.s32 $0x18880;
	s14 =	sadd.s32 $0x100000, s0;
	s2 =	sadd.s32 s1, s2  }
0x248: {  	[hbm4b:s2+s3] =	stream.linear.scatter [tilespmem:s13], [sflag:$0x2], $0x400, $0x38;
	[tilespmem:$0x1B080] =	vst v63  }
0x249: {  	s2 =	sshrl.u32 s14, $0x3  }
0x24a: {  	s15 =	simm.s32 $0x18C80;
	s16 =	sadd.s32 $0x110000, s0;
	s2 =	sadd.s32 s1, s2  }
0x24b: {  	[hbm4b:s2+s3] =	stream.linear.scatter [tilespmem:s15], [sflag:$0x2], $0x400, $0x38;
	[tilespmem:$0x1B080] =	vst v63  }
0x24c: {  	s2 =	sshrl.u32 s16, $0x3  }
0x24d: {  	s17 =	simm.s32 $0x19080;
	s18 =	sadd.s32 $0x120000, s0;
	s2 =	sadd.s32 s1, s2  }
0x24e: {  	[hbm4b:s2+s3] =	stream.linear.scatter [tilespmem:s17], [sflag:$0x2], $0x400, $0x38;
	[tilespmem:$0x1B080] =	vst v63  }
0x24f: {  	s2 =	sshrl.u32 s18, $0x3  }
0x250: {  	s19 =	simm.s32 $0x19480;
	s20 =	sadd.s32 $0x130000, s0;
	s2 =	sadd.s32 s1, s2  }
0x251: {  	[hbm4b:s2+s3] =	stream.linear.scatter [tilespmem:s19], [sflag:$0x2], $0x400, $0x38;
	[tilespmem:$0x1B080] =	vst v63  }
0x252: {  	s6 =	sadd.s32 $0x1, s6;
	s2 =	sshrl.u32 s20, $0x3  }
0x253: {  	s21 =	simm.s32 $0x19880;
	s22 =	sadd.s32 $0x140000, s0;
	s2 =	sadd.s32 s1, s2  }
0x254: {  	[hbm4b:s2+s3] =	stream.linear.scatter [tilespmem:s21], [sflag:$0x2], $0x400, $0x38;
	[tilespmem:$0x1B080] =	vst v63  }
0x255: {  	p0 =	sne.s32 s6, $0x8;
	s23 =	simm.s32 $0x19C80;
	s2 =	sshrl.u32 s22, $0x3  }
0x256: {  	s24 =	sadd.s32 $0x150000, s0;
	s25 =	simm.s32 $0x1A080;
	s2 =	sadd.s32 s1, s2  }
0x257: {  	[hbm4b:s2+s3] =	stream.linear.scatter [tilespmem:s23], [sflag:$0x2], $0x400, $0x38;
	[tilespmem:$0x1B080] =	vst v63  }
0x258: {  	s26 =	sadd.s32 $0x160000, s0;
	s28 =	simm.s32 $0x1A480;
	s2 =	sshrl.u32 s24, $0x3  }
0x259: {  	s29 =	sadd.s32 $0x170000, s0;
	s0 =	sadd.s32 $0x180000, s0;
	s2 =	sadd.s32 s1, s2  }
0x25a: {  	[hbm4b:s2+s3] =	stream.linear.scatter [tilespmem:s25], [sflag:$0x2], $0x400, $0x38;
	[tilespmem:$0x1B080] =	vst v63  }
0x25b: {  	s30 =	simm.s32 $0x1A880;
	s0 =	sshrl.u32 s0, $0x3;
	s2 =	sshrl.u32 s26, $0x3  }
0x25c: {  	s0 =	sadd.s32 s1, s0;
	s5 =	rddreg [dreg:$0xd];
	s2 =	sadd.s32 s1, s2  }
0x25d: {  	[hbm4b:s2+s3] =	stream.linear.scatter [tilespmem:s28], [sflag:$0x2], $0x400, $0x38;
	[tilespmem:$0x1B080] =	vst v63  }
.Ltmp4:
0x25e: {  	s16 =	rddreg [dreg:$0xb];
	s2 =	sshrl.u32 s29, $0x3;
	(pc) =	sbr.rel @p0 .LBB2_2-.Ltmp4, $4  }
0x25f: {  	s31 =	simm.s32 $0x1AC80;
	s17 =	rddreg [dreg:$0xc];
	s2 =	sadd.s32 s1, s2  }
0x260: {  	[hbm4b:s2+s3] =	stream.linear.scatter [tilespmem:s30], [sflag:$0x2], $0x400, $0x38;
	[tilespmem:$0x1B080] =	vst v63  }
0x261: {  	s5 =	sadd.s32 $0x1, s5;
	s16 =	sadd.s32 $0x2, s16;
	s17 =	sadd.s32 $0x32, s17  }
0x262: {  	[hbm4b:s0+s3] =	stream.linear.scatter [tilespmem:s31], [sflag:$0x2], $0x400, $0x38;
	[tilespmem:$0x1B080] =	vst v63  }
0x263: {  	_ =	swait.ge [sflag:s11], $0x400  }
0x264: {  	[sflag:s11] =	ssyncset.done $0x0  }
0x265: {  	[sflag:s11] =	ssyncadd.s32 $0xFFFFFC00  }
0x266: {  	_ =	swait.ge [sflag:s11], $0x400  }
0x267: {  	[sflag:s11] =	ssyncset.done $0x0  }
0x268: {  	[sflag:s11] =	ssyncadd.s32 $0xFFFFFC00  }
0x269: {  	_ =	swait.ge [sflag:s11], $0x400  }
0x26a: {  	[sflag:s11] =	ssyncset.done $0x0  }
0x26b: {  	[sflag:s11] =	ssyncadd.s32 $0xFFFFFC00  }
0x26c: {  	_ =	swait.ge [sflag:s11], $0x400  }
0x26d: {  	[sflag:s11] =	ssyncset.done $0x0  }
0x26e: {  	[sflag:s11] =	ssyncadd.s32 $0xFFFFFC00  }
0x26f: {  	_ =	swait.ge [sflag:s11], $0x400  }
0x270: {  	[sflag:s11] =	ssyncset.done $0x0  }
0x271: {  	[sflag:s11] =	ssyncadd.s32 $0xFFFFFC00  }
0x272: {  	_ =	swait.ge [sflag:s11], $0x400  }
0x273: {  	[sflag:s11] =	ssyncset.done $0x0  }
0x274: {  	[sflag:s11] =	ssyncadd.s32 $0xFFFFFC00  }
0x275: {  	_ =	swait.ge [sflag:s11], $0x400  }
0x276: {  	[sflag:s11] =	ssyncset.done $0x0  }
0x277: {  	[sflag:s11] =	ssyncadd.s32 $0xFFFFFC00  }
0x278: {  	_ =	swait.ge [sflag:s11], $0x400  }
0x279: {  	[sflag:s11] =	ssyncset.done $0x0  }
0x27a: {  	[sflag:s11] =	ssyncadd.s32 $0xFFFFFC00  }
0x27b: {  	_ =	swait.ge [sflag:s11], $0x400  }
0x27c: {  	[sflag:s11] =	ssyncset.done $0x0  }
0x27d: {  	[sflag:s11] =	ssyncadd.s32 $0xFFFFFC00  }
0x27e: {  	_ =	swait.ge [sflag:s11], $0x400  }
0x27f: {  	[sflag:s11] =	ssyncset.done $0x0  }
0x280: {  	[sflag:s11] =	ssyncadd.s32 $0xFFFFFC00  }
0x281: {  	_ =	swait.ge [sflag:s11], $0x400  }
0x282: {  	[sflag:s11] =	ssyncset.done $0x0  }
0x283: {  	[sflag:s11] =	ssyncadd.s32 $0xFFFFFC00  }
0x284: {  	_ =	swait.ge [sflag:s11], $0x400  }
0x285: {  	[sflag:s11] =	ssyncset.done $0x0  }
0x286: {  	[sflag:s11] =	ssyncadd.s32 $0xFFFFFC00  }
0x287: {  	_ =	swait.ge [sflag:s11], $0x400  }
0x288: {  	[sflag:s11] =	ssyncset.done $0x0  }
0x289: {  	[sflag:s11] =	ssyncadd.s32 $0xFFFFFC00  }
0x28a: {  	_ =	swait.ge [sflag:s11], $0x400  }
0x28b: {  	[sflag:s11] =	ssyncset.done $0x0  }
0x28c: {  	[sflag:s11] =	ssyncadd.s32 $0xFFFFFC00  }
0x28d: {  	_ =	swait.ge [sflag:s11], $0x400  }
0x28e: {  	[sflag:s11] =	ssyncset.done $0x0  }
0x28f: {  	[sflag:s11] =	ssyncadd.s32 $0xFFFFFC00  }
0x290: {  	_ =	swait.ge [sflag:s11], $0x400  }
0x291: {  	[sflag:s11] =	ssyncset.done $0x0  }
0x292: {  	[sflag:s11] =	ssyncadd.s32 $0xFFFFFC00  }
0x293: {  	_ =	swait.ge [sflag:s11], $0x400  }
0x294: {  	[sflag:s11] =	ssyncset.done $0x0  }
0x295: {  	[sflag:s11] =	ssyncadd.s32 $0xFFFFFC00  }
0x296: {  	_ =	swait.ge [sflag:s11], $0x400  }
0x297: {  	[sflag:s11] =	ssyncset.done $0x0  }
0x298: {  	[sflag:s11] =	ssyncadd.s32 $0xFFFFFC00  }
0x299: {  	_ =	swait.ge [sflag:s11], $0x400  }
0x29a: {  	[sflag:s11] =	ssyncset.done $0x0  }
0x29b: {  	[sflag:s11] =	ssyncadd.s32 $0xFFFFFC00  }
0x29c: {  	_ =	swait.ge [sflag:s11], $0x400  }
0x29d: {  	[sflag:s11] =	ssyncset.done $0x0  }
0x29e: {  	[sflag:s11] =	ssyncadd.s32 $0xFFFFFC00  }
0x29f: {  	_ =	swait.ge [sflag:s11], $0x400  }
0x2a0: {  	[sflag:s11] =	ssyncset.done $0x0  }
0x2a1: {  	[sflag:s11] =	ssyncadd.s32 $0xFFFFFC00  }
0x2a2: {  	_ =	swait.ge [sflag:s11], $0x400  }
0x2a3: {  	[sflag:s11] =	ssyncset.done $0x0  }
0x2a4: {  	[sflag:s11] =	ssyncadd.s32 $0xFFFFFC00  }
0x2a5: {  	_ =	swait.ge [sflag:s11], $0x400  }
0x2a6: {  	[sflag:s11] =	ssyncset.done $0x0  }
0x2a7: {  	[sflag:s11] =	ssyncadd.s32 $0xFFFFFC00  }
0x2a8: {  	_ =	swait.ge [sflag:s11], $0x400  }
0x2a9: {  	[sflag:s11] =	ssyncset.done $0x0  }
0x2aa: {  	[sflag:s11] =	ssyncadd.s32 $0xFFFFFC00  }
0x2ab: {  	_ =	swait.ge [sflag:s11], $0x400  }
0x2ac: {  	[sflag:s11] =	ssyncset.done $0x0  }
0x2ad: {  	[sflag:s11] =	ssyncadd.s32 $0xFFFFFC00  }
0x2ae: {  	_ =	swait.ge [sflag:s12], $0x400  }
0x2af: {  	[sflag:s12] =	ssyncset.done $0x0  }
0x2b0: {  	[sflag:s12] =	ssyncadd.s32 $0xFFFFFC00  }
0x2b1: {  	_ =	swait.ge [sflag:s12], $0x400  }
0x2b2: {  	[sflag:s12] =	ssyncset.done $0x0  }
0x2b3: {  	[sflag:s12] =	ssyncadd.s32 $0xFFFFFC00  }
0x2b4: {  	_ =	swait.ge [sflag:s12], $0x400  }
0x2b5: {  	[sflag:s12] =	ssyncset.done $0x0  }
0x2b6: {  	[sflag:s12] =	ssyncadd.s32 $0xFFFFFC00  }
0x2b7: {  	_ =	swait.ge [sflag:s12], $0x400  }
0x2b8: {  	[sflag:s12] =	ssyncset.done $0x0  }
0x2b9: {  	[sflag:s12] =	ssyncadd.s32 $0xFFFFFC00  }
0x2ba: {  	_ =	swait.ge [sflag:s12], $0x400  }
0x2bb: {  	[sflag:s12] =	ssyncset.done $0x0  }
0x2bc: {  	[sflag:s12] =	ssyncadd.s32 $0xFFFFFC00  }
0x2bd: {  	_ =	swait.ge [sflag:s12], $0x400  }
0x2be: {  	[sflag:s12] =	ssyncset.done $0x0  }
0x2bf: {  	[sflag:s12] =	ssyncadd.s32 $0xFFFFFC00  }
0x2c0: {  	_ =	swait.ge [sflag:s12], $0x400  }
0x2c1: {  	[sflag:s12] =	ssyncset.done $0x0  }
0x2c2: {  	[sflag:s12] =	ssyncadd.s32 $0xFFFFFC00  }
0x2c3: {  	_ =	swait.ge [sflag:s12], $0x400  }
0x2c4: {  	[sflag:s12] =	ssyncset.done $0x0  }
0x2c5: {  	[sflag:s12] =	ssyncadd.s32 $0xFFFFFC00  }
0x2c6: {  	_ =	swait.ge [sflag:s12], $0x400  }
0x2c7: {  	[sflag:s12] =	ssyncset.done $0x0  }
0x2c8: {  	[sflag:s12] =	ssyncadd.s32 $0xFFFFFC00  }
0x2c9: {  	_ =	swait.ge [sflag:s12], $0x400  }
0x2ca: {  	[sflag:s12] =	ssyncset.done $0x0  }
0x2cb: {  	[sflag:s12] =	ssyncadd.s32 $0xFFFFFC00  }
0x2cc: {  	_ =	swait.ge [sflag:s12], $0x400  }
0x2cd: {  	[sflag:s12] =	ssyncset.done $0x0  }
0x2ce: {  	[sflag:s12] =	ssyncadd.s32 $0xFFFFFC00  }
0x2cf: {  	_ =	swait.ge [sflag:s12], $0x400  }
0x2d0: {  	[sflag:s12] =	ssyncset.done $0x0  }
0x2d1: {  	[sflag:s12] =	ssyncadd.s32 $0xFFFFFC00  }
0x2d2: {  	_ =	swait.ge [sflag:s12], $0x400  }
0x2d3: {  	[sflag:s12] =	ssyncset.done $0x0  }
0x2d4: {  	[sflag:s12] =	ssyncadd.s32 $0xFFFFFC00  }
0x2d5: {  	_ =	swait.ge [sflag:s12], $0x400  }
0x2d6: {  	[sflag:s12] =	ssyncset.done $0x0  }
0x2d7: {  	[sflag:s12] =	ssyncadd.s32 $0xFFFFFC00  }
0x2d8: {  	_ =	swait.ge [sflag:s12], $0x400  }
0x2d9: {  	[sflag:s12] =	ssyncset.done $0x0  }
0x2da: {  	[sflag:s12] =	ssyncadd.s32 $0xFFFFFC00  }
0x2db: {  	_ =	swait.ge [sflag:s12], $0x400  }
0x2dc: {  	[sflag:s12] =	ssyncset.done $0x0  }
0x2dd: {  	[sflag:s12] =	ssyncadd.s32 $0xFFFFFC00  }
0x2de: {  	_ =	swait.ge [sflag:s12], $0x400  }
0x2df: {  	[sflag:s12] =	ssyncset.done $0x0  }
0x2e0: {  	[sflag:s12] =	ssyncadd.s32 $0xFFFFFC00  }
0x2e1: {  	_ =	swait.ge [sflag:s12], $0x400  }
0x2e2: {  	[sflag:s12] =	ssyncset.done $0x0  }
0x2e3: {  	[sflag:s12] =	ssyncadd.s32 $0xFFFFFC00  }
0x2e4: {  	_ =	swait.ge [sflag:s12], $0x400  }
0x2e5: {  	[sflag:s12] =	ssyncset.done $0x0  }
0x2e6: {  	[sflag:s12] =	ssyncadd.s32 $0xFFFFFC00  }
0x2e7: {  	_ =	swait.ge [sflag:s12], $0x400  }
0x2e8: {  	[sflag:s12] =	ssyncset.done $0x0  }
0x2e9: {  	[sflag:s12] =	ssyncadd.s32 $0xFFFFFC00  }
0x2ea: {  	_ =	swait.ge [sflag:s12], $0x400  }
0x2eb: {  	[sflag:s12] =	ssyncset.done $0x0  }
0x2ec: {  	[sflag:s12] =	ssyncadd.s32 $0xFFFFFC00  }
0x2ed: {  	_ =	swait.ge [sflag:s12], $0x400  }
0x2ee: {  	[sflag:s12] =	ssyncset.done $0x0  }
0x2ef: {  	[sflag:s12] =	ssyncadd.s32 $0xFFFFFC00  }
0x2f0: {  	_ =	swait.ge [sflag:s12], $0x400  }
0x2f1: {  	[sflag:s12] =	ssyncset.done $0x0  }
0x2f2: {  	[sflag:s12] =	ssyncadd.s32 $0xFFFFFC00  }
0x2f3: {  	_ =	swait.ge [sflag:s12], $0x400  }
0x2f4: {  	[sflag:s12] =	ssyncset.done $0x0  }
0x2f5: {  	[sflag:s12] =	ssyncadd.s32 $0xFFFFFC00  }
0x2f6: {  	_ =	swait.ge [sflag:s12], $0x400  }
0x2f7: {  	s2 =	rddreg [dreg:$0xa]  }
0x2f8: {  	s0 =	rddreg [dreg:$0x9];
	s2 =	sadd.s32 $0x1, s2  }
0x2f9: {  	p0 =	sne.s32 s2, s0  }
.Ltmp5:
0x2fa: {  	_ = 	snop;
	(pc) =	sbr.rel @p0 .LBB2_1-.Ltmp5, $3  }
0x2fb: {  	_ =	sdelay $0x1  }
0x2fc: {  	[sflag:s12] =	ssyncset.done $0x0  }
0x2fd: {  	[sflag:s12] =	ssyncadd.s32 $0xFFFFFC00  }
0x2fe: {  	_ =	sfence.sel $0x180000  }
0x2ff: {  	[bflag:$0x0] =	sbarrier.arrive $0xFFFF  }
0x300: {  	_ =	strace $0x90000047  }
0x301: {  	s0 =	stileid.u32;
	[bflag:$0x2] =	sbarrier.arrive $0xFFFF  }
0x302: {  	p0 =	sne.s32 s0, $0x0;
	s0 =	rddreg [dreg:$0x2]  }
0x303: {  	s0 =	sadd.s32 @!p0 $0x100000, s0  }
0x304: {  	[sflag:s0] =	ssyncadd.tile.s32 @!p0 $0x1;
	_ =	shalt  }
.Lfunc_end2:
_tile_overlayer_lowered:
.L_overlay_start_2:
0x305: {  	(tag) =	ssettag $0x2  }
0x306: {  	s0 =	rddreg [dreg:$0x0];
	s2 =	stileid.u32  }
0x307: {  	s1 =	rddreg [dreg:$0x1];
	p0 =	sne.s32 s2, $0x0  }
0x308: {  	s3 =	rddreg [dreg:$0x2];
	[bflag:$0x3] =	sbarrier.arrive $0xFFFF;
	s2 =	simm.s32 @!p0 $0x1C03  }
0x309: {  	[timem:s3], [sflag:s2] =	dma.local @!p0 [hbm:s0], s1  }
0x30a: {  	s0 =	simm.s32 @!p0 $0x3  }
0x30b: {  	_ =	swait.ge @!p0 [sflag:s0], s1  }
0x30c: {  	s1 =	ssub.s32 @!p0 $0x0, s1;
	[sflag:s0] =	ssyncset.done @!p0 $0x0  }
0x30d: {  	[sflag:s0] =	ssyncadd.s32 @!p0 s1  }
0x30e: {  	[bflag:$0x3] =	sbarrier.arrive $0xFFFF  }
0x30f: {  	_ =	shalt  }

</sc_bundles>
